<compile_context>
chip_gen: v7x
topology: tpu7x:2x2x1
jax: 0.10.2.dev20260603
libtpu: 0.0.44.dev20260713+nightly
codegen_flags: <defaults>
</compile_context>

<pallas_src>
import dataclasses
import functools

import jax
import jax.numpy as jnp
from jax.experimental import pallas as pl
from jax.experimental.pallas import tpu as pltpu
from jax.experimental.pallas import tpu_sc as plsc

def _no_layout_passes(cp):
    if "needs_layout_passes" in pltpu.CompilerParams.__dataclass_fields__:
        cp = dataclasses.replace(cp, needs_layout_passes=False)
    return cp


_NW = 32
_WIN = 128
_CHUNK = 512
_RPW = _CHUNK // _WIN


def _sc_pack(w_t, w_tail, v_pad):
    F, ED, V = w_t.shape
    vmax = V - 1
    v_main = (vmax // _WIN) * _WIN
    n_main = v_main // _WIN
    tpt = 11
    tw = tpt * _WIN
    gpt = n_main // tpt
    total_main = F * gpt
    iters = (total_main + _NW - 1) // _NW
    mesh = plsc.VectorSubcoreMesh(core_axis_name="core",
                                  subcore_axis_name="subcore")

    @functools.partial(
        pl.kernel,
        out_type=jax.ShapeDtypeStruct((F, v_pad // 8, 8 * ED), jnp.float32),
        mesh=mesh,
        scratch_types=[
            pltpu.VMEM((2, ED, tw), jnp.float32),
            pltpu.VMEM((2, tw * ED // _WIN, _WIN), jnp.float32),
            pltpu.SemaphoreType.DMA,
            pltpu.SemaphoreType.DMA,
            pltpu.SemaphoreType.DMA,
            pltpu.SemaphoreType.DMA,
        ],
        compiler_params=_no_layout_passes(
            pltpu.CompilerParams(use_tc_tiling_on_sc=True)),
    )
    def k(wt_hbm, tail_hbm, o_hbm, ibufs, obufs, si0, si1, so0, so1):
        wid = jax.lax.axis_index("subcore") * 2 + jax.lax.axis_index("core")
        iota = jax.lax.iota(jnp.int32, 16)
        col_base = [jnp.full((16,), kk, jnp.int32) for kk in range(8)]
        col_dst = [kk * ED + iota for kk in range(8)]
        orows = tw * ED // _WIN
        sin = (si0, si1)
        sout = (so0, so1)

        def coords(t):
            t = jnp.minimum(t, total_main - 1)
            return t // gpt, t % gpt

        def in_copy(k_task, b):
            j, g = coords(k_task * _NW + wid)
            return pltpu.make_async_copy(
                wt_hbm.at[j, :, pl.ds(g * tw, tw)], ibufs.at[b], sin[b])

        def out_copy(k_task, b):
            j, g = coords(k_task * _NW + wid)
            return pltpu.make_async_copy(
                obufs.at[b], o_hbm.at[j, pl.ds(g * orows, orows)], sout[b])

        def transpose_cols(ibuf, obuf, n_c8):
            @pl.loop(0, n_c8 // 4)
            def _(c32):
                for pair in range(2):
                    rows, metas = [], []
                    for half in range(2):
                        c8 = c32 * 4 + pair * 2 + half
                        vbase = jnp.full((16,), c8 * 8, jnp.int32)
                        vrow = jnp.full((16,), c8, jnp.int32)
                        for kk in range(8):
                            rows.append(plsc.load_gather(
                                ibuf, [iota, vbase + col_base[kk]]))
                            metas.append((vrow, col_dst[kk]))
                    for row, (vrow, cd) in zip(rows, metas):
                        plsc.store_scatter(obuf, [vrow, cd], row)

        in_copy(0, 0).start()
        in_copy(1, 1).start()

        @pl.loop(0, (iters + 1) // 2)
        def _(m):
            for half in range(2):
                kt = 2 * m + half
                in_copy(kt, half).wait()

                @pl.when(m > 0)
                def _():
                    out_copy(kt - 2, half).wait()

                transpose_cols(ibufs.at[half], obufs.at[half], tw // 8)
                out_copy(kt, half).start()
                in_copy(kt + 2, half).start()

        for half in range(2):
            kt = 2 * ((iters + 1) // 2) + half
            in_copy(kt, half).wait()
            out_copy(kt - 2, half).wait()

        @pl.when(wid < F)
        def _():
            j = wid
            pltpu.sync_copy(tail_hbm.at[j], obufs.at[0, pl.ds(0, 8)])
            pltpu.sync_copy(obufs.at[0, pl.ds(0, 8)],
                            o_hbm.at[j, pl.ds(v_main // 8, 8)])

    return k(w_t, w_tail)


def _sc_embed(x_t, w, *, num_fields, batch, emb_dim):
    mesh = plsc.VectorSubcoreMesh(core_axis_name="core",
                                  subcore_axis_name="subcore")
    num_chunks = batch // _CHUNK
    num_units = num_fields * num_chunks
    units_per_worker = num_units // _NW

    @functools.partial(
        pl.kernel,
        out_type=jax.ShapeDtypeStruct((num_fields * emb_dim // 8,
                                       batch // _WIN, 8, _WIN), jnp.float32),
        mesh=mesh,
        scratch_types=[
            pltpu.VMEM((_RPW, _WIN), jnp.int32),
            pltpu.VMEM((_CHUNK, emb_dim), jnp.float32),
            pltpu.VMEM((2, 4, 8, _WIN), jnp.float32),
            pltpu.SemaphoreType.DMA,
        ],
        compiler_params=_no_layout_passes(
            pltpu.CompilerParams(use_tc_tiling_on_sc=False)),
    )
    def k(x_hbm, w_hbm, o_hbm, idx_v, rows_v, tbuf, sem):
        wid = jax.lax.axis_index("subcore") * 2 + jax.lax.axis_index("core")
        iota = jax.lax.iota(jnp.int32, 16)
        half_c = [jnp.full((16,), fp // 8, jnp.int32) for fp in range(16)]
        sub_c = [jnp.full((16,), fp % 8, jnp.int32) for fp in range(16)]
        feat_c = [jnp.full((16,), fp, jnp.int32) for fp in range(16)]

        @pl.loop(0, units_per_worker)
        def _(t):
            u = t * _NW + wid
            j = u % num_fields
            c = u // num_fields
            pltpu.sync_copy(x_hbm.at[j, pl.ds(c * _RPW, _RPW)], idx_v)
            for r in range(_RPW):
                pltpu.async_copy(
                    w_hbm.at[j].at[idx_v.at[r]],
                    rows_v.at[pl.ds(r * _WIN, _WIN)],
                    sem,
                )
            for r in range(_RPW):
                pltpu.make_async_copy(
                    w_hbm.at[j].at[idx_v.at[r]],
                    rows_v.at[pl.ds(r * _WIN, _WIN)],
                    sem,
                ).wait()

            @pl.loop(0, _CHUNK // 16)
            def _(m):
                vb = jnp.full((16,), m * 16, jnp.int32) + iota
                vtc = jnp.full((16,), m // 8, jnp.int32)
                vcc = jnp.full((16,), (m % 8) * 16, jnp.int32) + iota
                vecs = [plsc.load_gather(rows_v, [vb, feat_c[fp]])
                        for fp in range(16)]
                for fp in range(16):
                    plsc.store_scatter(
                        tbuf, [half_c[fp], vtc, sub_c[fp], vcc], vecs[fp])

            pltpu.sync_copy(tbuf, o_hbm.at[pl.ds(2 * j, 2), pl.ds(4 * c, 4)])

    return k(x_t, w)


@functools.partial(jax.jit, static_argnames=("num_fields", "batch", "emb_dim"))
def _embed_pipeline(x_t, W, *, num_fields, batch, emb_dim):
    V1 = W.shape[1]
    v_pad = ((V1 + 63) // 64) * 64
    v_main = (((V1 - 1) // _WIN) * _WIN)
    tail = jnp.pad(W[:, v_main:, :], ((0, 0), (0, v_main + 64 - V1), (0, 0)))
    w_tail = tail.reshape(num_fields, 8, 8 * emb_dim)
    w_pack = _sc_pack(jnp.transpose(W, (0, 2, 1)), w_tail, v_pad)
    w_lin = w_pack.reshape(num_fields, v_pad, emb_dim)
    return _sc_embed(x_t, w_lin, num_fields=num_fields, batch=batch,
                     emb_dim=emb_dim)


def kernel(x_cat, W):
    B, F = x_cat.shape
    _, _, ED = W.shape
    x_t = jnp.transpose(x_cat).astype(jnp.int32).reshape(F, B // _WIN, _WIN)
    out = _embed_pipeline(x_t, W, num_fields=F, batch=B, emb_dim=ED)
    return out.transpose(1, 3, 0, 2).reshape(B, F * ED)

# --- scband reference (transcript-rebuilt; emitter-appended) ---
"""Pipeline reference for scband-embeddings-19275813225198 (READ-ONLY COPY).

The authoritative reference and input builder live on the scoring server;
editing this copy changes nothing except your own understanding.
"""

import jax, jax.numpy as jnp
import numpy as np

NUM_FIELDS = 26
VOCAB = 100000
EMB_DIM_CAP = 16

def _emb_dim(d):
    return min(EMB_DIM_CAP, int(round(1.6 * d ** 0.56)) + 1)

def setup_inputs(seed: int = 0) -> dict:
    key = jax.random.key(seed)
    k_idx, k_w = jax.random.split(key)
    x_cat = jax.random.randint(k_idx, (16384, NUM_FIELDS), 0, VOCAB, dtype=jnp.int64)
    # All cat_dims are equal, so every table has shape (VOCAB + 1, ed) with ed = min(16, round(1.6*d^0.56)+1) = 16.
    ed = _emb_dim(VOCAB)
    W = jax.random.normal(k_w, (NUM_FIELDS, VOCAB + 1, ed), dtype=jnp.float32)
    return {"x_cat": x_cat, "W": W}

def reference(x_cat, W):
    # Faithful translation of Embeddings.forward: per-field embedding lookup, then concat along feature dim.
    outs = []
    for j in range(NUM_FIELDS):
        outs.append(jnp.take(W[j], x_cat[:, j], axis=0))
    return jnp.concatenate(outs, axis=1)

if __name__ == "__main__":
    import jax
    _d = setup_inputs()
    print(jax.jit(kernel)(*tuple(_d.values())))

</pallas_src>

<mosaic_0001>
#map = affine_map<(d0, d1) -> (0, 0, 0)>
#map1 = affine_map<(d0, d1) -> (0, 0, 0, 0)>
module attributes {stable_mosaic.version = 14 : i64} {
  func.func @k(%arg0: i32, %arg1: i32, %arg2: memref<26x128x128xi32, #tpu.memory_space<hbm>>, %arg3: memref<26x100032x16xf32, #tpu.memory_space<hbm>>, %arg4: memref<52x128x8x128xf32, #tpu.memory_space<hbm>>, %arg5: memref<4x128xi32, #tpu.memory_space<vmem>>, %arg6: memref<512x16xf32, #tpu.memory_space<vmem>>, %arg7: memref<2x4x8x128xf32, #tpu.memory_space<vmem>>, %arg8: memref<!tpu.dma_semaphore, #tpu.memory_space<semaphore_mem>>) attributes {dimension_semantics = [#tpu.dimension_semantics<core_parallel>, #tpu.dimension_semantics<subcore_parallel>], iteration_bounds = array<i64: 2, 16>, scalar_prefetch = 0 : i64, scratch_operands = 4 : i64, tpu.core_type = #tpu.core_type<sc_vector_subcore>, window_params = [{transform_indices = #map}, {transform_indices = #map}, {transform_indices = #map1}]} {
    %mul3A = arith.constant 2 : i32
    %mul3A_0 = arith.muli %arg1, %mul3A : i32
    %add3A = arith.addi %mul3A_0, %arg0 : i32
    %iota3A = tpu.iota {dimensions = array<i32: 0>} : vector<16xi32>
    %broadcast_in_dim3A = arith.constant 0 : i32
    %broadcast_in_dim3A_1 = vector.broadcast %broadcast_in_dim3A : i32 to vector<16xi32>
    %broadcast_in_dim3A_2 = arith.constant 0 : i32
    %broadcast_in_dim3A_3 = vector.broadcast %broadcast_in_dim3A_2 : i32 to vector<16xi32>
    %broadcast_in_dim3A_4 = arith.constant 0 : i32
    %broadcast_in_dim3A_5 = vector.broadcast %broadcast_in_dim3A_4 : i32 to vector<16xi32>
    %broadcast_in_dim3A_6 = arith.constant 0 : i32
    %broadcast_in_dim3A_7 = vector.broadcast %broadcast_in_dim3A_6 : i32 to vector<16xi32>
    %broadcast_in_dim3A_8 = arith.constant 0 : i32
    %broadcast_in_dim3A_9 = vector.broadcast %broadcast_in_dim3A_8 : i32 to vector<16xi32>
    %broadcast_in_dim3A_10 = arith.constant 0 : i32
    %broadcast_in_dim3A_11 = vector.broadcast %broadcast_in_dim3A_10 : i32 to vector<16xi32>
    %broadcast_in_dim3A_12 = arith.constant 0 : i32
    %broadcast_in_dim3A_13 = vector.broadcast %broadcast_in_dim3A_12 : i32 to vector<16xi32>
    %broadcast_in_dim3A_14 = arith.constant 0 : i32
    %broadcast_in_dim3A_15 = vector.broadcast %broadcast_in_dim3A_14 : i32 to vector<16xi32>
    %broadcast_in_dim3A_16 = arith.constant 1 : i32
    %broadcast_in_dim3A_17 = vector.broadcast %broadcast_in_dim3A_16 : i32 to vector<16xi32>
    %broadcast_in_dim3A_18 = arith.constant 1 : i32
    %broadcast_in_dim3A_19 = vector.broadcast %broadcast_in_dim3A_18 : i32 to vector<16xi32>
    %broadcast_in_dim3A_20 = arith.constant 1 : i32
    %broadcast_in_dim3A_21 = vector.broadcast %broadcast_in_dim3A_20 : i32 to vector<16xi32>
    %broadcast_in_dim3A_22 = arith.constant 1 : i32
    %broadcast_in_dim3A_23 = vector.broadcast %broadcast_in_dim3A_22 : i32 to vector<16xi32>
    %broadcast_in_dim3A_24 = arith.constant 1 : i32
    %broadcast_in_dim3A_25 = vector.broadcast %broadcast_in_dim3A_24 : i32 to vector<16xi32>
    %broadcast_in_dim3A_26 = arith.constant 1 : i32
    %broadcast_in_dim3A_27 = vector.broadcast %broadcast_in_dim3A_26 : i32 to vector<16xi32>
    %broadcast_in_dim3A_28 = arith.constant 1 : i32
    %broadcast_in_dim3A_29 = vector.broadcast %broadcast_in_dim3A_28 : i32 to vector<16xi32>
    %broadcast_in_dim3A_30 = arith.constant 1 : i32
    %broadcast_in_dim3A_31 = vector.broadcast %broadcast_in_dim3A_30 : i32 to vector<16xi32>
    %broadcast_in_dim3A_32 = arith.constant 0 : i32
    %broadcast_in_dim3A_33 = vector.broadcast %broadcast_in_dim3A_32 : i32 to vector<16xi32>
    %broadcast_in_dim3A_34 = arith.constant 1 : i32
    %broadcast_in_dim3A_35 = vector.broadcast %broadcast_in_dim3A_34 : i32 to vector<16xi32>
    %broadcast_in_dim3A_36 = arith.constant 2 : i32
    %broadcast_in_dim3A_37 = vector.broadcast %broadcast_in_dim3A_36 : i32 to vector<16xi32>
    %broadcast_in_dim3A_38 = arith.constant 3 : i32
    %broadcast_in_dim3A_39 = vector.broadcast %broadcast_in_dim3A_38 : i32 to vector<16xi32>
    %broadcast_in_dim3A_40 = arith.constant 4 : i32
    %broadcast_in_dim3A_41 = vector.broadcast %broadcast_in_dim3A_40 : i32 to vector<16xi32>
    %broadcast_in_dim3A_42 = arith.constant 5 : i32
    %broadcast_in_dim3A_43 = vector.broadcast %broadcast_in_dim3A_42 : i32 to vector<16xi32>
    %broadcast_in_dim3A_44 = arith.constant 6 : i32
    %broadcast_in_dim3A_45 = vector.broadcast %broadcast_in_dim3A_44 : i32 to vector<16xi32>
    %broadcast_in_dim3A_46 = arith.constant 7 : i32
    %broadcast_in_dim3A_47 = vector.broadcast %broadcast_in_dim3A_46 : i32 to vector<16xi32>
    %broadcast_in_dim3A_48 = arith.constant 0 : i32
    %broadcast_in_dim3A_49 = vector.broadcast %broadcast_in_dim3A_48 : i32 to vector<16xi32>
    %broadcast_in_dim3A_50 = arith.constant 1 : i32
    %broadcast_in_dim3A_51 = vector.broadcast %broadcast_in_dim3A_50 : i32 to vector<16xi32>
    %broadcast_in_dim3A_52 = arith.constant 2 : i32
    %broadcast_in_dim3A_53 = vector.broadcast %broadcast_in_dim3A_52 : i32 to vector<16xi32>
    %broadcast_in_dim3A_54 = arith.constant 3 : i32
    %broadcast_in_dim3A_55 = vector.broadcast %broadcast_in_dim3A_54 : i32 to vector<16xi32>
    %broadcast_in_dim3A_56 = arith.constant 4 : i32
    %broadcast_in_dim3A_57 = vector.broadcast %broadcast_in_dim3A_56 : i32 to vector<16xi32>
    %broadcast_in_dim3A_58 = arith.constant 5 : i32
    %broadcast_in_dim3A_59 = vector.broadcast %broadcast_in_dim3A_58 : i32 to vector<16xi32>
    %broadcast_in_dim3A_60 = arith.constant 6 : i32
    %broadcast_in_dim3A_61 = vector.broadcast %broadcast_in_dim3A_60 : i32 to vector<16xi32>
    %broadcast_in_dim3A_62 = arith.constant 7 : i32
    %broadcast_in_dim3A_63 = vector.broadcast %broadcast_in_dim3A_62 : i32 to vector<16xi32>
    %broadcast_in_dim3A_64 = arith.constant 0 : i32
    %broadcast_in_dim3A_65 = vector.broadcast %broadcast_in_dim3A_64 : i32 to vector<16xi32>
    %broadcast_in_dim3A_66 = arith.constant 1 : i32
    %broadcast_in_dim3A_67 = vector.broadcast %broadcast_in_dim3A_66 : i32 to vector<16xi32>
    %broadcast_in_dim3A_68 = arith.constant 2 : i32
    %broadcast_in_dim3A_69 = vector.broadcast %broadcast_in_dim3A_68 : i32 to vector<16xi32>
    %broadcast_in_dim3A_70 = arith.constant 3 : i32
    %broadcast_in_dim3A_71 = vector.broadcast %broadcast_in_dim3A_70 : i32 to vector<16xi32>
    %broadcast_in_dim3A_72 = arith.constant 4 : i32
    %broadcast_in_dim3A_73 = vector.broadcast %broadcast_in_dim3A_72 : i32 to vector<16xi32>
    %broadcast_in_dim3A_74 = arith.constant 5 : i32
    %broadcast_in_dim3A_75 = vector.broadcast %broadcast_in_dim3A_74 : i32 to vector<16xi32>
    %broadcast_in_dim3A_76 = arith.constant 6 : i32
    %broadcast_in_dim3A_77 = vector.broadcast %broadcast_in_dim3A_76 : i32 to vector<16xi32>
    %broadcast_in_dim3A_78 = arith.constant 7 : i32
    %broadcast_in_dim3A_79 = vector.broadcast %broadcast_in_dim3A_78 : i32 to vector<16xi32>
    %broadcast_in_dim3A_80 = arith.constant 8 : i32
    %broadcast_in_dim3A_81 = vector.broadcast %broadcast_in_dim3A_80 : i32 to vector<16xi32>
    %broadcast_in_dim3A_82 = arith.constant 9 : i32
    %broadcast_in_dim3A_83 = vector.broadcast %broadcast_in_dim3A_82 : i32 to vector<16xi32>
    %broadcast_in_dim3A_84 = arith.constant 10 : i32
    %broadcast_in_dim3A_85 = vector.broadcast %broadcast_in_dim3A_84 : i32 to vector<16xi32>
    %broadcast_in_dim3A_86 = arith.constant 11 : i32
    %broadcast_in_dim3A_87 = vector.broadcast %broadcast_in_dim3A_86 : i32 to vector<16xi32>
    %broadcast_in_dim3A_88 = arith.constant 12 : i32
    %broadcast_in_dim3A_89 = vector.broadcast %broadcast_in_dim3A_88 : i32 to vector<16xi32>
    %broadcast_in_dim3A_90 = arith.constant 13 : i32
    %broadcast_in_dim3A_91 = vector.broadcast %broadcast_in_dim3A_90 : i32 to vector<16xi32>
    %broadcast_in_dim3A_92 = arith.constant 14 : i32
    %broadcast_in_dim3A_93 = vector.broadcast %broadcast_in_dim3A_92 : i32 to vector<16xi32>
    %broadcast_in_dim3A_94 = arith.constant 15 : i32
    %broadcast_in_dim3A_95 = vector.broadcast %broadcast_in_dim3A_94 : i32 to vector<16xi32>
    %scan3A = arith.constant 0 : i32
    %scan3A_96 = arith.constant 26 : i32
    %scan3A_97 = arith.addi %scan3A, %scan3A_96 : i32
    %scan3A_98 = arith.constant 1 : i32
    scf.for %scan3A_100 = %scan3A to %scan3A_97 step %scan3A_98  : i32 {
      %mul3A_101 = arith.constant 1 : i32
      %mul3A_102 = arith.muli %scan3A_100, %mul3A_101 : i32
      %add3A_103 = arith.constant 0 : i32
      %add3A_104 = arith.addi %add3A_103, %mul3A_102 : i32
      %mul3A_105 = arith.constant 32 : i32
      %mul3A_106 = arith.muli %add3A_104, %mul3A_105 : i32
      %add3A_107 = arith.addi %mul3A_106, %add3A : i32
      %jit3A = arith.constant 26 : i32
      %eq3A = arith.constant 0 : i32
      %eq3A_108 = arith.cmpi eq, %jit3A, %eq3A : i32
      %jit3A_109 = arith.constant 1 : i32
      %select_n3A = arith.select %eq3A_108, %jit3A_109, %jit3A : i32
      %rem3A = arith.remsi %add3A_107, %select_n3A : i32
      %ne3A = arith.constant 0 : i32
      %ne3A_110 = arith.cmpi ne, %rem3A, %ne3A : i32
      %lt3A = arith.constant 0 : i32
      %lt3A_111 = arith.cmpi slt, %rem3A, %lt3A : i32
      %lt3A_112 = arith.constant 0 : i32
      %lt3A_113 = arith.cmpi slt, %select_n3A, %lt3A_112 : i32
      %ne3A_114 = arith.xori %lt3A_111, %lt3A_113 : i1
      %and3A = arith.andi %ne3A_114, %ne3A_110 : i1
      %add3A_115 = arith.addi %rem3A, %select_n3A : i32
      %select_n3A_116 = arith.select %and3A, %add3A_115, %rem3A : i32
      %jit3A_117 = arith.constant 26 : i32
      %div3A = arith.divsi %add3A_107, %jit3A_117 : i32
      %sign3A = arith.constant 0 : i32
      %sign3A_118 = arith.cmpi sgt, %add3A_107, %sign3A : i32
      %sign3A_119 = arith.extui %sign3A_118 : i1 to i32
      %sign3A_120 = arith.constant 0 : i32
      %sign3A_121 = arith.cmpi slt, %add3A_107, %sign3A_120 : i32
      %sign3A_122 = arith.extui %sign3A_121 : i1 to i32
      %sign3A_123 = arith.subi %sign3A_119, %sign3A_122 : i32
      %sign3A_124 = arith.constant 0 : i32
      %sign3A_125 = arith.cmpi sgt, %jit3A_117, %sign3A_124 : i32
      %sign3A_126 = arith.extui %sign3A_125 : i1 to i32
      %sign3A_127 = arith.constant 0 : i32
      %sign3A_128 = arith.cmpi slt, %jit3A_117, %sign3A_127 : i32
      %sign3A_129 = arith.extui %sign3A_128 : i1 to i32
      %sign3A_130 = arith.subi %sign3A_126, %sign3A_129 : i32
      %ne3A_131 = arith.cmpi ne, %sign3A_123, %sign3A_130 : i32
      %rem3A_132 = arith.remsi %add3A_107, %jit3A_117 : i32
      %ne3A_133 = arith.constant 0 : i32
      %ne3A_134 = arith.cmpi ne, %rem3A_132, %ne3A_133 : i32
      %and3A_135 = arith.andi %ne3A_131, %ne3A_134 : i1
      %sub3A = arith.constant 1 : i32
      %sub3A_136 = arith.subi %div3A, %sub3A : i32
      %select_n3A_137 = arith.select %and3A_135, %sub3A_136, %div3A : i32
      %mul3A_138 = arith.constant 4 : i32
      %mul3A_139 = arith.muli %select_n3A_137, %mul3A_138 : i32
      "tpu.region"() ({
        %run_scoped3A = tpu.sem_alloc : memref<!tpu.dma_semaphore, #tpu.memory_space<semaphore_mem>>
        %dma_start3A_259 = arith.constant 0 : i32
        %dma_start3A_260 = tpu.memref_slice %arg2[%select_n3A_116, %mul3A_139, %dma_start3A_259] : memref<26x128x128xi32, #tpu.memory_space<hbm>> -> memref<1x4x128xi32, #tpu.memory_space<hbm>>
        %dma_start3A_261 = tpu.memref_squeeze %dma_start3A_260 : memref<1x4x128xi32, #tpu.memory_space<hbm>> -> memref<4x128xi32, #tpu.memory_space<hbm>>
        %dma_start3A_262 = arith.constant 0 : i32
        %dma_start3A_263 = tpu.memref_slice %arg2[%select_n3A_116, %mul3A_139, %dma_start3A_262] : memref<26x128x128xi32, #tpu.memory_space<hbm>> -> memref<1x4x128xi32, #tpu.memory_space<hbm>>
        %dma_start3A_264 = tpu.memref_squeeze %dma_start3A_263 : memref<1x4x128xi32, #tpu.memory_space<hbm>> -> memref<4x128xi32, #tpu.memory_space<hbm>>
        tpu.enqueue_dma source(%dma_start3A_264 : memref<4x128xi32, #tpu.memory_space<hbm>>) target(%arg5 : memref<4x128xi32, #tpu.memory_space<vmem>>) target_semaphore(%run_scoped3A : memref<!tpu.dma_semaphore, #tpu.memory_space<semaphore_mem>>)
        %dma_wait3A_265 = arith.constant 0 : i32
        %dma_wait3A_266 = tpu.memref_slice %arg2[%select_n3A_116, %mul3A_139, %dma_wait3A_265] : memref<26x128x128xi32, #tpu.memory_space<hbm>> -> memref<1x4x128xi32, #tpu.memory_space<hbm>>
        %dma_wait3A_267 = tpu.memref_squeeze %dma_wait3A_266 : memref<1x4x128xi32, #tpu.memory_space<hbm>> -> memref<4x128xi32, #tpu.memory_space<hbm>>
        %dma_wait3A_268 = arith.constant 0 : i32
        %dma_wait3A_269 = tpu.memref_slice %arg2[%select_n3A_116, %mul3A_139, %dma_wait3A_268] : memref<26x128x128xi32, #tpu.memory_space<hbm>> -> memref<1x4x128xi32, #tpu.memory_space<hbm>>
        %dma_wait3A_270 = tpu.memref_squeeze %dma_wait3A_269 : memref<1x4x128xi32, #tpu.memory_space<hbm>> -> memref<4x128xi32, #tpu.memory_space<hbm>>
        tpu.wait_dma2 semaphore(%run_scoped3A : memref<!tpu.dma_semaphore, #tpu.memory_space<semaphore_mem>>) src(%dma_wait3A_270 : memref<4x128xi32, #tpu.memory_space<hbm>>) dst(%arg5 : memref<4x128xi32, #tpu.memory_space<vmem>>)
        tpu.yield
      }) : () -> ()
      %dma_start3A = arith.constant 0 : i32
      %dma_start3A_140 = arith.constant 0 : i32
      %dma_start3A_141 = arith.constant 0 : i32
      %dma_start3A_142 = tpu.memref_slice %arg6[%dma_start3A_140, %dma_start3A_141] : memref<512x16xf32, #tpu.memory_space<vmem>> -> memref<128x16xf32, #tpu.memory_space<vmem>>
      %dma_start3A_143 = arith.constant 0 : i32
      %dma_start3A_144 = tpu.memref_slice %arg5[%dma_start3A, %dma_start3A_143] : memref<4x128xi32, #tpu.memory_space<vmem>> -> memref<1x128xi32, #tpu.memory_space<vmem>>
      %dma_start3A_145 = tpu.memref_squeeze %dma_start3A_144 : memref<1x128xi32, #tpu.memory_space<vmem>> -> memref<128xi32, #tpu.memory_space<vmem>>
      %dma_start3A_146 = arith.constant 0 : i32
      %dma_start3A_147 = arith.constant 0 : i32
      %dma_start3A_148 = tpu.memref_slice %arg3[%select_n3A_116, %dma_start3A_146, %dma_start3A_147] : memref<26x100032x16xf32, #tpu.memory_space<hbm>> -> memref<1x100032x16xf32, #tpu.memory_space<hbm>>
      %dma_start3A_149 = tpu.memref_squeeze %dma_start3A_148 : memref<1x100032x16xf32, #tpu.memory_space<hbm>> -> memref<100032x16xf32, #tpu.memory_space<hbm>>
      %dma_start3A_150 = arith.constant 0 : i32
      %dma_start3A_151 = arith.constant 0 : i32
      %dma_start3A_152 = tpu.memref_slice %dma_start3A_149[%dma_start3A_150, %dma_start3A_151] : memref<100032x16xf32, #tpu.memory_space<hbm>> -> memref<100032x16xf32, #tpu.memory_space<hbm>>
      tpu.enqueue_indirect_dma source(%dma_start3A_152 : memref<100032x16xf32, #tpu.memory_space<hbm>>) target(%dma_start3A_142 : memref<128x16xf32, #tpu.memory_space<vmem>>) offsets(%dma_start3A_145 : memref<128xi32, #tpu.memory_space<vmem>>) semaphore(%arg8 : memref<!tpu.dma_semaphore, #tpu.memory_space<semaphore_mem>>)
      %dma_start3A_153 = arith.constant 1 : i32
      %dma_start3A_154 = arith.constant 128 : i32
      %dma_start3A_155 = arith.constant 0 : i32
      %dma_start3A_156 = tpu.memref_slice %arg6[%dma_start3A_154, %dma_start3A_155] : memref<512x16xf32, #tpu.memory_space<vmem>> -> memref<128x16xf32, #tpu.memory_space<vmem>>
      %dma_start3A_157 = arith.constant 0 : i32
      %dma_start3A_158 = tpu.memref_slice %arg5[%dma_start3A_153, %dma_start3A_157] : memref<4x128xi32, #tpu.memory_space<vmem>> -> memref<1x128xi32, #tpu.memory_space<vmem>>
      %dma_start3A_159 = tpu.memref_squeeze %dma_start3A_158 : memref<1x128xi32, #tpu.memory_space<vmem>> -> memref<128xi32, #tpu.memory_space<vmem>>
      %dma_start3A_160 = arith.constant 0 : i32
      %dma_start3A_161 = arith.constant 0 : i32
      %dma_start3A_162 = tpu.memref_slice %arg3[%select_n3A_116, %dma_start3A_160, %dma_start3A_161] : memref<26x100032x16xf32, #tpu.memory_space<hbm>> -> memref<1x100032x16xf32, #tpu.memory_space<hbm>>
      %dma_start3A_163 = tpu.memref_squeeze %dma_start3A_162 : memref<1x100032x16xf32, #tpu.memory_space<hbm>> -> memref<100032x16xf32, #tpu.memory_space<hbm>>
      %dma_start3A_164 = arith.constant 0 : i32
      %dma_start3A_165 = arith.constant 0 : i32
      %dma_start3A_166 = tpu.memref_slice %dma_start3A_163[%dma_start3A_164, %dma_start3A_165] : memref<100032x16xf32, #tpu.memory_space<hbm>> -> memref<100032x16xf32, #tpu.memory_space<hbm>>
      tpu.enqueue_indirect_dma source(%dma_start3A_166 : memref<100032x16xf32, #tpu.memory_space<hbm>>) target(%dma_start3A_156 : memref<128x16xf32, #tpu.memory_space<vmem>>) offsets(%dma_start3A_159 : memref<128xi32, #tpu.memory_space<vmem>>) semaphore(%arg8 : memref<!tpu.dma_semaphore, #tpu.memory_space<semaphore_mem>>)
      %dma_start3A_167 = arith.constant 2 : i32
      %dma_start3A_168 = arith.constant 256 : i32
      %dma_start3A_169 = arith.constant 0 : i32
      %dma_start3A_170 = tpu.memref_slice %arg6[%dma_start3A_168, %dma_start3A_169] : memref<512x16xf32, #tpu.memory_space<vmem>> -> memref<128x16xf32, #tpu.memory_space<vmem>>
      %dma_start3A_171 = arith.constant 0 : i32
      %dma_start3A_172 = tpu.memref_slice %arg5[%dma_start3A_167, %dma_start3A_171] : memref<4x128xi32, #tpu.memory_space<vmem>> -> memref<1x128xi32, #tpu.memory_space<vmem>>
      %dma_start3A_173 = tpu.memref_squeeze %dma_start3A_172 : memref<1x128xi32, #tpu.memory_space<vmem>> -> memref<128xi32, #tpu.memory_space<vmem>>
      %dma_start3A_174 = arith.constant 0 : i32
      %dma_start3A_175 = arith.constant 0 : i32
      %dma_start3A_176 = tpu.memref_slice %arg3[%select_n3A_116, %dma_start3A_174, %dma_start3A_175] : memref<26x100032x16xf32, #tpu.memory_space<hbm>> -> memref<1x100032x16xf32, #tpu.memory_space<hbm>>
      %dma_start3A_177 = tpu.memref_squeeze %dma_start3A_176 : memref<1x100032x16xf32, #tpu.memory_space<hbm>> -> memref<100032x16xf32, #tpu.memory_space<hbm>>
      %dma_start3A_178 = arith.constant 0 : i32
      %dma_start3A_179 = arith.constant 0 : i32
      %dma_start3A_180 = tpu.memref_slice %dma_start3A_177[%dma_start3A_178, %dma_start3A_179] : memref<100032x16xf32, #tpu.memory_space<hbm>> -> memref<100032x16xf32, #tpu.memory_space<hbm>>
      tpu.enqueue_indirect_dma source(%dma_start3A_180 : memref<100032x16xf32, #tpu.memory_space<hbm>>) target(%dma_start3A_170 : memref<128x16xf32, #tpu.memory_space<vmem>>) offsets(%dma_start3A_173 : memref<128xi32, #tpu.memory_space<vmem>>) semaphore(%arg8 : memref<!tpu.dma_semaphore, #tpu.memory_space<semaphore_mem>>)
      %dma_start3A_181 = arith.constant 3 : i32
      %dma_start3A_182 = arith.constant 384 : i32
      %dma_start3A_183 = arith.constant 0 : i32
      %dma_start3A_184 = tpu.memref_slice %arg6[%dma_start3A_182, %dma_start3A_183] : memref<512x16xf32, #tpu.memory_space<vmem>> -> memref<128x16xf32, #tpu.memory_space<vmem>>
      %dma_start3A_185 = arith.constant 0 : i32
      %dma_start3A_186 = tpu.memref_slice %arg5[%dma_start3A_181, %dma_start3A_185] : memref<4x128xi32, #tpu.memory_space<vmem>> -> memref<1x128xi32, #tpu.memory_space<vmem>>
      %dma_start3A_187 = tpu.memref_squeeze %dma_start3A_186 : memref<1x128xi32, #tpu.memory_space<vmem>> -> memref<128xi32, #tpu.memory_space<vmem>>
      %dma_start3A_188 = arith.constant 0 : i32
      %dma_start3A_189 = arith.constant 0 : i32
      %dma_start3A_190 = tpu.memref_slice %arg3[%select_n3A_116, %dma_start3A_188, %dma_start3A_189] : memref<26x100032x16xf32, #tpu.memory_space<hbm>> -> memref<1x100032x16xf32, #tpu.memory_space<hbm>>
      %dma_start3A_191 = tpu.memref_squeeze %dma_start3A_190 : memref<1x100032x16xf32, #tpu.memory_space<hbm>> -> memref<100032x16xf32, #tpu.memory_space<hbm>>
      %dma_start3A_192 = arith.constant 0 : i32
      %dma_start3A_193 = arith.constant 0 : i32
      %dma_start3A_194 = tpu.memref_slice %dma_start3A_191[%dma_start3A_192, %dma_start3A_193] : memref<100032x16xf32, #tpu.memory_space<hbm>> -> memref<100032x16xf32, #tpu.memory_space<hbm>>
      tpu.enqueue_indirect_dma source(%dma_start3A_194 : memref<100032x16xf32, #tpu.memory_space<hbm>>) target(%dma_start3A_184 : memref<128x16xf32, #tpu.memory_space<vmem>>) offsets(%dma_start3A_187 : memref<128xi32, #tpu.memory_space<vmem>>) semaphore(%arg8 : memref<!tpu.dma_semaphore, #tpu.memory_space<semaphore_mem>>)
      %dma_wait3A = arith.constant 0 : i32
      %dma_wait3A_195 = arith.constant 0 : i32
      %dma_wait3A_196 = arith.constant 0 : i32
      %dma_wait3A_197 = tpu.memref_slice %arg6[%dma_wait3A_195, %dma_wait3A_196] : memref<512x16xf32, #tpu.memory_space<vmem>> -> memref<128x16xf32, #tpu.memory_space<vmem>>
      %dma_wait3A_198 = arith.constant 0 : i32
      %dma_wait3A_199 = tpu.memref_slice %arg5[%dma_wait3A, %dma_wait3A_198] : memref<4x128xi32, #tpu.memory_space<vmem>> -> memref<1x128xi32, #tpu.memory_space<vmem>>
      %dma_wait3A_200 = tpu.memref_squeeze %dma_wait3A_199 : memref<1x128xi32, #tpu.memory_space<vmem>> -> memref<128xi32, #tpu.memory_space<vmem>>
      %dma_wait3A_201 = arith.constant 0 : i32
      %dma_wait3A_202 = arith.constant 0 : i32
      %dma_wait3A_203 = tpu.memref_slice %arg3[%select_n3A_116, %dma_wait3A_201, %dma_wait3A_202] : memref<26x100032x16xf32, #tpu.memory_space<hbm>> -> memref<1x100032x16xf32, #tpu.memory_space<hbm>>
      %dma_wait3A_204 = tpu.memref_squeeze %dma_wait3A_203 : memref<1x100032x16xf32, #tpu.memory_space<hbm>> -> memref<100032x16xf32, #tpu.memory_space<hbm>>
      %dma_wait3A_205 = arith.constant 0 : i32
      %dma_wait3A_206 = arith.constant 0 : i32
      %dma_wait3A_207 = tpu.memref_slice %dma_wait3A_204[%dma_wait3A_205, %dma_wait3A_206] : memref<100032x16xf32, #tpu.memory_space<hbm>> -> memref<100032x16xf32, #tpu.memory_space<hbm>>
      tpu.wait_indirect_dma semaphore(%arg8 : memref<!tpu.dma_semaphore, #tpu.memory_space<semaphore_mem>>) src(%dma_wait3A_207 : memref<100032x16xf32, #tpu.memory_space<hbm>>) dst(%dma_wait3A_197 : memref<128x16xf32, #tpu.memory_space<vmem>>)
      %dma_wait3A_208 = arith.constant 1 : i32
      %dma_wait3A_209 = arith.constant 128 : i32
      %dma_wait3A_210 = arith.constant 0 : i32
      %dma_wait3A_211 = tpu.memref_slice %arg6[%dma_wait3A_209, %dma_wait3A_210] : memref<512x16xf32, #tpu.memory_space<vmem>> -> memref<128x16xf32, #tpu.memory_space<vmem>>
      %dma_wait3A_212 = arith.constant 0 : i32
      %dma_wait3A_213 = tpu.memref_slice %arg5[%dma_wait3A_208, %dma_wait3A_212] : memref<4x128xi32, #tpu.memory_space<vmem>> -> memref<1x128xi32, #tpu.memory_space<vmem>>
      %dma_wait3A_214 = tpu.memref_squeeze %dma_wait3A_213 : memref<1x128xi32, #tpu.memory_space<vmem>> -> memref<128xi32, #tpu.memory_space<vmem>>
      %dma_wait3A_215 = arith.constant 0 : i32
      %dma_wait3A_216 = arith.constant 0 : i32
      %dma_wait3A_217 = tpu.memref_slice %arg3[%select_n3A_116, %dma_wait3A_215, %dma_wait3A_216] : memref<26x100032x16xf32, #tpu.memory_space<hbm>> -> memref<1x100032x16xf32, #tpu.memory_space<hbm>>
      %dma_wait3A_218 = tpu.memref_squeeze %dma_wait3A_217 : memref<1x100032x16xf32, #tpu.memory_space<hbm>> -> memref<100032x16xf32, #tpu.memory_space<hbm>>
      %dma_wait3A_219 = arith.constant 0 : i32
      %dma_wait3A_220 = arith.constant 0 : i32
      %dma_wait3A_221 = tpu.memref_slice %dma_wait3A_218[%dma_wait3A_219, %dma_wait3A_220] : memref<100032x16xf32, #tpu.memory_space<hbm>> -> memref<100032x16xf32, #tpu.memory_space<hbm>>
      tpu.wait_indirect_dma semaphore(%arg8 : memref<!tpu.dma_semaphore, #tpu.memory_space<semaphore_mem>>) src(%dma_wait3A_221 : memref<100032x16xf32, #tpu.memory_space<hbm>>) dst(%dma_wait3A_211 : memref<128x16xf32, #tpu.memory_space<vmem>>)
      %dma_wait3A_222 = arith.constant 2 : i32
      %dma_wait3A_223 = arith.constant 256 : i32
      %dma_wait3A_224 = arith.constant 0 : i32
      %dma_wait3A_225 = tpu.memref_slice %arg6[%dma_wait3A_223, %dma_wait3A_224] : memref<512x16xf32, #tpu.memory_space<vmem>> -> memref<128x16xf32, #tpu.memory_space<vmem>>
      %dma_wait3A_226 = arith.constant 0 : i32
      %dma_wait3A_227 = tpu.memref_slice %arg5[%dma_wait3A_222, %dma_wait3A_226] : memref<4x128xi32, #tpu.memory_space<vmem>> -> memref<1x128xi32, #tpu.memory_space<vmem>>
      %dma_wait3A_228 = tpu.memref_squeeze %dma_wait3A_227 : memref<1x128xi32, #tpu.memory_space<vmem>> -> memref<128xi32, #tpu.memory_space<vmem>>
      %dma_wait3A_229 = arith.constant 0 : i32
      %dma_wait3A_230 = arith.constant 0 : i32
      %dma_wait3A_231 = tpu.memref_slice %arg3[%select_n3A_116, %dma_wait3A_229, %dma_wait3A_230] : memref<26x100032x16xf32, #tpu.memory_space<hbm>> -> memref<1x100032x16xf32, #tpu.memory_space<hbm>>
      %dma_wait3A_232 = tpu.memref_squeeze %dma_wait3A_231 : memref<1x100032x16xf32, #tpu.memory_space<hbm>> -> memref<100032x16xf32, #tpu.memory_space<hbm>>
      %dma_wait3A_233 = arith.constant 0 : i32
      %dma_wait3A_234 = arith.constant 0 : i32
      %dma_wait3A_235 = tpu.memref_slice %dma_wait3A_232[%dma_wait3A_233, %dma_wait3A_234] : memref<100032x16xf32, #tpu.memory_space<hbm>> -> memref<100032x16xf32, #tpu.memory_space<hbm>>
      tpu.wait_indirect_dma semaphore(%arg8 : memref<!tpu.dma_semaphore, #tpu.memory_space<semaphore_mem>>) src(%dma_wait3A_235 : memref<100032x16xf32, #tpu.memory_space<hbm>>) dst(%dma_wait3A_225 : memref<128x16xf32, #tpu.memory_space<vmem>>)
      %dma_wait3A_236 = arith.constant 3 : i32
      %dma_wait3A_237 = arith.constant 384 : i32
      %dma_wait3A_238 = arith.constant 0 : i32
      %dma_wait3A_239 = tpu.memref_slice %arg6[%dma_wait3A_237, %dma_wait3A_238] : memref<512x16xf32, #tpu.memory_space<vmem>> -> memref<128x16xf32, #tpu.memory_space<vmem>>
      %dma_wait3A_240 = arith.constant 0 : i32
      %dma_wait3A_241 = tpu.memref_slice %arg5[%dma_wait3A_236, %dma_wait3A_240] : memref<4x128xi32, #tpu.memory_space<vmem>> -> memref<1x128xi32, #tpu.memory_space<vmem>>
      %dma_wait3A_242 = tpu.memref_squeeze %dma_wait3A_241 : memref<1x128xi32, #tpu.memory_space<vmem>> -> memref<128xi32, #tpu.memory_space<vmem>>
      %dma_wait3A_243 = arith.constant 0 : i32
      %dma_wait3A_244 = arith.constant 0 : i32
      %dma_wait3A_245 = tpu.memref_slice %arg3[%select_n3A_116, %dma_wait3A_243, %dma_wait3A_244] : memref<26x100032x16xf32, #tpu.memory_space<hbm>> -> memref<1x100032x16xf32, #tpu.memory_space<hbm>>
      %dma_wait3A_246 = tpu.memref_squeeze %dma_wait3A_245 : memref<1x100032x16xf32, #tpu.memory_space<hbm>> -> memref<100032x16xf32, #tpu.memory_space<hbm>>
      %dma_wait3A_247 = arith.constant 0 : i32
      %dma_wait3A_248 = arith.constant 0 : i32
      %dma_wait3A_249 = tpu.memref_slice %dma_wait3A_246[%dma_wait3A_247, %dma_wait3A_248] : memref<100032x16xf32, #tpu.memory_space<hbm>> -> memref<100032x16xf32, #tpu.memory_space<hbm>>
      tpu.wait_indirect_dma semaphore(%arg8 : memref<!tpu.dma_semaphore, #tpu.memory_space<semaphore_mem>>) src(%dma_wait3A_249 : memref<100032x16xf32, #tpu.memory_space<hbm>>) dst(%dma_wait3A_239 : memref<128x16xf32, #tpu.memory_space<vmem>>)
      %scan3A_250 = arith.constant 0 : i32
      %scan3A_251 = arith.constant 32 : i32
      %scan3A_252 = arith.addi %scan3A_250, %scan3A_251 : i32
      %scan3A_253 = arith.constant 1 : i32
      scf.for %scan3A_259 = %scan3A_250 to %scan3A_252 step %scan3A_253  : i32 {
        %mul3A_260 = arith.constant 1 : i32
        %mul3A_261 = arith.muli %scan3A_259, %mul3A_260 : i32
        %add3A_262 = arith.constant 0 : i32
        %add3A_263 = arith.addi %add3A_262, %mul3A_261 : i32
        %mul3A_264 = arith.constant 16 : i32
        %mul3A_265 = arith.muli %add3A_263, %mul3A_264 : i32
        %broadcast_in_dim3A_266 = vector.broadcast %mul3A_265 : i32 to vector<16xi32>
        %add3A_267 = arith.addi %broadcast_in_dim3A_266, %iota3A : vector<16xi32>
        %jit3A_268 = arith.constant 8 : i32
        %div3A_269 = arith.divsi %add3A_263, %jit3A_268 : i32
        %sign3A_270 = arith.constant 0 : i32
        %sign3A_271 = arith.cmpi sgt, %add3A_263, %sign3A_270 : i32
        %sign3A_272 = arith.extui %sign3A_271 : i1 to i32
        %sign3A_273 = arith.constant 0 : i32
        %sign3A_274 = arith.cmpi slt, %add3A_263, %sign3A_273 : i32
        %sign3A_275 = arith.extui %sign3A_274 : i1 to i32
        %sign3A_276 = arith.subi %sign3A_272, %sign3A_275 : i32
        %sign3A_277 = arith.constant 0 : i32
        %sign3A_278 = arith.cmpi sgt, %jit3A_268, %sign3A_277 : i32
        %sign3A_279 = arith.extui %sign3A_278 : i1 to i32
        %sign3A_280 = arith.constant 0 : i32
        %sign3A_281 = arith.cmpi slt, %jit3A_268, %sign3A_280 : i32
        %sign3A_282 = arith.extui %sign3A_281 : i1 to i32
        %sign3A_283 = arith.subi %sign3A_279, %sign3A_282 : i32
        %ne3A_284 = arith.cmpi ne, %sign3A_276, %sign3A_283 : i32
        %rem3A_285 = arith.remsi %add3A_263, %jit3A_268 : i32
        %ne3A_286 = arith.constant 0 : i32
        %ne3A_287 = arith.cmpi ne, %rem3A_285, %ne3A_286 : i32
        %and3A_288 = arith.andi %ne3A_284, %ne3A_287 : i1
        %sub3A_289 = arith.constant 1 : i32
        %sub3A_290 = arith.subi %div3A_269, %sub3A_289 : i32
        %select_n3A_291 = arith.select %and3A_288, %sub3A_290, %div3A_269 : i32
        %broadcast_in_dim3A_292 = vector.broadcast %select_n3A_291 : i32 to vector<16xi32>
        %jit3A_293 = arith.constant 8 : i32
        %eq3A_294 = arith.constant 0 : i32
        %eq3A_295 = arith.cmpi eq, %jit3A_293, %eq3A_294 : i32
        %jit3A_296 = arith.constant 1 : i32
        %select_n3A_297 = arith.select %eq3A_295, %jit3A_296, %jit3A_293 : i32
        %rem3A_298 = arith.remsi %add3A_263, %select_n3A_297 : i32
        %ne3A_299 = arith.constant 0 : i32
        %ne3A_300 = arith.cmpi ne, %rem3A_298, %ne3A_299 : i32
        %lt3A_301 = arith.constant 0 : i32
        %lt3A_302 = arith.cmpi slt, %rem3A_298, %lt3A_301 : i32
        %lt3A_303 = arith.constant 0 : i32
        %lt3A_304 = arith.cmpi slt, %select_n3A_297, %lt3A_303 : i32
        %ne3A_305 = arith.xori %lt3A_302, %lt3A_304 : i1
        %and3A_306 = arith.andi %ne3A_305, %ne3A_300 : i1
        %add3A_307 = arith.addi %rem3A_298, %select_n3A_297 : i32
        %select_n3A_308 = arith.select %and3A_306, %add3A_307, %rem3A_298 : i32
        %mul3A_309 = arith.constant 16 : i32
        %mul3A_310 = arith.muli %select_n3A_308, %mul3A_309 : i32
        %broadcast_in_dim3A_311 = vector.broadcast %mul3A_310 : i32 to vector<16xi32>
        %add3A_312 = arith.addi %broadcast_in_dim3A_311, %iota3A : vector<16xi32>
        %gather3A = tpu.vector_load_idx %arg6[%add3A_267, %broadcast_in_dim3A_65] : memref<512x16xf32, #tpu.memory_space<vmem>>[vector<16xi32>, vector<16xi32>], vector<16xf32>,
        %gather3A_313 = tpu.vector_load_idx %arg6[%add3A_267, %broadcast_in_dim3A_67] : memref<512x16xf32, #tpu.memory_space<vmem>>[vector<16xi32>, vector<16xi32>], vector<16xf32>,
        %gather3A_314 = tpu.vector_load_idx %arg6[%add3A_267, %broadcast_in_dim3A_69] : memref<512x16xf32, #tpu.memory_space<vmem>>[vector<16xi32>, vector<16xi32>], vector<16xf32>,
        %gather3A_315 = tpu.vector_load_idx %arg6[%add3A_267, %broadcast_in_dim3A_71] : memref<512x16xf32, #tpu.memory_space<vmem>>[vector<16xi32>, vector<16xi32>], vector<16xf32>,
        %gather3A_316 = tpu.vector_load_idx %arg6[%add3A_267, %broadcast_in_dim3A_73] : memref<512x16xf32, #tpu.memory_space<vmem>>[vector<16xi32>, vector<16xi32>], vector<16xf32>,
        %gather3A_317 = tpu.vector_load_idx %arg6[%add3A_267, %broadcast_in_dim3A_75] : memref<512x16xf32, #tpu.memory_space<vmem>>[vector<16xi32>, vector<16xi32>], vector<16xf32>,
        %gather3A_318 = tpu.vector_load_idx %arg6[%add3A_267, %broadcast_in_dim3A_77] : memref<512x16xf32, #tpu.memory_space<vmem>>[vector<16xi32>, vector<16xi32>], vector<16xf32>,
        %gather3A_319 = tpu.vector_load_idx %arg6[%add3A_267, %broadcast_in_dim3A_79] : memref<512x16xf32, #tpu.memory_space<vmem>>[vector<16xi32>, vector<16xi32>], vector<16xf32>,
        %gather3A_320 = tpu.vector_load_idx %arg6[%add3A_267, %broadcast_in_dim3A_81] : memref<512x16xf32, #tpu.memory_space<vmem>>[vector<16xi32>, vector<16xi32>], vector<16xf32>,
        %gather3A_321 = tpu.vector_load_idx %arg6[%add3A_267, %broadcast_in_dim3A_83] : memref<512x16xf32, #tpu.memory_space<vmem>>[vector<16xi32>, vector<16xi32>], vector<16xf32>,
        %gather3A_322 = tpu.vector_load_idx %arg6[%add3A_267, %broadcast_in_dim3A_85] : memref<512x16xf32, #tpu.memory_space<vmem>>[vector<16xi32>, vector<16xi32>], vector<16xf32>,
        %gather3A_323 = tpu.vector_load_idx %arg6[%add3A_267, %broadcast_in_dim3A_87] : memref<512x16xf32, #tpu.memory_space<vmem>>[vector<16xi32>, vector<16xi32>], vector<16xf32>,
        %gather3A_324 = tpu.vector_load_idx %arg6[%add3A_267, %broadcast_in_dim3A_89] : memref<512x16xf32, #tpu.memory_space<vmem>>[vector<16xi32>, vector<16xi32>], vector<16xf32>,
        %gather3A_325 = tpu.vector_load_idx %arg6[%add3A_267, %broadcast_in_dim3A_91] : memref<512x16xf32, #tpu.memory_space<vmem>>[vector<16xi32>, vector<16xi32>], vector<16xf32>,
        %gather3A_326 = tpu.vector_load_idx %arg6[%add3A_267, %broadcast_in_dim3A_93] : memref<512x16xf32, #tpu.memory_space<vmem>>[vector<16xi32>, vector<16xi32>], vector<16xf32>,
        %gather3A_327 = tpu.vector_load_idx %arg6[%add3A_267, %broadcast_in_dim3A_95] : memref<512x16xf32, #tpu.memory_space<vmem>>[vector<16xi32>, vector<16xi32>], vector<16xf32>,
        tpu.vector_store_idx %arg7[%broadcast_in_dim3A_1, %broadcast_in_dim3A_292, %broadcast_in_dim3A_33, %add3A_312], %gather3A : memref<2x4x8x128xf32, #tpu.memory_space<vmem>>[vector<16xi32>, vector<16xi32>, vector<16xi32>, vector<16xi32>], vector<16xf32>,
        tpu.vector_store_idx %arg7[%broadcast_in_dim3A_3, %broadcast_in_dim3A_292, %broadcast_in_dim3A_35, %add3A_312], %gather3A_313 : memref<2x4x8x128xf32, #tpu.memory_space<vmem>>[vector<16xi32>, vector<16xi32>, vector<16xi32>, vector<16xi32>], vector<16xf32>,
        tpu.vector_store_idx %arg7[%broadcast_in_dim3A_5, %broadcast_in_dim3A_292, %broadcast_in_dim3A_37, %add3A_312], %gather3A_314 : memref<2x4x8x128xf32, #tpu.memory_space<vmem>>[vector<16xi32>, vector<16xi32>, vector<16xi32>, vector<16xi32>], vector<16xf32>,
        tpu.vector_store_idx %arg7[%broadcast_in_dim3A_7, %broadcast_in_dim3A_292, %broadcast_in_dim3A_39, %add3A_312], %gather3A_315 : memref<2x4x8x128xf32, #tpu.memory_space<vmem>>[vector<16xi32>, vector<16xi32>, vector<16xi32>, vector<16xi32>], vector<16xf32>,
        tpu.vector_store_idx %arg7[%broadcast_in_dim3A_9, %broadcast_in_dim3A_292, %broadcast_in_dim3A_41, %add3A_312], %gather3A_316 : memref<2x4x8x128xf32, #tpu.memory_space<vmem>>[vector<16xi32>, vector<16xi32>, vector<16xi32>, vector<16xi32>], vector<16xf32>,
        tpu.vector_store_idx %arg7[%broadcast_in_dim3A_11, %broadcast_in_dim3A_292, %broadcast_in_dim3A_43, %add3A_312], %gather3A_317 : memref<2x4x8x128xf32, #tpu.memory_space<vmem>>[vector<16xi32>, vector<16xi32>, vector<16xi32>, vector<16xi32>], vector<16xf32>,
        tpu.vector_store_idx %arg7[%broadcast_in_dim3A_13, %broadcast_in_dim3A_292, %broadcast_in_dim3A_45, %add3A_312], %gather3A_318 : memref<2x4x8x128xf32, #tpu.memory_space<vmem>>[vector<16xi32>, vector<16xi32>, vector<16xi32>, vector<16xi32>], vector<16xf32>,
        tpu.vector_store_idx %arg7[%broadcast_in_dim3A_15, %broadcast_in_dim3A_292, %broadcast_in_dim3A_47, %add3A_312], %gather3A_319 : memref<2x4x8x128xf32, #tpu.memory_space<vmem>>[vector<16xi32>, vector<16xi32>, vector<16xi32>, vector<16xi32>], vector<16xf32>,
        tpu.vector_store_idx %arg7[%broadcast_in_dim3A_17, %broadcast_in_dim3A_292, %broadcast_in_dim3A_49, %add3A_312], %gather3A_320 : memref<2x4x8x128xf32, #tpu.memory_space<vmem>>[vector<16xi32>, vector<16xi32>, vector<16xi32>, vector<16xi32>], vector<16xf32>,
        tpu.vector_store_idx %arg7[%broadcast_in_dim3A_19, %broadcast_in_dim3A_292, %broadcast_in_dim3A_51, %add3A_312], %gather3A_321 : memref<2x4x8x128xf32, #tpu.memory_space<vmem>>[vector<16xi32>, vector<16xi32>, vector<16xi32>, vector<16xi32>], vector<16xf32>,
        tpu.vector_store_idx %arg7[%broadcast_in_dim3A_21, %broadcast_in_dim3A_292, %broadcast_in_dim3A_53, %add3A_312], %gather3A_322 : memref<2x4x8x128xf32, #tpu.memory_space<vmem>>[vector<16xi32>, vector<16xi32>, vector<16xi32>, vector<16xi32>], vector<16xf32>,
        tpu.vector_store_idx %arg7[%broadcast_in_dim3A_23, %broadcast_in_dim3A_292, %broadcast_in_dim3A_55, %add3A_312], %gather3A_323 : memref<2x4x8x128xf32, #tpu.memory_space<vmem>>[vector<16xi32>, vector<16xi32>, vector<16xi32>, vector<16xi32>], vector<16xf32>,
        tpu.vector_store_idx %arg7[%broadcast_in_dim3A_25, %broadcast_in_dim3A_292, %broadcast_in_dim3A_57, %add3A_312], %gather3A_324 : memref<2x4x8x128xf32, #tpu.memory_space<vmem>>[vector<16xi32>, vector<16xi32>, vector<16xi32>, vector<16xi32>], vector<16xf32>,
        tpu.vector_store_idx %arg7[%broadcast_in_dim3A_27, %broadcast_in_dim3A_292, %broadcast_in_dim3A_59, %add3A_312], %gather3A_325 : memref<2x4x8x128xf32, #tpu.memory_space<vmem>>[vector<16xi32>, vector<16xi32>, vector<16xi32>, vector<16xi32>], vector<16xf32>,
        tpu.vector_store_idx %arg7[%broadcast_in_dim3A_29, %broadcast_in_dim3A_292, %broadcast_in_dim3A_61, %add3A_312], %gather3A_326 : memref<2x4x8x128xf32, #tpu.memory_space<vmem>>[vector<16xi32>, vector<16xi32>, vector<16xi32>, vector<16xi32>], vector<16xf32>,
        tpu.vector_store_idx %arg7[%broadcast_in_dim3A_31, %broadcast_in_dim3A_292, %broadcast_in_dim3A_63, %add3A_312], %gather3A_327 : memref<2x4x8x128xf32, #tpu.memory_space<vmem>>[vector<16xi32>, vector<16xi32>, vector<16xi32>, vector<16xi32>], vector<16xf32>,
      }
      %scan3A_254 = arith.constant 32 : i32
      %mul3A_255 = arith.constant 2 : i32
      %mul3A_256 = arith.muli %mul3A_255, %select_n3A_116 : i32
      %mul3A_257 = arith.constant 4 : i32
      %mul3A_258 = arith.muli %mul3A_257, %select_n3A_137 : i32
      "tpu.region"() ({
        %run_scoped3A = tpu.sem_alloc : memref<!tpu.dma_semaphore, #tpu.memory_space<semaphore_mem>>
        %dma_start3A_259 = arith.constant 0 : i32
        %dma_start3A_260 = arith.constant 0 : i32
        %dma_start3A_261 = tpu.memref_slice %arg4[%mul3A_256, %mul3A_258, %dma_start3A_259, %dma_start3A_260] : memref<52x128x8x128xf32, #tpu.memory_space<hbm>> -> memref<2x4x8x128xf32, #tpu.memory_space<hbm>>
        %dma_start3A_262 = arith.constant 0 : i32
        %dma_start3A_263 = arith.constant 0 : i32
        %dma_start3A_264 = tpu.memref_slice %arg4[%mul3A_256, %mul3A_258, %dma_start3A_262, %dma_start3A_263] : memref<52x128x8x128xf32, #tpu.memory_space<hbm>> -> memref<2x4x8x128xf32, #tpu.memory_space<hbm>>
        tpu.enqueue_dma source(%arg7 : memref<2x4x8x128xf32, #tpu.memory_space<vmem>>) target(%dma_start3A_264 : memref<2x4x8x128xf32, #tpu.memory_space<hbm>>) target_semaphore(%run_scoped3A : memref<!tpu.dma_semaphore, #tpu.memory_space<semaphore_mem>>)
        %dma_wait3A_265 = arith.constant 0 : i32
        %dma_wait3A_266 = arith.constant 0 : i32
        %dma_wait3A_267 = tpu.memref_slice %arg4[%mul3A_256, %mul3A_258, %dma_wait3A_265, %dma_wait3A_266] : memref<52x128x8x128xf32, #tpu.memory_space<hbm>> -> memref<2x4x8x128xf32, #tpu.memory_space<hbm>>
        %dma_wait3A_268 = arith.constant 0 : i32
        %dma_wait3A_269 = arith.constant 0 : i32
        %dma_wait3A_270 = tpu.memref_slice %arg4[%mul3A_256, %mul3A_258, %dma_wait3A_268, %dma_wait3A_269] : memref<52x128x8x128xf32, #tpu.memory_space<hbm>> -> memref<2x4x8x128xf32, #tpu.memory_space<hbm>>
        tpu.wait_dma2 semaphore(%run_scoped3A : memref<!tpu.dma_semaphore, #tpu.memory_space<semaphore_mem>>) src(%arg7 : memref<2x4x8x128xf32, #tpu.memory_space<vmem>>) dst(%dma_wait3A_270 : memref<2x4x8x128xf32, #tpu.memory_space<hbm>>)
        tpu.yield
      }) : () -> ()
    }
    %scan3A_99 = arith.constant 26 : i32
    return
  }
}

#map = affine_map<(d0, d1) -> (0, 0, 0)>
module attributes {stable_mosaic.version = 14 : i64} {
  func.func @k(%arg0: i32, %arg1: i32, %arg2: memref<26x16x100001xf32, #tpu.memory_space<hbm>>, %arg3: memref<26x8x128xf32, #tpu.memory_space<hbm>>, %arg4: memref<26x12504x128xf32, #tpu.memory_space<hbm>>, %arg5: memref<2x16x1408xf32, #tpu.memory_space<vmem>>, %arg6: memref<2x176x128xf32, #tpu.memory_space<vmem>>, %arg7: memref<!tpu.dma_semaphore, #tpu.memory_space<semaphore_mem>>, %arg8: memref<!tpu.dma_semaphore, #tpu.memory_space<semaphore_mem>>, %arg9: memref<!tpu.dma_semaphore, #tpu.memory_space<semaphore_mem>>, %arg10: memref<!tpu.dma_semaphore, #tpu.memory_space<semaphore_mem>>) attributes {dimension_semantics = [#tpu.dimension_semantics<core_parallel>, #tpu.dimension_semantics<subcore_parallel>], iteration_bounds = array<i64: 2, 16>, scalar_prefetch = 0 : i64, scratch_operands = 6 : i64, tpu.core_type = #tpu.core_type<sc_vector_subcore>, window_params = [{transform_indices = #map}, {transform_indices = #map}, {transform_indices = #map}]} {
    %mul3A = arith.constant 2 : i32
    %mul3A_0 = arith.muli %arg1, %mul3A : i32
    %add3A = arith.addi %mul3A_0, %arg0 : i32
    %iota3A = tpu.iota {dimensions = array<i32: 0>} : vector<16xi32>
    %broadcast_in_dim3A = arith.constant 0 : i32
    %broadcast_in_dim3A_1 = vector.broadcast %broadcast_in_dim3A : i32 to vector<16xi32>
    %broadcast_in_dim3A_2 = arith.constant 1 : i32
    %broadcast_in_dim3A_3 = vector.broadcast %broadcast_in_dim3A_2 : i32 to vector<16xi32>
    %broadcast_in_dim3A_4 = arith.constant 2 : i32
    %broadcast_in_dim3A_5 = vector.broadcast %broadcast_in_dim3A_4 : i32 to vector<16xi32>
    %broadcast_in_dim3A_6 = arith.constant 3 : i32
    %broadcast_in_dim3A_7 = vector.broadcast %broadcast_in_dim3A_6 : i32 to vector<16xi32>
    %broadcast_in_dim3A_8 = arith.constant 4 : i32
    %broadcast_in_dim3A_9 = vector.broadcast %broadcast_in_dim3A_8 : i32 to vector<16xi32>
    %broadcast_in_dim3A_10 = arith.constant 5 : i32
    %broadcast_in_dim3A_11 = vector.broadcast %broadcast_in_dim3A_10 : i32 to vector<16xi32>
    %broadcast_in_dim3A_12 = arith.constant 6 : i32
    %broadcast_in_dim3A_13 = vector.broadcast %broadcast_in_dim3A_12 : i32 to vector<16xi32>
    %broadcast_in_dim3A_14 = arith.constant 7 : i32
    %broadcast_in_dim3A_15 = vector.broadcast %broadcast_in_dim3A_14 : i32 to vector<16xi32>
    %add3A_16 = arith.constant 0 : i32
    %add3A_17 = vector.broadcast %add3A_16 : i32 to vector<16xi32>
    %add3A_18 = arith.addi %add3A_17, %iota3A : vector<16xi32>
    %add3A_19 = arith.constant 16 : i32
    %add3A_20 = vector.broadcast %add3A_19 : i32 to vector<16xi32>
    %add3A_21 = arith.addi %add3A_20, %iota3A : vector<16xi32>
    %add3A_22 = arith.constant 32 : i32
    %add3A_23 = vector.broadcast %add3A_22 : i32 to vector<16xi32>
    %add3A_24 = arith.addi %add3A_23, %iota3A : vector<16xi32>
    %add3A_25 = arith.constant 48 : i32
    %add3A_26 = vector.broadcast %add3A_25 : i32 to vector<16xi32>
    %add3A_27 = arith.addi %add3A_26, %iota3A : vector<16xi32>
    %add3A_28 = arith.constant 64 : i32
    %add3A_29 = vector.broadcast %add3A_28 : i32 to vector<16xi32>
    %add3A_30 = arith.addi %add3A_29, %iota3A : vector<16xi32>
    %add3A_31 = arith.constant 80 : i32
    %add3A_32 = vector.broadcast %add3A_31 : i32 to vector<16xi32>
    %add3A_33 = arith.addi %add3A_32, %iota3A : vector<16xi32>
    %add3A_34 = arith.constant 96 : i32
    %add3A_35 = vector.broadcast %add3A_34 : i32 to vector<16xi32>
    %add3A_36 = arith.addi %add3A_35, %iota3A : vector<16xi32>
    %add3A_37 = arith.constant 112 : i32
    %add3A_38 = vector.broadcast %add3A_37 : i32 to vector<16xi32>
    %add3A_39 = arith.addi %add3A_38, %iota3A : vector<16xi32>
    %add3A_40 = arith.constant 0 : i32
    %add3A_41 = arith.addi %add3A_40, %add3A : i32
    %min3A = arith.constant 1845 : i32
    %min3A_42 = arith.minsi %add3A_41, %min3A : i32
    %jit3A = arith.constant 71 : i32
    %div3A = arith.divsi %min3A_42, %jit3A : i32
    %sign3A = arith.constant 0 : i32
    %sign3A_43 = arith.cmpi sgt, %min3A_42, %sign3A : i32
    %sign3A_44 = arith.extui %sign3A_43 : i1 to i32
    %sign3A_45 = arith.constant 0 : i32
    %sign3A_46 = arith.cmpi slt, %min3A_42, %sign3A_45 : i32
    %sign3A_47 = arith.extui %sign3A_46 : i1 to i32
    %sign3A_48 = arith.subi %sign3A_44, %sign3A_47 : i32
    %sign3A_49 = arith.constant 0 : i32
    %sign3A_50 = arith.cmpi sgt, %jit3A, %sign3A_49 : i32
    %sign3A_51 = arith.extui %sign3A_50 : i1 to i32
    %sign3A_52 = arith.constant 0 : i32
    %sign3A_53 = arith.cmpi slt, %jit3A, %sign3A_52 : i32
    %sign3A_54 = arith.extui %sign3A_53 : i1 to i32
    %sign3A_55 = arith.subi %sign3A_51, %sign3A_54 : i32
    %ne3A = arith.cmpi ne, %sign3A_48, %sign3A_55 : i32
    %rem3A = arith.remsi %min3A_42, %jit3A : i32
    %ne3A_56 = arith.constant 0 : i32
    %ne3A_57 = arith.cmpi ne, %rem3A, %ne3A_56 : i32
    %and3A = arith.andi %ne3A, %ne3A_57 : i1
    %sub3A = arith.constant 1 : i32
    %sub3A_58 = arith.subi %div3A, %sub3A : i32
    %select_n3A = arith.select %and3A, %sub3A_58, %div3A : i32
    %jit3A_59 = arith.constant 71 : i32
    %eq3A = arith.constant 0 : i32
    %eq3A_60 = arith.cmpi eq, %jit3A_59, %eq3A : i32
    %jit3A_61 = arith.constant 1 : i32
    %select_n3A_62 = arith.select %eq3A_60, %jit3A_61, %jit3A_59 : i32
    %rem3A_63 = arith.remsi %min3A_42, %select_n3A_62 : i32
    %ne3A_64 = arith.constant 0 : i32
    %ne3A_65 = arith.cmpi ne, %rem3A_63, %ne3A_64 : i32
    %lt3A = arith.constant 0 : i32
    %lt3A_66 = arith.cmpi slt, %rem3A_63, %lt3A : i32
    %lt3A_67 = arith.constant 0 : i32
    %lt3A_68 = arith.cmpi slt, %select_n3A_62, %lt3A_67 : i32
    %ne3A_69 = arith.xori %lt3A_66, %lt3A_68 : i1
    %and3A_70 = arith.andi %ne3A_69, %ne3A_65 : i1
    %add3A_71 = arith.addi %rem3A_63, %select_n3A_62 : i32
    %select_n3A_72 = arith.select %and3A_70, %add3A_71, %rem3A_63 : i32
    %mul3A_73 = arith.constant 1408 : i32
    %mul3A_74 = arith.muli %select_n3A_72, %mul3A_73 : i32
    %dma_start3A = arith.constant 0 : i32
    %dma_start3A_75 = arith.constant 0 : i32
    %dma_start3A_76 = arith.constant 0 : i32
    %dma_start3A_77 = tpu.memref_slice %arg5[%dma_start3A, %dma_start3A_75, %dma_start3A_76] : memref<2x16x1408xf32, #tpu.memory_space<vmem>> -> memref<1x16x1408xf32, #tpu.memory_space<vmem>>
    %dma_start3A_78 = tpu.memref_squeeze %dma_start3A_77 : memref<1x16x1408xf32, #tpu.memory_space<vmem>> -> memref<16x1408xf32, #tpu.memory_space<vmem>>
    %dma_start3A_79 = arith.constant 0 : i32
    %dma_start3A_80 = tpu.memref_slice %arg2[%select_n3A, %dma_start3A_79, %mul3A_74] : memref<26x16x100001xf32, #tpu.memory_space<hbm>> -> memref<1x16x1408xf32, #tpu.memory_space<hbm>>
    %dma_start3A_81 = tpu.memref_squeeze %dma_start3A_80 : memref<1x16x1408xf32, #tpu.memory_space<hbm>> -> memref<16x1408xf32, #tpu.memory_space<hbm>>
    %dma_start3A_82 = arith.constant 0 : i32
    %dma_start3A_83 = arith.constant 0 : i32
    %dma_start3A_84 = tpu.memref_slice %arg5[%dma_start3A, %dma_start3A_82, %dma_start3A_83] : memref<2x16x1408xf32, #tpu.memory_space<vmem>> -> memref<1x16x1408xf32, #tpu.memory_space<vmem>>
    %dma_start3A_85 = tpu.memref_squeeze %dma_start3A_84 : memref<1x16x1408xf32, #tpu.memory_space<vmem>> -> memref<16x1408xf32, #tpu.memory_space<vmem>>
    %dma_start3A_86 = arith.constant 0 : i32
    %dma_start3A_87 = tpu.memref_slice %arg2[%select_n3A, %dma_start3A_86, %mul3A_74] : memref<26x16x100001xf32, #tpu.memory_space<hbm>> -> memref<1x16x1408xf32, #tpu.memory_space<hbm>>
    %dma_start3A_88 = tpu.memref_squeeze %dma_start3A_87 : memref<1x16x1408xf32, #tpu.memory_space<hbm>> -> memref<16x1408xf32, #tpu.memory_space<hbm>>
    tpu.enqueue_dma source(%dma_start3A_88 : memref<16x1408xf32, #tpu.memory_space<hbm>>) target(%dma_start3A_85 : memref<16x1408xf32, #tpu.memory_space<vmem>>) target_semaphore(%arg7 : memref<!tpu.dma_semaphore, #tpu.memory_space<semaphore_mem>>)
    %add3A_89 = arith.constant 32 : i32
    %add3A_90 = arith.addi %add3A_89, %add3A : i32
    %min3A_91 = arith.constant 1845 : i32
    %min3A_92 = arith.minsi %add3A_90, %min3A_91 : i32
    %jit3A_93 = arith.constant 71 : i32
    %div3A_94 = arith.divsi %min3A_92, %jit3A_93 : i32
    %sign3A_95 = arith.constant 0 : i32
    %sign3A_96 = arith.cmpi sgt, %min3A_92, %sign3A_95 : i32
    %sign3A_97 = arith.extui %sign3A_96 : i1 to i32
    %sign3A_98 = arith.constant 0 : i32
    %sign3A_99 = arith.cmpi slt, %min3A_92, %sign3A_98 : i32
    %sign3A_100 = arith.extui %sign3A_99 : i1 to i32
    %sign3A_101 = arith.subi %sign3A_97, %sign3A_100 : i32
    %sign3A_102 = arith.constant 0 : i32
    %sign3A_103 = arith.cmpi sgt, %jit3A_93, %sign3A_102 : i32
    %sign3A_104 = arith.extui %sign3A_103 : i1 to i32
    %sign3A_105 = arith.constant 0 : i32
    %sign3A_106 = arith.cmpi slt, %jit3A_93, %sign3A_105 : i32
    %sign3A_107 = arith.extui %sign3A_106 : i1 to i32
    %sign3A_108 = arith.subi %sign3A_104, %sign3A_107 : i32
    %ne3A_109 = arith.cmpi ne, %sign3A_101, %sign3A_108 : i32
    %rem3A_110 = arith.remsi %min3A_92, %jit3A_93 : i32
    %ne3A_111 = arith.constant 0 : i32
    %ne3A_112 = arith.cmpi ne, %rem3A_110, %ne3A_111 : i32
    %and3A_113 = arith.andi %ne3A_109, %ne3A_112 : i1
    %sub3A_114 = arith.constant 1 : i32
    %sub3A_115 = arith.subi %div3A_94, %sub3A_114 : i32
    %select_n3A_116 = arith.select %and3A_113, %sub3A_115, %div3A_94 : i32
    %jit3A_117 = arith.constant 71 : i32
    %eq3A_118 = arith.constant 0 : i32
    %eq3A_119 = arith.cmpi eq, %jit3A_117, %eq3A_118 : i32
    %jit3A_120 = arith.constant 1 : i32
    %select_n3A_121 = arith.select %eq3A_119, %jit3A_120, %jit3A_117 : i32
    %rem3A_122 = arith.remsi %min3A_92, %select_n3A_121 : i32
    %ne3A_123 = arith.constant 0 : i32
    %ne3A_124 = arith.cmpi ne, %rem3A_122, %ne3A_123 : i32
    %lt3A_125 = arith.constant 0 : i32
    %lt3A_126 = arith.cmpi slt, %rem3A_122, %lt3A_125 : i32
    %lt3A_127 = arith.constant 0 : i32
    %lt3A_128 = arith.cmpi slt, %select_n3A_121, %lt3A_127 : i32
    %ne3A_129 = arith.xori %lt3A_126, %lt3A_128 : i1
    %and3A_130 = arith.andi %ne3A_129, %ne3A_124 : i1
    %add3A_131 = arith.addi %rem3A_122, %select_n3A_121 : i32
    %select_n3A_132 = arith.select %and3A_130, %add3A_131, %rem3A_122 : i32
    %mul3A_133 = arith.constant 1408 : i32
    %mul3A_134 = arith.muli %select_n3A_132, %mul3A_133 : i32
    %dma_start3A_135 = arith.constant 1 : i32
    %dma_start3A_136 = arith.constant 0 : i32
    %dma_start3A_137 = arith.constant 0 : i32
    %dma_start3A_138 = tpu.memref_slice %arg5[%dma_start3A_135, %dma_start3A_136, %dma_start3A_137] : memref<2x16x1408xf32, #tpu.memory_space<vmem>> -> memref<1x16x1408xf32, #tpu.memory_space<vmem>>
    %dma_start3A_139 = tpu.memref_squeeze %dma_start3A_138 : memref<1x16x1408xf32, #tpu.memory_space<vmem>> -> memref<16x1408xf32, #tpu.memory_space<vmem>>
    %dma_start3A_140 = arith.constant 0 : i32
    %dma_start3A_141 = tpu.memref_slice %arg2[%select_n3A_116, %dma_start3A_140, %mul3A_134] : memref<26x16x100001xf32, #tpu.memory_space<hbm>> -> memref<1x16x1408xf32, #tpu.memory_space<hbm>>
    %dma_start3A_142 = tpu.memref_squeeze %dma_start3A_141 : memref<1x16x1408xf32, #tpu.memory_space<hbm>> -> memref<16x1408xf32, #tpu.memory_space<hbm>>
    %dma_start3A_143 = arith.constant 0 : i32
    %dma_start3A_144 = arith.constant 0 : i32
    %dma_start3A_145 = tpu.memref_slice %arg5[%dma_start3A_135, %dma_start3A_143, %dma_start3A_144] : memref<2x16x1408xf32, #tpu.memory_space<vmem>> -> memref<1x16x1408xf32, #tpu.memory_space<vmem>>
    %dma_start3A_146 = tpu.memref_squeeze %dma_start3A_145 : memref<1x16x1408xf32, #tpu.memory_space<vmem>> -> memref<16x1408xf32, #tpu.memory_space<vmem>>
    %dma_start3A_147 = arith.constant 0 : i32
    %dma_start3A_148 = tpu.memref_slice %arg2[%select_n3A_116, %dma_start3A_147, %mul3A_134] : memref<26x16x100001xf32, #tpu.memory_space<hbm>> -> memref<1x16x1408xf32, #tpu.memory_space<hbm>>
    %dma_start3A_149 = tpu.memref_squeeze %dma_start3A_148 : memref<1x16x1408xf32, #tpu.memory_space<hbm>> -> memref<16x1408xf32, #tpu.memory_space<hbm>>
    tpu.enqueue_dma source(%dma_start3A_149 : memref<16x1408xf32, #tpu.memory_space<hbm>>) target(%dma_start3A_146 : memref<16x1408xf32, #tpu.memory_space<vmem>>) target_semaphore(%arg8 : memref<!tpu.dma_semaphore, #tpu.memory_space<semaphore_mem>>)
    %scan3A = arith.constant 0 : i32
    %scan3A_150 = arith.constant 29 : i32
    %scan3A_151 = arith.addi %scan3A, %scan3A_150 : i32
    %scan3A_152 = arith.constant 1 : i32
    scf.for %scan3A_400 = %scan3A to %scan3A_151 step %scan3A_152  : i32 {
      %mul3A_401 = arith.constant 1 : i32
      %mul3A_402 = arith.muli %scan3A_400, %mul3A_401 : i32
      %add3A_403 = arith.constant 0 : i32
      %add3A_404 = arith.addi %add3A_403, %mul3A_402 : i32
      %mul3A_405 = arith.constant 2 : i32
      %mul3A_406 = arith.muli %mul3A_405, %add3A_404 : i32
      %add3A_407 = arith.constant 0 : i32
      %add3A_408 = arith.addi %mul3A_406, %add3A_407 : i32
      %mul3A_409 = arith.constant 32 : i32
      %mul3A_410 = arith.muli %add3A_408, %mul3A_409 : i32
      %add3A_411 = arith.addi %mul3A_410, %add3A : i32
      %min3A_412 = arith.constant 1845 : i32
      %min3A_413 = arith.minsi %add3A_411, %min3A_412 : i32
      %jit3A_414 = arith.constant 71 : i32
      %div3A_415 = arith.divsi %min3A_413, %jit3A_414 : i32
      %sign3A_416 = arith.constant 0 : i32
      %sign3A_417 = arith.cmpi sgt, %min3A_413, %sign3A_416 : i32
      %sign3A_418 = arith.extui %sign3A_417 : i1 to i32
      %sign3A_419 = arith.constant 0 : i32
      %sign3A_420 = arith.cmpi slt, %min3A_413, %sign3A_419 : i32
      %sign3A_421 = arith.extui %sign3A_420 : i1 to i32
      %sign3A_422 = arith.subi %sign3A_418, %sign3A_421 : i32
      %sign3A_423 = arith.constant 0 : i32
      %sign3A_424 = arith.cmpi sgt, %jit3A_414, %sign3A_423 : i32
      %sign3A_425 = arith.extui %sign3A_424 : i1 to i32
      %sign3A_426 = arith.constant 0 : i32
      %sign3A_427 = arith.cmpi slt, %jit3A_414, %sign3A_426 : i32
      %sign3A_428 = arith.extui %sign3A_427 : i1 to i32
      %sign3A_429 = arith.subi %sign3A_425, %sign3A_428 : i32
      %ne3A_430 = arith.cmpi ne, %sign3A_422, %sign3A_429 : i32
      %rem3A_431 = arith.remsi %min3A_413, %jit3A_414 : i32
      %ne3A_432 = arith.constant 0 : i32
      %ne3A_433 = arith.cmpi ne, %rem3A_431, %ne3A_432 : i32
      %and3A_434 = arith.andi %ne3A_430, %ne3A_433 : i1
      %sub3A_435 = arith.constant 1 : i32
      %sub3A_436 = arith.subi %div3A_415, %sub3A_435 : i32
      %select_n3A_437 = arith.select %and3A_434, %sub3A_436, %div3A_415 : i32
      %jit3A_438 = arith.constant 71 : i32
      %eq3A_439 = arith.constant 0 : i32
      %eq3A_440 = arith.cmpi eq, %jit3A_438, %eq3A_439 : i32
      %jit3A_441 = arith.constant 1 : i32
      %select_n3A_442 = arith.select %eq3A_440, %jit3A_441, %jit3A_438 : i32
      %rem3A_443 = arith.remsi %min3A_413, %select_n3A_442 : i32
      %ne3A_444 = arith.constant 0 : i32
      %ne3A_445 = arith.cmpi ne, %rem3A_443, %ne3A_444 : i32
      %lt3A_446 = arith.constant 0 : i32
      %lt3A_447 = arith.cmpi slt, %rem3A_443, %lt3A_446 : i32
      %lt3A_448 = arith.constant 0 : i32
      %lt3A_449 = arith.cmpi slt, %select_n3A_442, %lt3A_448 : i32
      %ne3A_450 = arith.xori %lt3A_447, %lt3A_449 : i1
      %and3A_451 = arith.andi %ne3A_450, %ne3A_445 : i1
      %add3A_452 = arith.addi %rem3A_443, %select_n3A_442 : i32
      %select_n3A_453 = arith.select %and3A_451, %add3A_452, %rem3A_443 : i32
      %mul3A_454 = arith.constant 1408 : i32
      %mul3A_455 = arith.muli %select_n3A_453, %mul3A_454 : i32
      %dma_wait3A_456 = arith.constant 0 : i32
      %dma_wait3A_457 = arith.constant 0 : i32
      %dma_wait3A_458 = arith.constant 0 : i32
      %dma_wait3A_459 = tpu.memref_slice %arg5[%dma_wait3A_456, %dma_wait3A_457, %dma_wait3A_458] : memref<2x16x1408xf32, #tpu.memory_space<vmem>> -> memref<1x16x1408xf32, #tpu.memory_space<vmem>>
      %dma_wait3A_460 = tpu.memref_squeeze %dma_wait3A_459 : memref<1x16x1408xf32, #tpu.memory_space<vmem>> -> memref<16x1408xf32, #tpu.memory_space<vmem>>
      %dma_wait3A_461 = arith.constant 0 : i32
      %dma_wait3A_462 = tpu.memref_slice %arg2[%select_n3A_437, %dma_wait3A_461, %mul3A_455] : memref<26x16x100001xf32, #tpu.memory_space<hbm>> -> memref<1x16x1408xf32, #tpu.memory_space<hbm>>
      %dma_wait3A_463 = tpu.memref_squeeze %dma_wait3A_462 : memref<1x16x1408xf32, #tpu.memory_space<hbm>> -> memref<16x1408xf32, #tpu.memory_space<hbm>>
      %dma_wait3A_464 = arith.constant 0 : i32
      %dma_wait3A_465 = arith.constant 0 : i32
      %dma_wait3A_466 = tpu.memref_slice %arg5[%dma_wait3A_456, %dma_wait3A_464, %dma_wait3A_465] : memref<2x16x1408xf32, #tpu.memory_space<vmem>> -> memref<1x16x1408xf32, #tpu.memory_space<vmem>>
      %dma_wait3A_467 = tpu.memref_squeeze %dma_wait3A_466 : memref<1x16x1408xf32, #tpu.memory_space<vmem>> -> memref<16x1408xf32, #tpu.memory_space<vmem>>
      %dma_wait3A_468 = arith.constant 0 : i32
      %dma_wait3A_469 = tpu.memref_slice %arg2[%select_n3A_437, %dma_wait3A_468, %mul3A_455] : memref<26x16x100001xf32, #tpu.memory_space<hbm>> -> memref<1x16x1408xf32, #tpu.memory_space<hbm>>
      %dma_wait3A_470 = tpu.memref_squeeze %dma_wait3A_469 : memref<1x16x1408xf32, #tpu.memory_space<hbm>> -> memref<16x1408xf32, #tpu.memory_space<hbm>>
      tpu.wait_dma2 semaphore(%arg7 : memref<!tpu.dma_semaphore, #tpu.memory_space<semaphore_mem>>) src(%dma_wait3A_470 : memref<16x1408xf32, #tpu.memory_space<hbm>>) dst(%dma_wait3A_467 : memref<16x1408xf32, #tpu.memory_space<vmem>>)
      %gt3A = arith.constant 0 : i32
      %gt3A_471 = arith.cmpi sgt, %add3A_404, %gt3A : i32
      %convert_element_type3A_472 = arith.extui %gt3A_471 : i1 to i32
      %cond3A_473 = arith.constant 0 : i32
      %cond3A_474 = arith.cmpi ne, %convert_element_type3A_472, %cond3A_473 : i32
      scf.if %cond3A_474 {
        %sub3A_812 = arith.constant 2 : i32
        %sub3A_813 = arith.subi %add3A_408, %sub3A_812 : i32
        %mul3A_814 = arith.constant 32 : i32
        %mul3A_815 = arith.muli %sub3A_813, %mul3A_814 : i32
        %add3A_816 = arith.addi %mul3A_815, %add3A : i32
        %min3A_817 = arith.constant 1845 : i32
        %min3A_818 = arith.minsi %add3A_816, %min3A_817 : i32
        %jit3A_819 = arith.constant 71 : i32
        %div3A_820 = arith.divsi %min3A_818, %jit3A_819 : i32
        %sign3A_821 = arith.constant 0 : i32
        %sign3A_822 = arith.cmpi sgt, %min3A_818, %sign3A_821 : i32
        %sign3A_823 = arith.extui %sign3A_822 : i1 to i32
        %sign3A_824 = arith.constant 0 : i32
        %sign3A_825 = arith.cmpi slt, %min3A_818, %sign3A_824 : i32
        %sign3A_826 = arith.extui %sign3A_825 : i1 to i32
        %sign3A_827 = arith.subi %sign3A_823, %sign3A_826 : i32
        %sign3A_828 = arith.constant 0 : i32
        %sign3A_829 = arith.cmpi sgt, %jit3A_819, %sign3A_828 : i32
        %sign3A_830 = arith.extui %sign3A_829 : i1 to i32
        %sign3A_831 = arith.constant 0 : i32
        %sign3A_832 = arith.cmpi slt, %jit3A_819, %sign3A_831 : i32
        %sign3A_833 = arith.extui %sign3A_832 : i1 to i32
        %sign3A_834 = arith.subi %sign3A_830, %sign3A_833 : i32
        %ne3A_835 = arith.cmpi ne, %sign3A_827, %sign3A_834 : i32
        %rem3A_836 = arith.remsi %min3A_818, %jit3A_819 : i32
        %ne3A_837 = arith.constant 0 : i32
        %ne3A_838 = arith.cmpi ne, %rem3A_836, %ne3A_837 : i32
        %and3A_839 = arith.andi %ne3A_835, %ne3A_838 : i1
        %sub3A_840 = arith.constant 1 : i32
        %sub3A_841 = arith.subi %div3A_820, %sub3A_840 : i32
        %select_n3A_842 = arith.select %and3A_839, %sub3A_841, %div3A_820 : i32
        %jit3A_843 = arith.constant 71 : i32
        %eq3A_844 = arith.constant 0 : i32
        %eq3A_845 = arith.cmpi eq, %jit3A_843, %eq3A_844 : i32
        %jit3A_846 = arith.constant 1 : i32
        %select_n3A_847 = arith.select %eq3A_845, %jit3A_846, %jit3A_843 : i32
        %rem3A_848 = arith.remsi %min3A_818, %select_n3A_847 : i32
        %ne3A_849 = arith.constant 0 : i32
        %ne3A_850 = arith.cmpi ne, %rem3A_848, %ne3A_849 : i32
        %lt3A_851 = arith.constant 0 : i32
        %lt3A_852 = arith.cmpi slt, %rem3A_848, %lt3A_851 : i32
        %lt3A_853 = arith.constant 0 : i32
        %lt3A_854 = arith.cmpi slt, %select_n3A_847, %lt3A_853 : i32
        %ne3A_855 = arith.xori %lt3A_852, %lt3A_854 : i1
        %and3A_856 = arith.andi %ne3A_855, %ne3A_850 : i1
        %add3A_857 = arith.addi %rem3A_848, %select_n3A_847 : i32
        %select_n3A_858 = arith.select %and3A_856, %add3A_857, %rem3A_848 : i32
        %mul3A_859 = arith.constant 176 : i32
        %mul3A_860 = arith.muli %select_n3A_858, %mul3A_859 : i32
        %dma_wait3A_861 = arith.constant 0 : i32
        %dma_wait3A_862 = arith.constant 0 : i32
        %dma_wait3A_863 = arith.constant 0 : i32
        %dma_wait3A_864 = tpu.memref_slice %arg6[%dma_wait3A_861, %dma_wait3A_862, %dma_wait3A_863] : memref<2x176x128xf32, #tpu.memory_space<vmem>> -> memref<1x176x128xf32, #tpu.memory_space<vmem>>
        %dma_wait3A_865 = tpu.memref_squeeze %dma_wait3A_864 : memref<1x176x128xf32, #tpu.memory_space<vmem>> -> memref<176x128xf32, #tpu.memory_space<vmem>>
        %dma_wait3A_866 = arith.constant 0 : i32
        %dma_wait3A_867 = tpu.memref_slice %arg4[%select_n3A_842, %mul3A_860, %dma_wait3A_866] : memref<26x12504x128xf32, #tpu.memory_space<hbm>> -> memref<1x176x128xf32, #tpu.memory_space<hbm>>
        %dma_wait3A_868 = tpu.memref_squeeze %dma_wait3A_867 : memref<1x176x128xf32, #tpu.memory_space<hbm>> -> memref<176x128xf32, #tpu.memory_space<hbm>>
        %dma_wait3A_869 = arith.constant 0 : i32
        %dma_wait3A_870 = tpu.memref_slice %arg4[%select_n3A_842, %mul3A_860, %dma_wait3A_869] : memref<26x12504x128xf32, #tpu.memory_space<hbm>> -> memref<1x176x128xf32, #tpu.memory_space<hbm>>
        %dma_wait3A_871 = tpu.memref_squeeze %dma_wait3A_870 : memref<1x176x128xf32, #tpu.memory_space<hbm>> -> memref<176x128xf32, #tpu.memory_space<hbm>>
        %dma_wait3A_872 = arith.constant 0 : i32
        %dma_wait3A_873 = arith.constant 0 : i32
        %dma_wait3A_874 = tpu.memref_slice %arg6[%dma_wait3A_861, %dma_wait3A_872, %dma_wait3A_873] : memref<2x176x128xf32, #tpu.memory_space<vmem>> -> memref<1x176x128xf32, #tpu.memory_space<vmem>>
        %dma_wait3A_875 = tpu.memref_squeeze %dma_wait3A_874 : memref<1x176x128xf32, #tpu.memory_space<vmem>> -> memref<176x128xf32, #tpu.memory_space<vmem>>
        tpu.wait_dma2 semaphore(%arg9 : memref<!tpu.dma_semaphore, #tpu.memory_space<semaphore_mem>>) src(%dma_wait3A_875 : memref<176x128xf32, #tpu.memory_space<vmem>>) dst(%dma_wait3A_871 : memref<176x128xf32, #tpu.memory_space<hbm>>)
      } else {
      }
      %scan3A_475 = arith.constant 0 : i32
      %scan3A_476 = arith.constant 0 : i32
      %scan3A_477 = arith.constant 0 : i32
      %scan3A_478 = arith.constant 44 : i32
      %scan3A_479 = arith.addi %scan3A_477, %scan3A_478 : i32
      %scan3A_480 = arith.constant 1 : i32
      scf.for %scan3A_812 = %scan3A_477 to %scan3A_479 step %scan3A_480  : i32 {
        %mul3A_813 = arith.constant 1 : i32
        %mul3A_814 = arith.muli %scan3A_812, %mul3A_813 : i32
        %add3A_815 = arith.constant 0 : i32
        %add3A_816 = arith.addi %add3A_815, %mul3A_814 : i32
        %mul3A_817 = arith.constant 4 : i32
        %mul3A_818 = arith.muli %add3A_816, %mul3A_817 : i32
        %add3A_819 = arith.constant 0 : i32
        %add3A_820 = arith.addi %mul3A_818, %add3A_819 : i32
        %add3A_821 = arith.constant 0 : i32
        %add3A_822 = arith.addi %add3A_820, %add3A_821 : i32
        %mul3A_823 = arith.constant 8 : i32
        %mul3A_824 = arith.muli %add3A_822, %mul3A_823 : i32
        %broadcast_in_dim3A_825 = vector.broadcast %mul3A_824 : i32 to vector<16xi32>
        %broadcast_in_dim3A_826 = vector.broadcast %add3A_822 : i32 to vector<16xi32>
        %add3A_827 = arith.addi %broadcast_in_dim3A_825, %broadcast_in_dim3A_1 : vector<16xi32>
        %gather3A = arith.constant 0 : i32
        %gather3A_828 = arith.constant 0 : i32
        %gather3A_829 = tpu.memref_slice %arg5[%scan3A_475, %gather3A, %gather3A_828] : memref<2x16x1408xf32, #tpu.memory_space<vmem>> -> memref<1x16x1408xf32, #tpu.memory_space<vmem>>
        %gather3A_830 = tpu.memref_squeeze %gather3A_829 : memref<1x16x1408xf32, #tpu.memory_space<vmem>> -> memref<16x1408xf32, #tpu.memory_space<vmem>>
        %gather3A_831 = tpu.vector_load_idx %gather3A_830[%iota3A, %add3A_827] : memref<16x1408xf32, #tpu.memory_space<vmem>>[vector<16xi32>, vector<16xi32>], vector<16xf32>,
        %add3A_832 = arith.addi %broadcast_in_dim3A_825, %broadcast_in_dim3A_3 : vector<16xi32>
        %gather3A_833 = arith.constant 0 : i32
        %gather3A_834 = arith.constant 0 : i32
        %gather3A_835 = tpu.memref_slice %arg5[%scan3A_475, %gather3A_833, %gather3A_834] : memref<2x16x1408xf32, #tpu.memory_space<vmem>> -> memref<1x16x1408xf32, #tpu.memory_space<vmem>>
        %gather3A_836 = tpu.memref_squeeze %gather3A_835 : memref<1x16x1408xf32, #tpu.memory_space<vmem>> -> memref<16x1408xf32, #tpu.memory_space<vmem>>
        %gather3A_837 = tpu.vector_load_idx %gather3A_836[%iota3A, %add3A_832] : memref<16x1408xf32, #tpu.memory_space<vmem>>[vector<16xi32>, vector<16xi32>], vector<16xf32>,
        %add3A_838 = arith.addi %broadcast_in_dim3A_825, %broadcast_in_dim3A_5 : vector<16xi32>
        %gather3A_839 = arith.constant 0 : i32
        %gather3A_840 = arith.constant 0 : i32
        %gather3A_841 = tpu.memref_slice %arg5[%scan3A_475, %gather3A_839, %gather3A_840] : memref<2x16x1408xf32, #tpu.memory_space<vmem>> -> memref<1x16x1408xf32, #tpu.memory_space<vmem>>
        %gather3A_842 = tpu.memref_squeeze %gather3A_841 : memref<1x16x1408xf32, #tpu.memory_space<vmem>> -> memref<16x1408xf32, #tpu.memory_space<vmem>>
        %gather3A_843 = tpu.vector_load_idx %gather3A_842[%iota3A, %add3A_838] : memref<16x1408xf32, #tpu.memory_space<vmem>>[vector<16xi32>, vector<16xi32>], vector<16xf32>,
        %add3A_844 = arith.addi %broadcast_in_dim3A_825, %broadcast_in_dim3A_7 : vector<16xi32>
        %gather3A_845 = arith.constant 0 : i32
        %gather3A_846 = arith.constant 0 : i32
        %gather3A_847 = tpu.memref_slice %arg5[%scan3A_475, %gather3A_845, %gather3A_846] : memref<2x16x1408xf32, #tpu.memory_space<vmem>> -> memref<1x16x1408xf32, #tpu.memory_space<vmem>>
        %gather3A_848 = tpu.memref_squeeze %gather3A_847 : memref<1x16x1408xf32, #tpu.memory_space<vmem>> -> memref<16x1408xf32, #tpu.memory_space<vmem>>
        %gather3A_849 = tpu.vector_load_idx %gather3A_848[%iota3A, %add3A_844] : memref<16x1408xf32, #tpu.memory_space<vmem>>[vector<16xi32>, vector<16xi32>], vector<16xf32>,
        %add3A_850 = arith.addi %broadcast_in_dim3A_825, %broadcast_in_dim3A_9 : vector<16xi32>
        %gather3A_851 = arith.constant 0 : i32
        %gather3A_852 = arith.constant 0 : i32
        %gather3A_853 = tpu.memref_slice %arg5[%scan3A_475, %gather3A_851, %gather3A_852] : memref<2x16x1408xf32, #tpu.memory_space<vmem>> -> memref<1x16x1408xf32, #tpu.memory_space<vmem>>
        %gather3A_854 = tpu.memref_squeeze %gather3A_853 : memref<1x16x1408xf32, #tpu.memory_space<vmem>> -> memref<16x1408xf32, #tpu.memory_space<vmem>>
        %gather3A_855 = tpu.vector_load_idx %gather3A_854[%iota3A, %add3A_850] : memref<16x1408xf32, #tpu.memory_space<vmem>>[vector<16xi32>, vector<16xi32>], vector<16xf32>,
        %add3A_856 = arith.addi %broadcast_in_dim3A_825, %broadcast_in_dim3A_11 : vector<16xi32>
        %gather3A_857 = arith.constant 0 : i32
        %gather3A_858 = arith.constant 0 : i32
        %gather3A_859 = tpu.memref_slice %arg5[%scan3A_475, %gather3A_857, %gather3A_858] : memref<2x16x1408xf32, #tpu.memory_space<vmem>> -> memref<1x16x1408xf32, #tpu.memory_space<vmem>>
        %gather3A_860 = tpu.memref_squeeze %gather3A_859 : memref<1x16x1408xf32, #tpu.memory_space<vmem>> -> memref<16x1408xf32, #tpu.memory_space<vmem>>
        %gather3A_861 = tpu.vector_load_idx %gather3A_860[%iota3A, %add3A_856] : memref<16x1408xf32, #tpu.memory_space<vmem>>[vector<16xi32>, vector<16xi32>], vector<16xf32>,
        %add3A_862 = arith.addi %broadcast_in_dim3A_825, %broadcast_in_dim3A_13 : vector<16xi32>
        %gather3A_863 = arith.constant 0 : i32
        %gather3A_864 = arith.constant 0 : i32
        %gather3A_865 = tpu.memref_slice %arg5[%scan3A_475, %gather3A_863, %gather3A_864] : memref<2x16x1408xf32, #tpu.memory_space<vmem>> -> memref<1x16x1408xf32, #tpu.memory_space<vmem>>
        %gather3A_866 = tpu.memref_squeeze %gather3A_865 : memref<1x16x1408xf32, #tpu.memory_space<vmem>> -> memref<16x1408xf32, #tpu.memory_space<vmem>>
        %gather3A_867 = tpu.vector_load_idx %gather3A_866[%iota3A, %add3A_862] : memref<16x1408xf32, #tpu.memory_space<vmem>>[vector<16xi32>, vector<16xi32>], vector<16xf32>,
        %add3A_868 = arith.addi %broadcast_in_dim3A_825, %broadcast_in_dim3A_15 : vector<16xi32>
        %gather3A_869 = arith.constant 0 : i32
        %gather3A_870 = arith.constant 0 : i32
        %gather3A_871 = tpu.memref_slice %arg5[%scan3A_475, %gather3A_869, %gather3A_870] : memref<2x16x1408xf32, #tpu.memory_space<vmem>> -> memref<1x16x1408xf32, #tpu.memory_space<vmem>>
        %gather3A_872 = tpu.memref_squeeze %gather3A_871 : memref<1x16x1408xf32, #tpu.memory_space<vmem>> -> memref<16x1408xf32, #tpu.memory_space<vmem>>
        %gather3A_873 = tpu.vector_load_idx %gather3A_872[%iota3A, %add3A_868] : memref<16x1408xf32, #tpu.memory_space<vmem>>[vector<16xi32>, vector<16xi32>], vector<16xf32>,
        %mul3A_874 = arith.constant 4 : i32
        %mul3A_875 = arith.muli %add3A_816, %mul3A_874 : i32
        %add3A_876 = arith.constant 0 : i32
        %add3A_877 = arith.addi %mul3A_875, %add3A_876 : i32
        %add3A_878 = arith.constant 1 : i32
        %add3A_879 = arith.addi %add3A_877, %add3A_878 : i32
        %mul3A_880 = arith.constant 8 : i32
        %mul3A_881 = arith.muli %add3A_879, %mul3A_880 : i32
        %broadcast_in_dim3A_882 = vector.broadcast %mul3A_881 : i32 to vector<16xi32>
        %broadcast_in_dim3A_883 = vector.broadcast %add3A_879 : i32 to vector<16xi32>
        %add3A_884 = arith.addi %broadcast_in_dim3A_882, %broadcast_in_dim3A_1 : vector<16xi32>
        %gather3A_885 = arith.constant 0 : i32
        %gather3A_886 = arith.constant 0 : i32
        %gather3A_887 = tpu.memref_slice %arg5[%scan3A_475, %gather3A_885, %gather3A_886] : memref<2x16x1408xf32, #tpu.memory_space<vmem>> -> memref<1x16x1408xf32, #tpu.memory_space<vmem>>
        %gather3A_888 = tpu.memref_squeeze %gather3A_887 : memref<1x16x1408xf32, #tpu.memory_space<vmem>> -> memref<16x1408xf32, #tpu.memory_space<vmem>>
        %gather3A_889 = tpu.vector_load_idx %gather3A_888[%iota3A, %add3A_884] : memref<16x1408xf32, #tpu.memory_space<vmem>>[vector<16xi32>, vector<16xi32>], vector<16xf32>,
        %add3A_890 = arith.addi %broadcast_in_dim3A_882, %broadcast_in_dim3A_3 : vector<16xi32>
        %gather3A_891 = arith.constant 0 : i32
        %gather3A_892 = arith.constant 0 : i32
        %gather3A_893 = tpu.memref_slice %arg5[%scan3A_475, %gather3A_891, %gather3A_892] : memref<2x16x1408xf32, #tpu.memory_space<vmem>> -> memref<1x16x1408xf32, #tpu.memory_space<vmem>>
        %gather3A_894 = tpu.memref_squeeze %gather3A_893 : memref<1x16x1408xf32, #tpu.memory_space<vmem>> -> memref<16x1408xf32, #tpu.memory_space<vmem>>
        %gather3A_895 = tpu.vector_load_idx %gather3A_894[%iota3A, %add3A_890] : memref<16x1408xf32, #tpu.memory_space<vmem>>[vector<16xi32>, vector<16xi32>], vector<16xf32>,
        %add3A_896 = arith.addi %broadcast_in_dim3A_882, %broadcast_in_dim3A_5 : vector<16xi32>
        %gather3A_897 = arith.constant 0 : i32
        %gather3A_898 = arith.constant 0 : i32
        %gather3A_899 = tpu.memref_slice %arg5[%scan3A_475, %gather3A_897, %gather3A_898] : memref<2x16x1408xf32, #tpu.memory_space<vmem>> -> memref<1x16x1408xf32, #tpu.memory_space<vmem>>
        %gather3A_900 = tpu.memref_squeeze %gather3A_899 : memref<1x16x1408xf32, #tpu.memory_space<vmem>> -> memref<16x1408xf32, #tpu.memory_space<vmem>>
        %gather3A_901 = tpu.vector_load_idx %gather3A_900[%iota3A, %add3A_896] : memref<16x1408xf32, #tpu.memory_space<vmem>>[vector<16xi32>, vector<16xi32>], vector<16xf32>,
        %add3A_902 = arith.addi %broadcast_in_dim3A_882, %broadcast_in_dim3A_7 : vector<16xi32>
        %gather3A_903 = arith.constant 0 : i32
        %gather3A_904 = arith.constant 0 : i32
        %gather3A_905 = tpu.memref_slice %arg5[%scan3A_475, %gather3A_903, %gather3A_904] : memref<2x16x1408xf32, #tpu.memory_space<vmem>> -> memref<1x16x1408xf32, #tpu.memory_space<vmem>>
        %gather3A_906 = tpu.memref_squeeze %gather3A_905 : memref<1x16x1408xf32, #tpu.memory_space<vmem>> -> memref<16x1408xf32, #tpu.memory_space<vmem>>
        %gather3A_907 = tpu.vector_load_idx %gather3A_906[%iota3A, %add3A_902] : memref<16x1408xf32, #tpu.memory_space<vmem>>[vector<16xi32>, vector<16xi32>], vector<16xf32>,
        %add3A_908 = arith.addi %broadcast_in_dim3A_882, %broadcast_in_dim3A_9 : vector<16xi32>
        %gather3A_909 = arith.constant 0 : i32
        %gather3A_910 = arith.constant 0 : i32
        %gather3A_911 = tpu.memref_slice %arg5[%scan3A_475, %gather3A_909, %gather3A_910] : memref<2x16x1408xf32, #tpu.memory_space<vmem>> -> memref<1x16x1408xf32, #tpu.memory_space<vmem>>
        %gather3A_912 = tpu.memref_squeeze %gather3A_911 : memref<1x16x1408xf32, #tpu.memory_space<vmem>> -> memref<16x1408xf32, #tpu.memory_space<vmem>>
        %gather3A_913 = tpu.vector_load_idx %gather3A_912[%iota3A, %add3A_908] : memref<16x1408xf32, #tpu.memory_space<vmem>>[vector<16xi32>, vector<16xi32>], vector<16xf32>,
        %add3A_914 = arith.addi %broadcast_in_dim3A_882, %broadcast_in_dim3A_11 : vector<16xi32>
        %gather3A_915 = arith.constant 0 : i32
        %gather3A_916 = arith.constant 0 : i32
        %gather3A_917 = tpu.memref_slice %arg5[%scan3A_475, %gather3A_915, %gather3A_916] : memref<2x16x1408xf32, #tpu.memory_space<vmem>> -> memref<1x16x1408xf32, #tpu.memory_space<vmem>>
        %gather3A_918 = tpu.memref_squeeze %gather3A_917 : memref<1x16x1408xf32, #tpu.memory_space<vmem>> -> memref<16x1408xf32, #tpu.memory_space<vmem>>
        %gather3A_919 = tpu.vector_load_idx %gather3A_918[%iota3A, %add3A_914] : memref<16x1408xf32, #tpu.memory_space<vmem>>[vector<16xi32>, vector<16xi32>], vector<16xf32>,
        %add3A_920 = arith.addi %broadcast_in_dim3A_882, %broadcast_in_dim3A_13 : vector<16xi32>
        %gather3A_921 = arith.constant 0 : i32
        %gather3A_922 = arith.constant 0 : i32
        %gather3A_923 = tpu.memref_slice %arg5[%scan3A_475, %gather3A_921, %gather3A_922] : memref<2x16x1408xf32, #tpu.memory_space<vmem>> -> memref<1x16x1408xf32, #tpu.memory_space<vmem>>
        %gather3A_924 = tpu.memref_squeeze %gather3A_923 : memref<1x16x1408xf32, #tpu.memory_space<vmem>> -> memref<16x1408xf32, #tpu.memory_space<vmem>>
        %gather3A_925 = tpu.vector_load_idx %gather3A_924[%iota3A, %add3A_920] : memref<16x1408xf32, #tpu.memory_space<vmem>>[vector<16xi32>, vector<16xi32>], vector<16xf32>,
        %add3A_926 = arith.addi %broadcast_in_dim3A_882, %broadcast_in_dim3A_15 : vector<16xi32>
        %gather3A_927 = arith.constant 0 : i32
        %gather3A_928 = arith.constant 0 : i32
        %gather3A_929 = tpu.memref_slice %arg5[%scan3A_475, %gather3A_927, %gather3A_928] : memref<2x16x1408xf32, #tpu.memory_space<vmem>> -> memref<1x16x1408xf32, #tpu.memory_space<vmem>>
        %gather3A_930 = tpu.memref_squeeze %gather3A_929 : memref<1x16x1408xf32, #tpu.memory_space<vmem>> -> memref<16x1408xf32, #tpu.memory_space<vmem>>
        %gather3A_931 = tpu.vector_load_idx %gather3A_930[%iota3A, %add3A_926] : memref<16x1408xf32, #tpu.memory_space<vmem>>[vector<16xi32>, vector<16xi32>], vector<16xf32>,
        %scatter3A = arith.constant 0 : i32
        %scatter3A_932 = arith.constant 0 : i32
        %scatter3A_933 = tpu.memref_slice %arg6[%scan3A_476, %scatter3A, %scatter3A_932] : memref<2x176x128xf32, #tpu.memory_space<vmem>> -> memref<1x176x128xf32, #tpu.memory_space<vmem>>
        %scatter3A_934 = tpu.memref_squeeze %scatter3A_933 : memref<1x176x128xf32, #tpu.memory_space<vmem>> -> memref<176x128xf32, #tpu.memory_space<vmem>>
        tpu.vector_store_idx %scatter3A_934[%broadcast_in_dim3A_826, %add3A_18], %gather3A_831 : memref<176x128xf32, #tpu.memory_space<vmem>>[vector<16xi32>, vector<16xi32>], vector<16xf32>,
        %scatter3A_935 = arith.constant 0 : i32
        %scatter3A_936 = arith.constant 0 : i32
        %scatter3A_937 = tpu.memref_slice %arg6[%scan3A_476, %scatter3A_935, %scatter3A_936] : memref<2x176x128xf32, #tpu.memory_space<vmem>> -> memref<1x176x128xf32, #tpu.memory_space<vmem>>
        %scatter3A_938 = tpu.memref_squeeze %scatter3A_937 : memref<1x176x128xf32, #tpu.memory_space<vmem>> -> memref<176x128xf32, #tpu.memory_space<vmem>>
        tpu.vector_store_idx %scatter3A_938[%broadcast_in_dim3A_826, %add3A_21], %gather3A_837 : memref<176x128xf32, #tpu.memory_space<vmem>>[vector<16xi32>, vector<16xi32>], vector<16xf32>,
        %scatter3A_939 = arith.constant 0 : i32
        %scatter3A_940 = arith.constant 0 : i32
        %scatter3A_941 = tpu.memref_slice %arg6[%scan3A_476, %scatter3A_939, %scatter3A_940] : memref<2x176x128xf32, #tpu.memory_space<vmem>> -> memref<1x176x128xf32, #tpu.memory_space<vmem>>
        %scatter3A_942 = tpu.memref_squeeze %scatter3A_941 : memref<1x176x128xf32, #tpu.memory_space<vmem>> -> memref<176x128xf32, #tpu.memory_space<vmem>>
        tpu.vector_store_idx %scatter3A_942[%broadcast_in_dim3A_826, %add3A_24], %gather3A_843 : memref<176x128xf32, #tpu.memory_space<vmem>>[vector<16xi32>, vector<16xi32>], vector<16xf32>,
        %scatter3A_943 = arith.constant 0 : i32
        %scatter3A_944 = arith.constant 0 : i32
        %scatter3A_945 = tpu.memref_slice %arg6[%scan3A_476, %scatter3A_943, %scatter3A_944] : memref<2x176x128xf32, #tpu.memory_space<vmem>> -> memref<1x176x128xf32, #tpu.memory_space<vmem>>
        %scatter3A_946 = tpu.memref_squeeze %scatter3A_945 : memref<1x176x128xf32, #tpu.memory_space<vmem>> -> memref<176x128xf32, #tpu.memory_space<vmem>>
        tpu.vector_store_idx %scatter3A_946[%broadcast_in_dim3A_826, %add3A_27], %gather3A_849 : memref<176x128xf32, #tpu.memory_space<vmem>>[vector<16xi32>, vector<16xi32>], vector<16xf32>,
        %scatter3A_947 = arith.constant 0 : i32
        %scatter3A_948 = arith.constant 0 : i32
        %scatter3A_949 = tpu.memref_slice %arg6[%scan3A_476, %scatter3A_947, %scatter3A_948] : memref<2x176x128xf32, #tpu.memory_space<vmem>> -> memref<1x176x128xf32, #tpu.memory_space<vmem>>
        %scatter3A_950 = tpu.memref_squeeze %scatter3A_949 : memref<1x176x128xf32, #tpu.memory_space<vmem>> -> memref<176x128xf32, #tpu.memory_space<vmem>>
        tpu.vector_store_idx %scatter3A_950[%broadcast_in_dim3A_826, %add3A_30], %gather3A_855 : memref<176x128xf32, #tpu.memory_space<vmem>>[vector<16xi32>, vector<16xi32>], vector<16xf32>,
        %scatter3A_951 = arith.constant 0 : i32
        %scatter3A_952 = arith.constant 0 : i32
        %scatter3A_953 = tpu.memref_slice %arg6[%scan3A_476, %scatter3A_951, %scatter3A_952] : memref<2x176x128xf32, #tpu.memory_space<vmem>> -> memref<1x176x128xf32, #tpu.memory_space<vmem>>
        %scatter3A_954 = tpu.memref_squeeze %scatter3A_953 : memref<1x176x128xf32, #tpu.memory_space<vmem>> -> memref<176x128xf32, #tpu.memory_space<vmem>>
        tpu.vector_store_idx %scatter3A_954[%broadcast_in_dim3A_826, %add3A_33], %gather3A_861 : memref<176x128xf32, #tpu.memory_space<vmem>>[vector<16xi32>, vector<16xi32>], vector<16xf32>,
        %scatter3A_955 = arith.constant 0 : i32
        %scatter3A_956 = arith.constant 0 : i32
        %scatter3A_957 = tpu.memref_slice %arg6[%scan3A_476, %scatter3A_955, %scatter3A_956] : memref<2x176x128xf32, #tpu.memory_space<vmem>> -> memref<1x176x128xf32, #tpu.memory_space<vmem>>
        %scatter3A_958 = tpu.memref_squeeze %scatter3A_957 : memref<1x176x128xf32, #tpu.memory_space<vmem>> -> memref<176x128xf32, #tpu.memory_space<vmem>>
        tpu.vector_store_idx %scatter3A_958[%broadcast_in_dim3A_826, %add3A_36], %gather3A_867 : memref<176x128xf32, #tpu.memory_space<vmem>>[vector<16xi32>, vector<16xi32>], vector<16xf32>,
        %scatter3A_959 = arith.constant 0 : i32
        %scatter3A_960 = arith.constant 0 : i32
        %scatter3A_961 = tpu.memref_slice %arg6[%scan3A_476, %scatter3A_959, %scatter3A_960] : memref<2x176x128xf32, #tpu.memory_space<vmem>> -> memref<1x176x128xf32, #tpu.memory_space<vmem>>
        %scatter3A_962 = tpu.memref_squeeze %scatter3A_961 : memref<1x176x128xf32, #tpu.memory_space<vmem>> -> memref<176x128xf32, #tpu.memory_space<vmem>>
        tpu.vector_store_idx %scatter3A_962[%broadcast_in_dim3A_826, %add3A_39], %gather3A_873 : memref<176x128xf32, #tpu.memory_space<vmem>>[vector<16xi32>, vector<16xi32>], vector<16xf32>,
        %scatter3A_963 = arith.constant 0 : i32
        %scatter3A_964 = arith.constant 0 : i32
        %scatter3A_965 = tpu.memref_slice %arg6[%scan3A_476, %scatter3A_963, %scatter3A_964] : memref<2x176x128xf32, #tpu.memory_space<vmem>> -> memref<1x176x128xf32, #tpu.memory_space<vmem>>
        %scatter3A_966 = tpu.memref_squeeze %scatter3A_965 : memref<1x176x128xf32, #tpu.memory_space<vmem>> -> memref<176x128xf32, #tpu.memory_space<vmem>>
        tpu.vector_store_idx %scatter3A_966[%broadcast_in_dim3A_883, %add3A_18], %gather3A_889 : memref<176x128xf32, #tpu.memory_space<vmem>>[vector<16xi32>, vector<16xi32>], vector<16xf32>,
        %scatter3A_967 = arith.constant 0 : i32
        %scatter3A_968 = arith.constant 0 : i32
        %scatter3A_969 = tpu.memref_slice %arg6[%scan3A_476, %scatter3A_967, %scatter3A_968] : memref<2x176x128xf32, #tpu.memory_space<vmem>> -> memref<1x176x128xf32, #tpu.memory_space<vmem>>
        %scatter3A_970 = tpu.memref_squeeze %scatter3A_969 : memref<1x176x128xf32, #tpu.memory_space<vmem>> -> memref<176x128xf32, #tpu.memory_space<vmem>>
        tpu.vector_store_idx %scatter3A_970[%broadcast_in_dim3A_883, %add3A_21], %gather3A_895 : memref<176x128xf32, #tpu.memory_space<vmem>>[vector<16xi32>, vector<16xi32>], vector<16xf32>,
        %scatter3A_971 = arith.constant 0 : i32
        %scatter3A_972 = arith.constant 0 : i32
        %scatter3A_973 = tpu.memref_slice %arg6[%scan3A_476, %scatter3A_971, %scatter3A_972] : memref<2x176x128xf32, #tpu.memory_space<vmem>> -> memref<1x176x128xf32, #tpu.memory_space<vmem>>
        %scatter3A_974 = tpu.memref_squeeze %scatter3A_973 : memref<1x176x128xf32, #tpu.memory_space<vmem>> -> memref<176x128xf32, #tpu.memory_space<vmem>>
        tpu.vector_store_idx %scatter3A_974[%broadcast_in_dim3A_883, %add3A_24], %gather3A_901 : memref<176x128xf32, #tpu.memory_space<vmem>>[vector<16xi32>, vector<16xi32>], vector<16xf32>,
        %scatter3A_975 = arith.constant 0 : i32
        %scatter3A_976 = arith.constant 0 : i32
        %scatter3A_977 = tpu.memref_slice %arg6[%scan3A_476, %scatter3A_975, %scatter3A_976] : memref<2x176x128xf32, #tpu.memory_space<vmem>> -> memref<1x176x128xf32, #tpu.memory_space<vmem>>
        %scatter3A_978 = tpu.memref_squeeze %scatter3A_977 : memref<1x176x128xf32, #tpu.memory_space<vmem>> -> memref<176x128xf32, #tpu.memory_space<vmem>>
        tpu.vector_store_idx %scatter3A_978[%broadcast_in_dim3A_883, %add3A_27], %gather3A_907 : memref<176x128xf32, #tpu.memory_space<vmem>>[vector<16xi32>, vector<16xi32>], vector<16xf32>,
        %scatter3A_979 = arith.constant 0 : i32
        %scatter3A_980 = arith.constant 0 : i32
        %scatter3A_981 = tpu.memref_slice %arg6[%scan3A_476, %scatter3A_979, %scatter3A_980] : memref<2x176x128xf32, #tpu.memory_space<vmem>> -> memref<1x176x128xf32, #tpu.memory_space<vmem>>
        %scatter3A_982 = tpu.memref_squeeze %scatter3A_981 : memref<1x176x128xf32, #tpu.memory_space<vmem>> -> memref<176x128xf32, #tpu.memory_space<vmem>>
        tpu.vector_store_idx %scatter3A_982[%broadcast_in_dim3A_883, %add3A_30], %gather3A_913 : memref<176x128xf32, #tpu.memory_space<vmem>>[vector<16xi32>, vector<16xi32>], vector<16xf32>,
        %scatter3A_983 = arith.constant 0 : i32
        %scatter3A_984 = arith.constant 0 : i32
        %scatter3A_985 = tpu.memref_slice %arg6[%scan3A_476, %scatter3A_983, %scatter3A_984] : memref<2x176x128xf32, #tpu.memory_space<vmem>> -> memref<1x176x128xf32, #tpu.memory_space<vmem>>
        %scatter3A_986 = tpu.memref_squeeze %scatter3A_985 : memref<1x176x128xf32, #tpu.memory_space<vmem>> -> memref<176x128xf32, #tpu.memory_space<vmem>>
        tpu.vector_store_idx %scatter3A_986[%broadcast_in_dim3A_883, %add3A_33], %gather3A_919 : memref<176x128xf32, #tpu.memory_space<vmem>>[vector<16xi32>, vector<16xi32>], vector<16xf32>,
        %scatter3A_987 = arith.constant 0 : i32
        %scatter3A_988 = arith.constant 0 : i32
        %scatter3A_989 = tpu.memref_slice %arg6[%scan3A_476, %scatter3A_987, %scatter3A_988] : memref<2x176x128xf32, #tpu.memory_space<vmem>> -> memref<1x176x128xf32, #tpu.memory_space<vmem>>
        %scatter3A_990 = tpu.memref_squeeze %scatter3A_989 : memref<1x176x128xf32, #tpu.memory_space<vmem>> -> memref<176x128xf32, #tpu.memory_space<vmem>>
        tpu.vector_store_idx %scatter3A_990[%broadcast_in_dim3A_883, %add3A_36], %gather3A_925 : memref<176x128xf32, #tpu.memory_space<vmem>>[vector<16xi32>, vector<16xi32>], vector<16xf32>,
        %scatter3A_991 = arith.constant 0 : i32
        %scatter3A_992 = arith.constant 0 : i32
        %scatter3A_993 = tpu.memref_slice %arg6[%scan3A_476, %scatter3A_991, %scatter3A_992] : memref<2x176x128xf32, #tpu.memory_space<vmem>> -> memref<1x176x128xf32, #tpu.memory_space<vmem>>
        %scatter3A_994 = tpu.memref_squeeze %scatter3A_993 : memref<1x176x128xf32, #tpu.memory_space<vmem>> -> memref<176x128xf32, #tpu.memory_space<vmem>>
        tpu.vector_store_idx %scatter3A_994[%broadcast_in_dim3A_883, %add3A_39], %gather3A_931 : memref<176x128xf32, #tpu.memory_space<vmem>>[vector<16xi32>, vector<16xi32>], vector<16xf32>,
        %mul3A_995 = arith.constant 4 : i32
        %mul3A_996 = arith.muli %add3A_816, %mul3A_995 : i32
        %add3A_997 = arith.constant 2 : i32
        %add3A_998 = arith.addi %mul3A_996, %add3A_997 : i32
        %add3A_999 = arith.constant 0 : i32
        %add3A_1000 = arith.addi %add3A_998, %add3A_999 : i32
        %mul3A_1001 = arith.constant 8 : i32
        %mul3A_1002 = arith.muli %add3A_1000, %mul3A_1001 : i32
        %broadcast_in_dim3A_1003 = vector.broadcast %mul3A_1002 : i32 to vector<16xi32>
        %broadcast_in_dim3A_1004 = vector.broadcast %add3A_1000 : i32 to vector<16xi32>
        %add3A_1005 = arith.addi %broadcast_in_dim3A_1003, %broadcast_in_dim3A_1 : vector<16xi32>
        %gather3A_1006 = arith.constant 0 : i32
        %gather3A_1007 = arith.constant 0 : i32
        %gather3A_1008 = tpu.memref_slice %arg5[%scan3A_475, %gather3A_1006, %gather3A_1007] : memref<2x16x1408xf32, #tpu.memory_space<vmem>> -> memref<1x16x1408xf32, #tpu.memory_space<vmem>>
        %gather3A_1009 = tpu.memref_squeeze %gather3A_1008 : memref<1x16x1408xf32, #tpu.memory_space<vmem>> -> memref<16x1408xf32, #tpu.memory_space<vmem>>
        %gather3A_1010 = tpu.vector_load_idx %gather3A_1009[%iota3A, %add3A_1005] : memref<16x1408xf32, #tpu.memory_space<vmem>>[vector<16xi32>, vector<16xi32>], vector<16xf32>,
        %add3A_1011 = arith.addi %broadcast_in_dim3A_1003, %broadcast_in_dim3A_3 : vector<16xi32>
        %gather3A_1012 = arith.constant 0 : i32
        %gather3A_1013 = arith.constant 0 : i32
        %gather3A_1014 = tpu.memref_slice %arg5[%scan3A_475, %gather3A_1012, %gather3A_1013] : memref<2x16x1408xf32, #tpu.memory_space<vmem>> -> memref<1x16x1408xf32, #tpu.memory_space<vmem>>
        %gather3A_1015 = tpu.memref_squeeze %gather3A_1014 : memref<1x16x1408xf32, #tpu.memory_space<vmem>> -> memref<16x1408xf32, #tpu.memory_space<vmem>>
        %gather3A_1016 = tpu.vector_load_idx %gather3A_1015[%iota3A, %add3A_1011] : memref<16x1408xf32, #tpu.memory_space<vmem>>[vector<16xi32>, vector<16xi32>], vector<16xf32>,
        %add3A_1017 = arith.addi %broadcast_in_dim3A_1003, %broadcast_in_dim3A_5 : vector<16xi32>
        %gather3A_1018 = arith.constant 0 : i32
        %gather3A_1019 = arith.constant 0 : i32
        %gather3A_1020 = tpu.memref_slice %arg5[%scan3A_475, %gather3A_1018, %gather3A_1019] : memref<2x16x1408xf32, #tpu.memory_space<vmem>> -> memref<1x16x1408xf32, #tpu.memory_space<vmem>>
        %gather3A_1021 = tpu.memref_squeeze %gather3A_1020 : memref<1x16x1408xf32, #tpu.memory_space<vmem>> -> memref<16x1408xf32, #tpu.memory_space<vmem>>
        %gather3A_1022 = tpu.vector_load_idx %gather3A_1021[%iota3A, %add3A_1017] : memref<16x1408xf32, #tpu.memory_space<vmem>>[vector<16xi32>, vector<16xi32>], vector<16xf32>,
        %add3A_1023 = arith.addi %broadcast_in_dim3A_1003, %broadcast_in_dim3A_7 : vector<16xi32>
        %gather3A_1024 = arith.constant 0 : i32
        %gather3A_1025 = arith.constant 0 : i32
        %gather3A_1026 = tpu.memref_slice %arg5[%scan3A_475, %gather3A_1024, %gather3A_1025] : memref<2x16x1408xf32, #tpu.memory_space<vmem>> -> memref<1x16x1408xf32, #tpu.memory_space<vmem>>
        %gather3A_1027 = tpu.memref_squeeze %gather3A_1026 : memref<1x16x1408xf32, #tpu.memory_space<vmem>> -> memref<16x1408xf32, #tpu.memory_space<vmem>>
        %gather3A_1028 = tpu.vector_load_idx %gather3A_1027[%iota3A, %add3A_1023] : memref<16x1408xf32, #tpu.memory_space<vmem>>[vector<16xi32>, vector<16xi32>], vector<16xf32>,
        %add3A_1029 = arith.addi %broadcast_in_dim3A_1003, %broadcast_in_dim3A_9 : vector<16xi32>
        %gather3A_1030 = arith.constant 0 : i32
        %gather3A_1031 = arith.constant 0 : i32
        %gather3A_1032 = tpu.memref_slice %arg5[%scan3A_475, %gather3A_1030, %gather3A_1031] : memref<2x16x1408xf32, #tpu.memory_space<vmem>> -> memref<1x16x1408xf32, #tpu.memory_space<vmem>>
        %gather3A_1033 = tpu.memref_squeeze %gather3A_1032 : memref<1x16x1408xf32, #tpu.memory_space<vmem>> -> memref<16x1408xf32, #tpu.memory_space<vmem>>
        %gather3A_1034 = tpu.vector_load_idx %gather3A_1033[%iota3A, %add3A_1029] : memref<16x1408xf32, #tpu.memory_space<vmem>>[vector<16xi32>, vector<16xi32>], vector<16xf32>,
        %add3A_1035 = arith.addi %broadcast_in_dim3A_1003, %broadcast_in_dim3A_11 : vector<16xi32>
        %gather3A_1036 = arith.constant 0 : i32
        %gather3A_1037 = arith.constant 0 : i32
        %gather3A_1038 = tpu.memref_slice %arg5[%scan3A_475, %gather3A_1036, %gather3A_1037] : memref<2x16x1408xf32, #tpu.memory_space<vmem>> -> memref<1x16x1408xf32, #tpu.memory_space<vmem>>
        %gather3A_1039 = tpu.memref_squeeze %gather3A_1038 : memref<1x16x1408xf32, #tpu.memory_space<vmem>> -> memref<16x1408xf32, #tpu.memory_space<vmem>>
        %gather3A_1040 = tpu.vector_load_idx %gather3A_1039[%iota3A, %add3A_1035] : memref<16x1408xf32, #tpu.memory_space<vmem>>[vector<16xi32>, vector<16xi32>], vector<16xf32>,
        %add3A_1041 = arith.addi %broadcast_in_dim3A_1003, %broadcast_in_dim3A_13 : vector<16xi32>
        %gather3A_1042 = arith.constant 0 : i32
        %gather3A_1043 = arith.constant 0 : i32
        %gather3A_1044 = tpu.memref_slice %arg5[%scan3A_475, %gather3A_1042, %gather3A_1043] : memref<2x16x1408xf32, #tpu.memory_space<vmem>> -> memref<1x16x1408xf32, #tpu.memory_space<vmem>>
        %gather3A_1045 = tpu.memref_squeeze %gather3A_1044 : memref<1x16x1408xf32, #tpu.memory_space<vmem>> -> memref<16x1408xf32, #tpu.memory_space<vmem>>
        %gather3A_1046 = tpu.vector_load_idx %gather3A_1045[%iota3A, %add3A_1041] : memref<16x1408xf32, #tpu.memory_space<vmem>>[vector<16xi32>, vector<16xi32>], vector<16xf32>,
        %add3A_1047 = arith.addi %broadcast_in_dim3A_1003, %broadcast_in_dim3A_15 : vector<16xi32>
        %gather3A_1048 = arith.constant 0 : i32
        %gather3A_1049 = arith.constant 0 : i32
        %gather3A_1050 = tpu.memref_slice %arg5[%scan3A_475, %gather3A_1048, %gather3A_1049] : memref<2x16x1408xf32, #tpu.memory_space<vmem>> -> memref<1x16x1408xf32, #tpu.memory_space<vmem>>
        %gather3A_1051 = tpu.memref_squeeze %gather3A_1050 : memref<1x16x1408xf32, #tpu.memory_space<vmem>> -> memref<16x1408xf32, #tpu.memory_space<vmem>>
        %gather3A_1052 = tpu.vector_load_idx %gather3A_1051[%iota3A, %add3A_1047] : memref<16x1408xf32, #tpu.memory_space<vmem>>[vector<16xi32>, vector<16xi32>], vector<16xf32>,
        %mul3A_1053 = arith.constant 4 : i32
        %mul3A_1054 = arith.muli %add3A_816, %mul3A_1053 : i32
        %add3A_1055 = arith.constant 2 : i32
        %add3A_1056 = arith.addi %mul3A_1054, %add3A_1055 : i32
        %add3A_1057 = arith.constant 1 : i32
        %add3A_1058 = arith.addi %add3A_1056, %add3A_1057 : i32
        %mul3A_1059 = arith.constant 8 : i32
        %mul3A_1060 = arith.muli %add3A_1058, %mul3A_1059 : i32
        %broadcast_in_dim3A_1061 = vector.broadcast %mul3A_1060 : i32 to vector<16xi32>
        %broadcast_in_dim3A_1062 = vector.broadcast %add3A_1058 : i32 to vector<16xi32>
        %add3A_1063 = arith.addi %broadcast_in_dim3A_1061, %broadcast_in_dim3A_1 : vector<16xi32>
        %gather3A_1064 = arith.constant 0 : i32
        %gather3A_1065 = arith.constant 0 : i32
        %gather3A_1066 = tpu.memref_slice %arg5[%scan3A_475, %gather3A_1064, %gather3A_1065] : memref<2x16x1408xf32, #tpu.memory_space<vmem>> -> memref<1x16x1408xf32, #tpu.memory_space<vmem>>
        %gather3A_1067 = tpu.memref_squeeze %gather3A_1066 : memref<1x16x1408xf32, #tpu.memory_space<vmem>> -> memref<16x1408xf32, #tpu.memory_space<vmem>>
        %gather3A_1068 = tpu.vector_load_idx %gather3A_1067[%iota3A, %add3A_1063] : memref<16x1408xf32, #tpu.memory_space<vmem>>[vector<16xi32>, vector<16xi32>], vector<16xf32>,
        %add3A_1069 = arith.addi %broadcast_in_dim3A_1061, %broadcast_in_dim3A_3 : vector<16xi32>
        %gather3A_1070 = arith.constant 0 : i32
        %gather3A_1071 = arith.constant 0 : i32
        %gather3A_1072 = tpu.memref_slice %arg5[%scan3A_475, %gather3A_1070, %gather3A_1071] : memref<2x16x1408xf32, #tpu.memory_space<vmem>> -> memref<1x16x1408xf32, #tpu.memory_space<vmem>>
        %gather3A_1073 = tpu.memref_squeeze %gather3A_1072 : memref<1x16x1408xf32, #tpu.memory_space<vmem>> -> memref<16x1408xf32, #tpu.memory_space<vmem>>
        %gather3A_1074 = tpu.vector_load_idx %gather3A_1073[%iota3A, %add3A_1069] : memref<16x1408xf32, #tpu.memory_space<vmem>>[vector<16xi32>, vector<16xi32>], vector<16xf32>,
        %add3A_1075 = arith.addi %broadcast_in_dim3A_1061, %broadcast_in_dim3A_5 : vector<16xi32>
        %gather3A_1076 = arith.constant 0 : i32
        %gather3A_1077 = arith.constant 0 : i32
        %gather3A_1078 = tpu.memref_slice %arg5[%scan3A_475, %gather3A_1076, %gather3A_1077] : memref<2x16x1408xf32, #tpu.memory_space<vmem>> -> memref<1x16x1408xf32, #tpu.memory_space<vmem>>
        %gather3A_1079 = tpu.memref_squeeze %gather3A_1078 : memref<1x16x1408xf32, #tpu.memory_space<vmem>> -> memref<16x1408xf32, #tpu.memory_space<vmem>>
        %gather3A_1080 = tpu.vector_load_idx %gather3A_1079[%iota3A, %add3A_1075] : memref<16x1408xf32, #tpu.memory_space<vmem>>[vector<16xi32>, vector<16xi32>], vector<16xf32>,
        %add3A_1081 = arith.addi %broadcast_in_dim3A_1061, %broadcast_in_dim3A_7 : vector<16xi32>
        %gather3A_1082 = arith.constant 0 : i32
        %gather3A_1083 = arith.constant 0 : i32
        %gather3A_1084 = tpu.memref_slice %arg5[%scan3A_475, %gather3A_1082, %gather3A_1083] : memref<2x16x1408xf32, #tpu.memory_space<vmem>> -> memref<1x16x1408xf32, #tpu.memory_space<vmem>>
        %gather3A_1085 = tpu.memref_squeeze %gather3A_1084 : memref<1x16x1408xf32, #tpu.memory_space<vmem>> -> memref<16x1408xf32, #tpu.memory_space<vmem>>
        %gather3A_1086 = tpu.vector_load_idx %gather3A_1085[%iota3A, %add3A_1081] : memref<16x1408xf32, #tpu.memory_space<vmem>>[vector<16xi32>, vector<16xi32>], vector<16xf32>,
        %add3A_1087 = arith.addi %broadcast_in_dim3A_1061, %broadcast_in_dim3A_9 : vector<16xi32>
        %gather3A_1088 = arith.constant 0 : i32
        %gather3A_1089 = arith.constant 0 : i32
        %gather3A_1090 = tpu.memref_slice %arg5[%scan3A_475, %gather3A_1088, %gather3A_1089] : memref<2x16x1408xf32, #tpu.memory_space<vmem>> -> memref<1x16x1408xf32, #tpu.memory_space<vmem>>
        %gather3A_1091 = tpu.memref_squeeze %gather3A_1090 : memref<1x16x1408xf32, #tpu.memory_space<vmem>> -> memref<16x1408xf32, #tpu.memory_space<vmem>>
        %gather3A_1092 = tpu.vector_load_idx %gather3A_1091[%iota3A, %add3A_1087] : memref<16x1408xf32, #tpu.memory_space<vmem>>[vector<16xi32>, vector<16xi32>], vector<16xf32>,
        %add3A_1093 = arith.addi %broadcast_in_dim3A_1061, %broadcast_in_dim3A_11 : vector<16xi32>
        %gather3A_1094 = arith.constant 0 : i32
        %gather3A_1095 = arith.constant 0 : i32
        %gather3A_1096 = tpu.memref_slice %arg5[%scan3A_475, %gather3A_1094, %gather3A_1095] : memref<2x16x1408xf32, #tpu.memory_space<vmem>> -> memref<1x16x1408xf32, #tpu.memory_space<vmem>>
        %gather3A_1097 = tpu.memref_squeeze %gather3A_1096 : memref<1x16x1408xf32, #tpu.memory_space<vmem>> -> memref<16x1408xf32, #tpu.memory_space<vmem>>
        %gather3A_1098 = tpu.vector_load_idx %gather3A_1097[%iota3A, %add3A_1093] : memref<16x1408xf32, #tpu.memory_space<vmem>>[vector<16xi32>, vector<16xi32>], vector<16xf32>,
        %add3A_1099 = arith.addi %broadcast_in_dim3A_1061, %broadcast_in_dim3A_13 : vector<16xi32>
        %gather3A_1100 = arith.constant 0 : i32
        %gather3A_1101 = arith.constant 0 : i32
        %gather3A_1102 = tpu.memref_slice %arg5[%scan3A_475, %gather3A_1100, %gather3A_1101] : memref<2x16x1408xf32, #tpu.memory_space<vmem>> -> memref<1x16x1408xf32, #tpu.memory_space<vmem>>
        %gather3A_1103 = tpu.memref_squeeze %gather3A_1102 : memref<1x16x1408xf32, #tpu.memory_space<vmem>> -> memref<16x1408xf32, #tpu.memory_space<vmem>>
        %gather3A_1104 = tpu.vector_load_idx %gather3A_1103[%iota3A, %add3A_1099] : memref<16x1408xf32, #tpu.memory_space<vmem>>[vector<16xi32>, vector<16xi32>], vector<16xf32>,
        %add3A_1105 = arith.addi %broadcast_in_dim3A_1061, %broadcast_in_dim3A_15 : vector<16xi32>
        %gather3A_1106 = arith.constant 0 : i32
        %gather3A_1107 = arith.constant 0 : i32
        %gather3A_1108 = tpu.memref_slice %arg5[%scan3A_475, %gather3A_1106, %gather3A_1107] : memref<2x16x1408xf32, #tpu.memory_space<vmem>> -> memref<1x16x1408xf32, #tpu.memory_space<vmem>>
        %gather3A_1109 = tpu.memref_squeeze %gather3A_1108 : memref<1x16x1408xf32, #tpu.memory_space<vmem>> -> memref<16x1408xf32, #tpu.memory_space<vmem>>
        %gather3A_1110 = tpu.vector_load_idx %gather3A_1109[%iota3A, %add3A_1105] : memref<16x1408xf32, #tpu.memory_space<vmem>>[vector<16xi32>, vector<16xi32>], vector<16xf32>,
        %scatter3A_1111 = arith.constant 0 : i32
        %scatter3A_1112 = arith.constant 0 : i32
        %scatter3A_1113 = tpu.memref_slice %arg6[%scan3A_476, %scatter3A_1111, %scatter3A_1112] : memref<2x176x128xf32, #tpu.memory_space<vmem>> -> memref<1x176x128xf32, #tpu.memory_space<vmem>>
        %scatter3A_1114 = tpu.memref_squeeze %scatter3A_1113 : memref<1x176x128xf32, #tpu.memory_space<vmem>> -> memref<176x128xf32, #tpu.memory_space<vmem>>
        tpu.vector_store_idx %scatter3A_1114[%broadcast_in_dim3A_1004, %add3A_18], %gather3A_1010 : memref<176x128xf32, #tpu.memory_space<vmem>>[vector<16xi32>, vector<16xi32>], vector<16xf32>,
        %scatter3A_1115 = arith.constant 0 : i32
        %scatter3A_1116 = arith.constant 0 : i32
        %scatter3A_1117 = tpu.memref_slice %arg6[%scan3A_476, %scatter3A_1115, %scatter3A_1116] : memref<2x176x128xf32, #tpu.memory_space<vmem>> -> memref<1x176x128xf32, #tpu.memory_space<vmem>>
        %scatter3A_1118 = tpu.memref_squeeze %scatter3A_1117 : memref<1x176x128xf32, #tpu.memory_space<vmem>> -> memref<176x128xf32, #tpu.memory_space<vmem>>
        tpu.vector_store_idx %scatter3A_1118[%broadcast_in_dim3A_1004, %add3A_21], %gather3A_1016 : memref<176x128xf32, #tpu.memory_space<vmem>>[vector<16xi32>, vector<16xi32>], vector<16xf32>,
        %scatter3A_1119 = arith.constant 0 : i32
        %scatter3A_1120 = arith.constant 0 : i32
        %scatter3A_1121 = tpu.memref_slice %arg6[%scan3A_476, %scatter3A_1119, %scatter3A_1120] : memref<2x176x128xf32, #tpu.memory_space<vmem>> -> memref<1x176x128xf32, #tpu.memory_space<vmem>>
        %scatter3A_1122 = tpu.memref_squeeze %scatter3A_1121 : memref<1x176x128xf32, #tpu.memory_space<vmem>> -> memref<176x128xf32, #tpu.memory_space<vmem>>
        tpu.vector_store_idx %scatter3A_1122[%broadcast_in_dim3A_1004, %add3A_24], %gather3A_1022 : memref<176x128xf32, #tpu.memory_space<vmem>>[vector<16xi32>, vector<16xi32>], vector<16xf32>,
        %scatter3A_1123 = arith.constant 0 : i32
        %scatter3A_1124 = arith.constant 0 : i32
        %scatter3A_1125 = tpu.memref_slice %arg6[%scan3A_476, %scatter3A_1123, %scatter3A_1124] : memref<2x176x128xf32, #tpu.memory_space<vmem>> -> memref<1x176x128xf32, #tpu.memory_space<vmem>>
        %scatter3A_1126 = tpu.memref_squeeze %scatter3A_1125 : memref<1x176x128xf32, #tpu.memory_space<vmem>> -> memref<176x128xf32, #tpu.memory_space<vmem>>
        tpu.vector_store_idx %scatter3A_1126[%broadcast_in_dim3A_1004, %add3A_27], %gather3A_1028 : memref<176x128xf32, #tpu.memory_space<vmem>>[vector<16xi32>, vector<16xi32>], vector<16xf32>,
        %scatter3A_1127 = arith.constant 0 : i32
        %scatter3A_1128 = arith.constant 0 : i32
        %scatter3A_1129 = tpu.memref_slice %arg6[%scan3A_476, %scatter3A_1127, %scatter3A_1128] : memref<2x176x128xf32, #tpu.memory_space<vmem>> -> memref<1x176x128xf32, #tpu.memory_space<vmem>>
        %scatter3A_1130 = tpu.memref_squeeze %scatter3A_1129 : memref<1x176x128xf32, #tpu.memory_space<vmem>> -> memref<176x128xf32, #tpu.memory_space<vmem>>
        tpu.vector_store_idx %scatter3A_1130[%broadcast_in_dim3A_1004, %add3A_30], %gather3A_1034 : memref<176x128xf32, #tpu.memory_space<vmem>>[vector<16xi32>, vector<16xi32>], vector<16xf32>,
        %scatter3A_1131 = arith.constant 0 : i32
        %scatter3A_1132 = arith.constant 0 : i32
        %scatter3A_1133 = tpu.memref_slice %arg6[%scan3A_476, %scatter3A_1131, %scatter3A_1132] : memref<2x176x128xf32, #tpu.memory_space<vmem>> -> memref<1x176x128xf32, #tpu.memory_space<vmem>>
        %scatter3A_1134 = tpu.memref_squeeze %scatter3A_1133 : memref<1x176x128xf32, #tpu.memory_space<vmem>> -> memref<176x128xf32, #tpu.memory_space<vmem>>
        tpu.vector_store_idx %scatter3A_1134[%broadcast_in_dim3A_1004, %add3A_33], %gather3A_1040 : memref<176x128xf32, #tpu.memory_space<vmem>>[vector<16xi32>, vector<16xi32>], vector<16xf32>,
        %scatter3A_1135 = arith.constant 0 : i32
        %scatter3A_1136 = arith.constant 0 : i32
        %scatter3A_1137 = tpu.memref_slice %arg6[%scan3A_476, %scatter3A_1135, %scatter3A_1136] : memref<2x176x128xf32, #tpu.memory_space<vmem>> -> memref<1x176x128xf32, #tpu.memory_space<vmem>>
        %scatter3A_1138 = tpu.memref_squeeze %scatter3A_1137 : memref<1x176x128xf32, #tpu.memory_space<vmem>> -> memref<176x128xf32, #tpu.memory_space<vmem>>
        tpu.vector_store_idx %scatter3A_1138[%broadcast_in_dim3A_1004, %add3A_36], %gather3A_1046 : memref<176x128xf32, #tpu.memory_space<vmem>>[vector<16xi32>, vector<16xi32>], vector<16xf32>,
        %scatter3A_1139 = arith.constant 0 : i32
        %scatter3A_1140 = arith.constant 0 : i32
        %scatter3A_1141 = tpu.memref_slice %arg6[%scan3A_476, %scatter3A_1139, %scatter3A_1140] : memref<2x176x128xf32, #tpu.memory_space<vmem>> -> memref<1x176x128xf32, #tpu.memory_space<vmem>>
        %scatter3A_1142 = tpu.memref_squeeze %scatter3A_1141 : memref<1x176x128xf32, #tpu.memory_space<vmem>> -> memref<176x128xf32, #tpu.memory_space<vmem>>
        tpu.vector_store_idx %scatter3A_1142[%broadcast_in_dim3A_1004, %add3A_39], %gather3A_1052 : memref<176x128xf32, #tpu.memory_space<vmem>>[vector<16xi32>, vector<16xi32>], vector<16xf32>,
        %scatter3A_1143 = arith.constant 0 : i32
        %scatter3A_1144 = arith.constant 0 : i32
        %scatter3A_1145 = tpu.memref_slice %arg6[%scan3A_476, %scatter3A_1143, %scatter3A_1144] : memref<2x176x128xf32, #tpu.memory_space<vmem>> -> memref<1x176x128xf32, #tpu.memory_space<vmem>>
        %scatter3A_1146 = tpu.memref_squeeze %scatter3A_1145 : memref<1x176x128xf32, #tpu.memory_space<vmem>> -> memref<176x128xf32, #tpu.memory_space<vmem>>
        tpu.vector_store_idx %scatter3A_1146[%broadcast_in_dim3A_1062, %add3A_18], %gather3A_1068 : memref<176x128xf32, #tpu.memory_space<vmem>>[vector<16xi32>, vector<16xi32>], vector<16xf32>,
        %scatter3A_1147 = arith.constant 0 : i32
        %scatter3A_1148 = arith.constant 0 : i32
        %scatter3A_1149 = tpu.memref_slice %arg6[%scan3A_476, %scatter3A_1147, %scatter3A_1148] : memref<2x176x128xf32, #tpu.memory_space<vmem>> -> memref<1x176x128xf32, #tpu.memory_space<vmem>>
        %scatter3A_1150 = tpu.memref_squeeze %scatter3A_1149 : memref<1x176x128xf32, #tpu.memory_space<vmem>> -> memref<176x128xf32, #tpu.memory_space<vmem>>
        tpu.vector_store_idx %scatter3A_1150[%broadcast_in_dim3A_1062, %add3A_21], %gather3A_1074 : memref<176x128xf32, #tpu.memory_space<vmem>>[vector<16xi32>, vector<16xi32>], vector<16xf32>,
        %scatter3A_1151 = arith.constant 0 : i32
        %scatter3A_1152 = arith.constant 0 : i32
        %scatter3A_1153 = tpu.memref_slice %arg6[%scan3A_476, %scatter3A_1151, %scatter3A_1152] : memref<2x176x128xf32, #tpu.memory_space<vmem>> -> memref<1x176x128xf32, #tpu.memory_space<vmem>>
        %scatter3A_1154 = tpu.memref_squeeze %scatter3A_1153 : memref<1x176x128xf32, #tpu.memory_space<vmem>> -> memref<176x128xf32, #tpu.memory_space<vmem>>
        tpu.vector_store_idx %scatter3A_1154[%broadcast_in_dim3A_1062, %add3A_24], %gather3A_1080 : memref<176x128xf32, #tpu.memory_space<vmem>>[vector<16xi32>, vector<16xi32>], vector<16xf32>,
        %scatter3A_1155 = arith.constant 0 : i32
        %scatter3A_1156 = arith.constant 0 : i32
        %scatter3A_1157 = tpu.memref_slice %arg6[%scan3A_476, %scatter3A_1155, %scatter3A_1156] : memref<2x176x128xf32, #tpu.memory_space<vmem>> -> memref<1x176x128xf32, #tpu.memory_space<vmem>>
        %scatter3A_1158 = tpu.memref_squeeze %scatter3A_1157 : memref<1x176x128xf32, #tpu.memory_space<vmem>> -> memref<176x128xf32, #tpu.memory_space<vmem>>
        tpu.vector_store_idx %scatter3A_1158[%broadcast_in_dim3A_1062, %add3A_27], %gather3A_1086 : memref<176x128xf32, #tpu.memory_space<vmem>>[vector<16xi32>, vector<16xi32>], vector<16xf32>,
        %scatter3A_1159 = arith.constant 0 : i32
        %scatter3A_1160 = arith.constant 0 : i32
        %scatter3A_1161 = tpu.memref_slice %arg6[%scan3A_476, %scatter3A_1159, %scatter3A_1160] : memref<2x176x128xf32, #tpu.memory_space<vmem>> -> memref<1x176x128xf32, #tpu.memory_space<vmem>>
        %scatter3A_1162 = tpu.memref_squeeze %scatter3A_1161 : memref<1x176x128xf32, #tpu.memory_space<vmem>> -> memref<176x128xf32, #tpu.memory_space<vmem>>
        tpu.vector_store_idx %scatter3A_1162[%broadcast_in_dim3A_1062, %add3A_30], %gather3A_1092 : memref<176x128xf32, #tpu.memory_space<vmem>>[vector<16xi32>, vector<16xi32>], vector<16xf32>,
        %scatter3A_1163 = arith.constant 0 : i32
        %scatter3A_1164 = arith.constant 0 : i32
        %scatter3A_1165 = tpu.memref_slice %arg6[%scan3A_476, %scatter3A_1163, %scatter3A_1164] : memref<2x176x128xf32, #tpu.memory_space<vmem>> -> memref<1x176x128xf32, #tpu.memory_space<vmem>>
        %scatter3A_1166 = tpu.memref_squeeze %scatter3A_1165 : memref<1x176x128xf32, #tpu.memory_space<vmem>> -> memref<176x128xf32, #tpu.memory_space<vmem>>
        tpu.vector_store_idx %scatter3A_1166[%broadcast_in_dim3A_1062, %add3A_33], %gather3A_1098 : memref<176x128xf32, #tpu.memory_space<vmem>>[vector<16xi32>, vector<16xi32>], vector<16xf32>,
        %scatter3A_1167 = arith.constant 0 : i32
        %scatter3A_1168 = arith.constant 0 : i32
        %scatter3A_1169 = tpu.memref_slice %arg6[%scan3A_476, %scatter3A_1167, %scatter3A_1168] : memref<2x176x128xf32, #tpu.memory_space<vmem>> -> memref<1x176x128xf32, #tpu.memory_space<vmem>>
        %scatter3A_1170 = tpu.memref_squeeze %scatter3A_1169 : memref<1x176x128xf32, #tpu.memory_space<vmem>> -> memref<176x128xf32, #tpu.memory_space<vmem>>
        tpu.vector_store_idx %scatter3A_1170[%broadcast_in_dim3A_1062, %add3A_36], %gather3A_1104 : memref<176x128xf32, #tpu.memory_space<vmem>>[vector<16xi32>, vector<16xi32>], vector<16xf32>,
        %scatter3A_1171 = arith.constant 0 : i32
        %scatter3A_1172 = arith.constant 0 : i32
        %scatter3A_1173 = tpu.memref_slice %arg6[%scan3A_476, %scatter3A_1171, %scatter3A_1172] : memref<2x176x128xf32, #tpu.memory_space<vmem>> -> memref<1x176x128xf32, #tpu.memory_space<vmem>>
        %scatter3A_1174 = tpu.memref_squeeze %scatter3A_1173 : memref<1x176x128xf32, #tpu.memory_space<vmem>> -> memref<176x128xf32, #tpu.memory_space<vmem>>
        tpu.vector_store_idx %scatter3A_1174[%broadcast_in_dim3A_1062, %add3A_39], %gather3A_1110 : memref<176x128xf32, #tpu.memory_space<vmem>>[vector<16xi32>, vector<16xi32>], vector<16xf32>,
      }
      %scan3A_481 = arith.constant 44 : i32
      %mul3A_482 = arith.constant 32 : i32
      %mul3A_483 = arith.muli %add3A_408, %mul3A_482 : i32
      %add3A_484 = arith.addi %mul3A_483, %add3A : i32
      %min3A_485 = arith.constant 1845 : i32
      %min3A_486 = arith.minsi %add3A_484, %min3A_485 : i32
      %jit3A_487 = arith.constant 71 : i32
      %div3A_488 = arith.divsi %min3A_486, %jit3A_487 : i32
      %sign3A_489 = arith.constant 0 : i32
      %sign3A_490 = arith.cmpi sgt, %min3A_486, %sign3A_489 : i32
      %sign3A_491 = arith.extui %sign3A_490 : i1 to i32
      %sign3A_492 = arith.constant 0 : i32
      %sign3A_493 = arith.cmpi slt, %min3A_486, %sign3A_492 : i32
      %sign3A_494 = arith.extui %sign3A_493 : i1 to i32
      %sign3A_495 = arith.subi %sign3A_491, %sign3A_494 : i32
      %sign3A_496 = arith.constant 0 : i32
      %sign3A_497 = arith.cmpi sgt, %jit3A_487, %sign3A_496 : i32
      %sign3A_498 = arith.extui %sign3A_497 : i1 to i32
      %sign3A_499 = arith.constant 0 : i32
      %sign3A_500 = arith.cmpi slt, %jit3A_487, %sign3A_499 : i32
      %sign3A_501 = arith.extui %sign3A_500 : i1 to i32
      %sign3A_502 = arith.subi %sign3A_498, %sign3A_501 : i32
      %ne3A_503 = arith.cmpi ne, %sign3A_495, %sign3A_502 : i32
      %rem3A_504 = arith.remsi %min3A_486, %jit3A_487 : i32
      %ne3A_505 = arith.constant 0 : i32
      %ne3A_506 = arith.cmpi ne, %rem3A_504, %ne3A_505 : i32
      %and3A_507 = arith.andi %ne3A_503, %ne3A_506 : i1
      %sub3A_508 = arith.constant 1 : i32
      %sub3A_509 = arith.subi %div3A_488, %sub3A_508 : i32
      %select_n3A_510 = arith.select %and3A_507, %sub3A_509, %div3A_488 : i32
      %jit3A_511 = arith.constant 71 : i32
      %eq3A_512 = arith.constant 0 : i32
      %eq3A_513 = arith.cmpi eq, %jit3A_511, %eq3A_512 : i32
      %jit3A_514 = arith.constant 1 : i32
      %select_n3A_515 = arith.select %eq3A_513, %jit3A_514, %jit3A_511 : i32
      %rem3A_516 = arith.remsi %min3A_486, %select_n3A_515 : i32
      %ne3A_517 = arith.constant 0 : i32
      %ne3A_518 = arith.cmpi ne, %rem3A_516, %ne3A_517 : i32
      %lt3A_519 = arith.constant 0 : i32
      %lt3A_520 = arith.cmpi slt, %rem3A_516, %lt3A_519 : i32
      %lt3A_521 = arith.constant 0 : i32
      %lt3A_522 = arith.cmpi slt, %select_n3A_515, %lt3A_521 : i32
      %ne3A_523 = arith.xori %lt3A_520, %lt3A_522 : i1
      %and3A_524 = arith.andi %ne3A_523, %ne3A_518 : i1
      %add3A_525 = arith.addi %rem3A_516, %select_n3A_515 : i32
      %select_n3A_526 = arith.select %and3A_524, %add3A_525, %rem3A_516 : i32
      %mul3A_527 = arith.constant 176 : i32
      %mul3A_528 = arith.muli %select_n3A_526, %mul3A_527 : i32
      %dma_start3A_529 = arith.constant 0 : i32
      %dma_start3A_530 = arith.constant 0 : i32
      %dma_start3A_531 = arith.constant 0 : i32
      %dma_start3A_532 = tpu.memref_slice %arg6[%dma_start3A_529, %dma_start3A_530, %dma_start3A_531] : memref<2x176x128xf32, #tpu.memory_space<vmem>> -> memref<1x176x128xf32, #tpu.memory_space<vmem>>
      %dma_start3A_533 = tpu.memref_squeeze %dma_start3A_532 : memref<1x176x128xf32, #tpu.memory_space<vmem>> -> memref<176x128xf32, #tpu.memory_space<vmem>>
      %dma_start3A_534 = arith.constant 0 : i32
      %dma_start3A_535 = tpu.memref_slice %arg4[%select_n3A_510, %mul3A_528, %dma_start3A_534] : memref<26x12504x128xf32, #tpu.memory_space<hbm>> -> memref<1x176x128xf32, #tpu.memory_space<hbm>>
      %dma_start3A_536 = tpu.memref_squeeze %dma_start3A_535 : memref<1x176x128xf32, #tpu.memory_space<hbm>> -> memref<176x128xf32, #tpu.memory_space<hbm>>
      %dma_start3A_537 = arith.constant 0 : i32
      %dma_start3A_538 = tpu.memref_slice %arg4[%select_n3A_510, %mul3A_528, %dma_start3A_537] : memref<26x12504x128xf32, #tpu.memory_space<hbm>> -> memref<1x176x128xf32, #tpu.memory_space<hbm>>
      %dma_start3A_539 = tpu.memref_squeeze %dma_start3A_538 : memref<1x176x128xf32, #tpu.memory_space<hbm>> -> memref<176x128xf32, #tpu.memory_space<hbm>>
      %dma_start3A_540 = arith.constant 0 : i32
      %dma_start3A_541 = arith.constant 0 : i32
      %dma_start3A_542 = tpu.memref_slice %arg6[%dma_start3A_529, %dma_start3A_540, %dma_start3A_541] : memref<2x176x128xf32, #tpu.memory_space<vmem>> -> memref<1x176x128xf32, #tpu.memory_space<vmem>>
      %dma_start3A_543 = tpu.memref_squeeze %dma_start3A_542 : memref<1x176x128xf32, #tpu.memory_space<vmem>> -> memref<176x128xf32, #tpu.memory_space<vmem>>
      tpu.enqueue_dma source(%dma_start3A_543 : memref<176x128xf32, #tpu.memory_space<vmem>>) target(%dma_start3A_539 : memref<176x128xf32, #tpu.memory_space<hbm>>) target_semaphore(%arg9 : memref<!tpu.dma_semaphore, #tpu.memory_space<semaphore_mem>>)
      %add3A_544 = arith.constant 2 : i32
      %add3A_545 = arith.addi %add3A_408, %add3A_544 : i32
      %mul3A_546 = arith.constant 32 : i32
      %mul3A_547 = arith.muli %add3A_545, %mul3A_546 : i32
      %add3A_548 = arith.addi %mul3A_547, %add3A : i32
      %min3A_549 = arith.constant 1845 : i32
      %min3A_550 = arith.minsi %add3A_548, %min3A_549 : i32
      %jit3A_551 = arith.constant 71 : i32
      %div3A_552 = arith.divsi %min3A_550, %jit3A_551 : i32
      %sign3A_553 = arith.constant 0 : i32
      %sign3A_554 = arith.cmpi sgt, %min3A_550, %sign3A_553 : i32
      %sign3A_555 = arith.extui %sign3A_554 : i1 to i32
      %sign3A_556 = arith.constant 0 : i32
      %sign3A_557 = arith.cmpi slt, %min3A_550, %sign3A_556 : i32
      %sign3A_558 = arith.extui %sign3A_557 : i1 to i32
      %sign3A_559 = arith.subi %sign3A_555, %sign3A_558 : i32
      %sign3A_560 = arith.constant 0 : i32
      %sign3A_561 = arith.cmpi sgt, %jit3A_551, %sign3A_560 : i32
      %sign3A_562 = arith.extui %sign3A_561 : i1 to i32
      %sign3A_563 = arith.constant 0 : i32
      %sign3A_564 = arith.cmpi slt, %jit3A_551, %sign3A_563 : i32
      %sign3A_565 = arith.extui %sign3A_564 : i1 to i32
      %sign3A_566 = arith.subi %sign3A_562, %sign3A_565 : i32
      %ne3A_567 = arith.cmpi ne, %sign3A_559, %sign3A_566 : i32
      %rem3A_568 = arith.remsi %min3A_550, %jit3A_551 : i32
      %ne3A_569 = arith.constant 0 : i32
      %ne3A_570 = arith.cmpi ne, %rem3A_568, %ne3A_569 : i32
      %and3A_571 = arith.andi %ne3A_567, %ne3A_570 : i1
      %sub3A_572 = arith.constant 1 : i32
      %sub3A_573 = arith.subi %div3A_552, %sub3A_572 : i32
      %select_n3A_574 = arith.select %and3A_571, %sub3A_573, %div3A_552 : i32
      %jit3A_575 = arith.constant 71 : i32
      %eq3A_576 = arith.constant 0 : i32
      %eq3A_577 = arith.cmpi eq, %jit3A_575, %eq3A_576 : i32
      %jit3A_578 = arith.constant 1 : i32
      %select_n3A_579 = arith.select %eq3A_577, %jit3A_578, %jit3A_575 : i32
      %rem3A_580 = arith.remsi %min3A_550, %select_n3A_579 : i32
      %ne3A_581 = arith.constant 0 : i32
      %ne3A_582 = arith.cmpi ne, %rem3A_580, %ne3A_581 : i32
      %lt3A_583 = arith.constant 0 : i32
      %lt3A_584 = arith.cmpi slt, %rem3A_580, %lt3A_583 : i32
      %lt3A_585 = arith.constant 0 : i32
      %lt3A_586 = arith.cmpi slt, %select_n3A_579, %lt3A_585 : i32
      %ne3A_587 = arith.xori %lt3A_584, %lt3A_586 : i1
      %and3A_588 = arith.andi %ne3A_587, %ne3A_582 : i1
      %add3A_589 = arith.addi %rem3A_580, %select_n3A_579 : i32
      %select_n3A_590 = arith.select %and3A_588, %add3A_589, %rem3A_580 : i32
      %mul3A_591 = arith.constant 1408 : i32
      %mul3A_592 = arith.muli %select_n3A_590, %mul3A_591 : i32
      %dma_start3A_593 = arith.constant 0 : i32
      %dma_start3A_594 = arith.constant 0 : i32
      %dma_start3A_595 = arith.constant 0 : i32
      %dma_start3A_596 = tpu.memref_slice %arg5[%dma_start3A_593, %dma_start3A_594, %dma_start3A_595] : memref<2x16x1408xf32, #tpu.memory_space<vmem>> -> memref<1x16x1408xf32, #tpu.memory_space<vmem>>
      %dma_start3A_597 = tpu.memref_squeeze %dma_start3A_596 : memref<1x16x1408xf32, #tpu.memory_space<vmem>> -> memref<16x1408xf32, #tpu.memory_space<vmem>>
      %dma_start3A_598 = arith.constant 0 : i32
      %dma_start3A_599 = tpu.memref_slice %arg2[%select_n3A_574, %dma_start3A_598, %mul3A_592] : memref<26x16x100001xf32, #tpu.memory_space<hbm>> -> memref<1x16x1408xf32, #tpu.memory_space<hbm>>
      %dma_start3A_600 = tpu.memref_squeeze %dma_start3A_599 : memref<1x16x1408xf32, #tpu.memory_space<hbm>> -> memref<16x1408xf32, #tpu.memory_space<hbm>>
      %dma_start3A_601 = arith.constant 0 : i32
      %dma_start3A_602 = arith.constant 0 : i32
      %dma_start3A_603 = tpu.memref_slice %arg5[%dma_start3A_593, %dma_start3A_601, %dma_start3A_602] : memref<2x16x1408xf32, #tpu.memory_space<vmem>> -> memref<1x16x1408xf32, #tpu.memory_space<vmem>>
      %dma_start3A_604 = tpu.memref_squeeze %dma_start3A_603 : memref<1x16x1408xf32, #tpu.memory_space<vmem>> -> memref<16x1408xf32, #tpu.memory_space<vmem>>
      %dma_start3A_605 = arith.constant 0 : i32
      %dma_start3A_606 = tpu.memref_slice %arg2[%select_n3A_574, %dma_start3A_605, %mul3A_592] : memref<26x16x100001xf32, #tpu.memory_space<hbm>> -> memref<1x16x1408xf32, #tpu.memory_space<hbm>>
      %dma_start3A_607 = tpu.memref_squeeze %dma_start3A_606 : memref<1x16x1408xf32, #tpu.memory_space<hbm>> -> memref<16x1408xf32, #tpu.memory_space<hbm>>
      tpu.enqueue_dma source(%dma_start3A_607 : memref<16x1408xf32, #tpu.memory_space<hbm>>) target(%dma_start3A_604 : memref<16x1408xf32, #tpu.memory_space<vmem>>) target_semaphore(%arg7 : memref<!tpu.dma_semaphore, #tpu.memory_space<semaphore_mem>>)
      %mul3A_608 = arith.constant 2 : i32
      %mul3A_609 = arith.muli %mul3A_608, %add3A_404 : i32
      %add3A_610 = arith.constant 1 : i32
      %add3A_611 = arith.addi %mul3A_609, %add3A_610 : i32
      %mul3A_612 = arith.constant 32 : i32
      %mul3A_613 = arith.muli %add3A_611, %mul3A_612 : i32
      %add3A_614 = arith.addi %mul3A_613, %add3A : i32
      %min3A_615 = arith.constant 1845 : i32
      %min3A_616 = arith.minsi %add3A_614, %min3A_615 : i32
      %jit3A_617 = arith.constant 71 : i32
      %div3A_618 = arith.divsi %min3A_616, %jit3A_617 : i32
      %sign3A_619 = arith.constant 0 : i32
      %sign3A_620 = arith.cmpi sgt, %min3A_616, %sign3A_619 : i32
      %sign3A_621 = arith.extui %sign3A_620 : i1 to i32
      %sign3A_622 = arith.constant 0 : i32
      %sign3A_623 = arith.cmpi slt, %min3A_616, %sign3A_622 : i32
      %sign3A_624 = arith.extui %sign3A_623 : i1 to i32
      %sign3A_625 = arith.subi %sign3A_621, %sign3A_624 : i32
      %sign3A_626 = arith.constant 0 : i32
      %sign3A_627 = arith.cmpi sgt, %jit3A_617, %sign3A_626 : i32
      %sign3A_628 = arith.extui %sign3A_627 : i1 to i32
      %sign3A_629 = arith.constant 0 : i32
      %sign3A_630 = arith.cmpi slt, %jit3A_617, %sign3A_629 : i32
      %sign3A_631 = arith.extui %sign3A_630 : i1 to i32
      %sign3A_632 = arith.subi %sign3A_628, %sign3A_631 : i32
      %ne3A_633 = arith.cmpi ne, %sign3A_625, %sign3A_632 : i32
      %rem3A_634 = arith.remsi %min3A_616, %jit3A_617 : i32
      %ne3A_635 = arith.constant 0 : i32
      %ne3A_636 = arith.cmpi ne, %rem3A_634, %ne3A_635 : i32
      %and3A_637 = arith.andi %ne3A_633, %ne3A_636 : i1
      %sub3A_638 = arith.constant 1 : i32
      %sub3A_639 = arith.subi %div3A_618, %sub3A_638 : i32
      %select_n3A_640 = arith.select %and3A_637, %sub3A_639, %div3A_618 : i32
      %jit3A_641 = arith.constant 71 : i32
      %eq3A_642 = arith.constant 0 : i32
      %eq3A_643 = arith.cmpi eq, %jit3A_641, %eq3A_642 : i32
      %jit3A_644 = arith.constant 1 : i32
      %select_n3A_645 = arith.select %eq3A_643, %jit3A_644, %jit3A_641 : i32
      %rem3A_646 = arith.remsi %min3A_616, %select_n3A_645 : i32
      %ne3A_647 = arith.constant 0 : i32
      %ne3A_648 = arith.cmpi ne, %rem3A_646, %ne3A_647 : i32
      %lt3A_649 = arith.constant 0 : i32
      %lt3A_650 = arith.cmpi slt, %rem3A_646, %lt3A_649 : i32
      %lt3A_651 = arith.constant 0 : i32
      %lt3A_652 = arith.cmpi slt, %select_n3A_645, %lt3A_651 : i32
      %ne3A_653 = arith.xori %lt3A_650, %lt3A_652 : i1
      %and3A_654 = arith.andi %ne3A_653, %ne3A_648 : i1
      %add3A_655 = arith.addi %rem3A_646, %select_n3A_645 : i32
      %select_n3A_656 = arith.select %and3A_654, %add3A_655, %rem3A_646 : i32
      %mul3A_657 = arith.constant 1408 : i32
      %mul3A_658 = arith.muli %select_n3A_656, %mul3A_657 : i32
      %dma_wait3A_659 = arith.constant 1 : i32
      %dma_wait3A_660 = arith.constant 0 : i32
      %dma_wait3A_661 = arith.constant 0 : i32
      %dma_wait3A_662 = tpu.memref_slice %arg5[%dma_wait3A_659, %dma_wait3A_660, %dma_wait3A_661] : memref<2x16x1408xf32, #tpu.memory_space<vmem>> -> memref<1x16x1408xf32, #tpu.memory_space<vmem>>
      %dma_wait3A_663 = tpu.memref_squeeze %dma_wait3A_662 : memref<1x16x1408xf32, #tpu.memory_space<vmem>> -> memref<16x1408xf32, #tpu.memory_space<vmem>>
      %dma_wait3A_664 = arith.constant 0 : i32
      %dma_wait3A_665 = tpu.memref_slice %arg2[%select_n3A_640, %dma_wait3A_664, %mul3A_658] : memref<26x16x100001xf32, #tpu.memory_space<hbm>> -> memref<1x16x1408xf32, #tpu.memory_space<hbm>>
      %dma_wait3A_666 = tpu.memref_squeeze %dma_wait3A_665 : memref<1x16x1408xf32, #tpu.memory_space<hbm>> -> memref<16x1408xf32, #tpu.memory_space<hbm>>
      %dma_wait3A_667 = arith.constant 0 : i32
      %dma_wait3A_668 = arith.constant 0 : i32
      %dma_wait3A_669 = tpu.memref_slice %arg5[%dma_wait3A_659, %dma_wait3A_667, %dma_wait3A_668] : memref<2x16x1408xf32, #tpu.memory_space<vmem>> -> memref<1x16x1408xf32, #tpu.memory_space<vmem>>
      %dma_wait3A_670 = tpu.memref_squeeze %dma_wait3A_669 : memref<1x16x1408xf32, #tpu.memory_space<vmem>> -> memref<16x1408xf32, #tpu.memory_space<vmem>>
      %dma_wait3A_671 = arith.constant 0 : i32
      %dma_wait3A_672 = tpu.memref_slice %arg2[%select_n3A_640, %dma_wait3A_671, %mul3A_658] : memref<26x16x100001xf32, #tpu.memory_space<hbm>> -> memref<1x16x1408xf32, #tpu.memory_space<hbm>>
      %dma_wait3A_673 = tpu.memref_squeeze %dma_wait3A_672 : memref<1x16x1408xf32, #tpu.memory_space<hbm>> -> memref<16x1408xf32, #tpu.memory_space<hbm>>
      tpu.wait_dma2 semaphore(%arg8 : memref<!tpu.dma_semaphore, #tpu.memory_space<semaphore_mem>>) src(%dma_wait3A_673 : memref<16x1408xf32, #tpu.memory_space<hbm>>) dst(%dma_wait3A_670 : memref<16x1408xf32, #tpu.memory_space<vmem>>)
      %gt3A_674 = arith.constant 0 : i32
      %gt3A_675 = arith.cmpi sgt, %add3A_404, %gt3A_674 : i32
      %convert_element_type3A_676 = arith.extui %gt3A_675 : i1 to i32
      %cond3A_677 = arith.constant 0 : i32
      %cond3A_678 = arith.cmpi ne, %convert_element_type3A_676, %cond3A_677 : i32
      scf.if %cond3A_678 {
        %sub3A_812 = arith.constant 2 : i32
        %sub3A_813 = arith.subi %add3A_611, %sub3A_812 : i32
        %mul3A_814 = arith.constant 32 : i32
        %mul3A_815 = arith.muli %sub3A_813, %mul3A_814 : i32
        %add3A_816 = arith.addi %mul3A_815, %add3A : i32
        %min3A_817 = arith.constant 1845 : i32
        %min3A_818 = arith.minsi %add3A_816, %min3A_817 : i32
        %jit3A_819 = arith.constant 71 : i32
        %div3A_820 = arith.divsi %min3A_818, %jit3A_819 : i32
        %sign3A_821 = arith.constant 0 : i32
        %sign3A_822 = arith.cmpi sgt, %min3A_818, %sign3A_821 : i32
        %sign3A_823 = arith.extui %sign3A_822 : i1 to i32
        %sign3A_824 = arith.constant 0 : i32
        %sign3A_825 = arith.cmpi slt, %min3A_818, %sign3A_824 : i32
        %sign3A_826 = arith.extui %sign3A_825 : i1 to i32
        %sign3A_827 = arith.subi %sign3A_823, %sign3A_826 : i32
        %sign3A_828 = arith.constant 0 : i32
        %sign3A_829 = arith.cmpi sgt, %jit3A_819, %sign3A_828 : i32
        %sign3A_830 = arith.extui %sign3A_829 : i1 to i32
        %sign3A_831 = arith.constant 0 : i32
        %sign3A_832 = arith.cmpi slt, %jit3A_819, %sign3A_831 : i32
        %sign3A_833 = arith.extui %sign3A_832 : i1 to i32
        %sign3A_834 = arith.subi %sign3A_830, %sign3A_833 : i32
        %ne3A_835 = arith.cmpi ne, %sign3A_827, %sign3A_834 : i32
        %rem3A_836 = arith.remsi %min3A_818, %jit3A_819 : i32
        %ne3A_837 = arith.constant 0 : i32
        %ne3A_838 = arith.cmpi ne, %rem3A_836, %ne3A_837 : i32
        %and3A_839 = arith.andi %ne3A_835, %ne3A_838 : i1
        %sub3A_840 = arith.constant 1 : i32
        %sub3A_841 = arith.subi %div3A_820, %sub3A_840 : i32
        %select_n3A_842 = arith.select %and3A_839, %sub3A_841, %div3A_820 : i32
        %jit3A_843 = arith.constant 71 : i32
        %eq3A_844 = arith.constant 0 : i32
        %eq3A_845 = arith.cmpi eq, %jit3A_843, %eq3A_844 : i32
        %jit3A_846 = arith.constant 1 : i32
        %select_n3A_847 = arith.select %eq3A_845, %jit3A_846, %jit3A_843 : i32
        %rem3A_848 = arith.remsi %min3A_818, %select_n3A_847 : i32
        %ne3A_849 = arith.constant 0 : i32
        %ne3A_850 = arith.cmpi ne, %rem3A_848, %ne3A_849 : i32
        %lt3A_851 = arith.constant 0 : i32
        %lt3A_852 = arith.cmpi slt, %rem3A_848, %lt3A_851 : i32
        %lt3A_853 = arith.constant 0 : i32
        %lt3A_854 = arith.cmpi slt, %select_n3A_847, %lt3A_853 : i32
        %ne3A_855 = arith.xori %lt3A_852, %lt3A_854 : i1
        %and3A_856 = arith.andi %ne3A_855, %ne3A_850 : i1
        %add3A_857 = arith.addi %rem3A_848, %select_n3A_847 : i32
        %select_n3A_858 = arith.select %and3A_856, %add3A_857, %rem3A_848 : i32
        %mul3A_859 = arith.constant 176 : i32
        %mul3A_860 = arith.muli %select_n3A_858, %mul3A_859 : i32
        %dma_wait3A_861 = arith.constant 1 : i32
        %dma_wait3A_862 = arith.constant 0 : i32
        %dma_wait3A_863 = arith.constant 0 : i32
        %dma_wait3A_864 = tpu.memref_slice %arg6[%dma_wait3A_861, %dma_wait3A_862, %dma_wait3A_863] : memref<2x176x128xf32, #tpu.memory_space<vmem>> -> memref<1x176x128xf32, #tpu.memory_space<vmem>>
        %dma_wait3A_865 = tpu.memref_squeeze %dma_wait3A_864 : memref<1x176x128xf32, #tpu.memory_space<vmem>> -> memref<176x128xf32, #tpu.memory_space<vmem>>
        %dma_wait3A_866 = arith.constant 0 : i32
        %dma_wait3A_867 = tpu.memref_slice %arg4[%select_n3A_842, %mul3A_860, %dma_wait3A_866] : memref<26x12504x128xf32, #tpu.memory_space<hbm>> -> memref<1x176x128xf32, #tpu.memory_space<hbm>>
        %dma_wait3A_868 = tpu.memref_squeeze %dma_wait3A_867 : memref<1x176x128xf32, #tpu.memory_space<hbm>> -> memref<176x128xf32, #tpu.memory_space<hbm>>
        %dma_wait3A_869 = arith.constant 0 : i32
        %dma_wait3A_870 = tpu.memref_slice %arg4[%select_n3A_842, %mul3A_860, %dma_wait3A_869] : memref<26x12504x128xf32, #tpu.memory_space<hbm>> -> memref<1x176x128xf32, #tpu.memory_space<hbm>>
        %dma_wait3A_871 = tpu.memref_squeeze %dma_wait3A_870 : memref<1x176x128xf32, #tpu.memory_space<hbm>> -> memref<176x128xf32, #tpu.memory_space<hbm>>
        %dma_wait3A_872 = arith.constant 0 : i32
        %dma_wait3A_873 = arith.constant 0 : i32
        %dma_wait3A_874 = tpu.memref_slice %arg6[%dma_wait3A_861, %dma_wait3A_872, %dma_wait3A_873] : memref<2x176x128xf32, #tpu.memory_space<vmem>> -> memref<1x176x128xf32, #tpu.memory_space<vmem>>
        %dma_wait3A_875 = tpu.memref_squeeze %dma_wait3A_874 : memref<1x176x128xf32, #tpu.memory_space<vmem>> -> memref<176x128xf32, #tpu.memory_space<vmem>>
        tpu.wait_dma2 semaphore(%arg10 : memref<!tpu.dma_semaphore, #tpu.memory_space<semaphore_mem>>) src(%dma_wait3A_875 : memref<176x128xf32, #tpu.memory_space<vmem>>) dst(%dma_wait3A_871 : memref<176x128xf32, #tpu.memory_space<hbm>>)
      } else {
      }
      %scan3A_679 = arith.constant 1 : i32
      %scan3A_680 = arith.constant 1 : i32
      %scan3A_681 = arith.constant 0 : i32
      %scan3A_682 = arith.constant 44 : i32
      %scan3A_683 = arith.addi %scan3A_681, %scan3A_682 : i32
      %scan3A_684 = arith.constant 1 : i32
      scf.for %scan3A_812 = %scan3A_681 to %scan3A_683 step %scan3A_684  : i32 {
        %mul3A_813 = arith.constant 1 : i32
        %mul3A_814 = arith.muli %scan3A_812, %mul3A_813 : i32
        %add3A_815 = arith.constant 0 : i32
        %add3A_816 = arith.addi %add3A_815, %mul3A_814 : i32
        %mul3A_817 = arith.constant 4 : i32
        %mul3A_818 = arith.muli %add3A_816, %mul3A_817 : i32
        %add3A_819 = arith.constant 0 : i32
        %add3A_820 = arith.addi %mul3A_818, %add3A_819 : i32
        %add3A_821 = arith.constant 0 : i32
        %add3A_822 = arith.addi %add3A_820, %add3A_821 : i32
        %mul3A_823 = arith.constant 8 : i32
        %mul3A_824 = arith.muli %add3A_822, %mul3A_823 : i32
        %broadcast_in_dim3A_825 = vector.broadcast %mul3A_824 : i32 to vector<16xi32>
        %broadcast_in_dim3A_826 = vector.broadcast %add3A_822 : i32 to vector<16xi32>
        %add3A_827 = arith.addi %broadcast_in_dim3A_825, %broadcast_in_dim3A_1 : vector<16xi32>
        %gather3A = arith.constant 0 : i32
        %gather3A_828 = arith.constant 0 : i32
        %gather3A_829 = tpu.memref_slice %arg5[%scan3A_679, %gather3A, %gather3A_828] : memref<2x16x1408xf32, #tpu.memory_space<vmem>> -> memref<1x16x1408xf32, #tpu.memory_space<vmem>>
        %gather3A_830 = tpu.memref_squeeze %gather3A_829 : memref<1x16x1408xf32, #tpu.memory_space<vmem>> -> memref<16x1408xf32, #tpu.memory_space<vmem>>
        %gather3A_831 = tpu.vector_load_idx %gather3A_830[%iota3A, %add3A_827] : memref<16x1408xf32, #tpu.memory_space<vmem>>[vector<16xi32>, vector<16xi32>], vector<16xf32>,
        %add3A_832 = arith.addi %broadcast_in_dim3A_825, %broadcast_in_dim3A_3 : vector<16xi32>
        %gather3A_833 = arith.constant 0 : i32
        %gather3A_834 = arith.constant 0 : i32
        %gather3A_835 = tpu.memref_slice %arg5[%scan3A_679, %gather3A_833, %gather3A_834] : memref<2x16x1408xf32, #tpu.memory_space<vmem>> -> memref<1x16x1408xf32, #tpu.memory_space<vmem>>
        %gather3A_836 = tpu.memref_squeeze %gather3A_835 : memref<1x16x1408xf32, #tpu.memory_space<vmem>> -> memref<16x1408xf32, #tpu.memory_space<vmem>>
        %gather3A_837 = tpu.vector_load_idx %gather3A_836[%iota3A, %add3A_832] : memref<16x1408xf32, #tpu.memory_space<vmem>>[vector<16xi32>, vector<16xi32>], vector<16xf32>,
        %add3A_838 = arith.addi %broadcast_in_dim3A_825, %broadcast_in_dim3A_5 : vector<16xi32>
        %gather3A_839 = arith.constant 0 : i32
        %gather3A_840 = arith.constant 0 : i32
        %gather3A_841 = tpu.memref_slice %arg5[%scan3A_679, %gather3A_839, %gather3A_840] : memref<2x16x1408xf32, #tpu.memory_space<vmem>> -> memref<1x16x1408xf32, #tpu.memory_space<vmem>>
        %gather3A_842 = tpu.memref_squeeze %gather3A_841 : memref<1x16x1408xf32, #tpu.memory_space<vmem>> -> memref<16x1408xf32, #tpu.memory_space<vmem>>
        %gather3A_843 = tpu.vector_load_idx %gather3A_842[%iota3A, %add3A_838] : memref<16x1408xf32, #tpu.memory_space<vmem>>[vector<16xi32>, vector<16xi32>], vector<16xf32>,
        %add3A_844 = arith.addi %broadcast_in_dim3A_825, %broadcast_in_dim3A_7 : vector<16xi32>
        %gather3A_845 = arith.constant 0 : i32
        %gather3A_846 = arith.constant 0 : i32
        %gather3A_847 = tpu.memref_slice %arg5[%scan3A_679, %gather3A_845, %gather3A_846] : memref<2x16x1408xf32, #tpu.memory_space<vmem>> -> memref<1x16x1408xf32, #tpu.memory_space<vmem>>
        %gather3A_848 = tpu.memref_squeeze %gather3A_847 : memref<1x16x1408xf32, #tpu.memory_space<vmem>> -> memref<16x1408xf32, #tpu.memory_space<vmem>>
        %gather3A_849 = tpu.vector_load_idx %gather3A_848[%iota3A, %add3A_844] : memref<16x1408xf32, #tpu.memory_space<vmem>>[vector<16xi32>, vector<16xi32>], vector<16xf32>,
        %add3A_850 = arith.addi %broadcast_in_dim3A_825, %broadcast_in_dim3A_9 : vector<16xi32>
        %gather3A_851 = arith.constant 0 : i32
        %gather3A_852 = arith.constant 0 : i32
        %gather3A_853 = tpu.memref_slice %arg5[%scan3A_679, %gather3A_851, %gather3A_852] : memref<2x16x1408xf32, #tpu.memory_space<vmem>> -> memref<1x16x1408xf32, #tpu.memory_space<vmem>>
        %gather3A_854 = tpu.memref_squeeze %gather3A_853 : memref<1x16x1408xf32, #tpu.memory_space<vmem>> -> memref<16x1408xf32, #tpu.memory_space<vmem>>
        %gather3A_855 = tpu.vector_load_idx %gather3A_854[%iota3A, %add3A_850] : memref<16x1408xf32, #tpu.memory_space<vmem>>[vector<16xi32>, vector<16xi32>], vector<16xf32>,
        %add3A_856 = arith.addi %broadcast_in_dim3A_825, %broadcast_in_dim3A_11 : vector<16xi32>
        %gather3A_857 = arith.constant 0 : i32
        %gather3A_858 = arith.constant 0 : i32
        %gather3A_859 = tpu.memref_slice %arg5[%scan3A_679, %gather3A_857, %gather3A_858] : memref<2x16x1408xf32, #tpu.memory_space<vmem>> -> memref<1x16x1408xf32, #tpu.memory_space<vmem>>
        %gather3A_860 = tpu.memref_squeeze %gather3A_859 : memref<1x16x1408xf32, #tpu.memory_space<vmem>> -> memref<16x1408xf32, #tpu.memory_space<vmem>>
        %gather3A_861 = tpu.vector_load_idx %gather3A_860[%iota3A, %add3A_856] : memref<16x1408xf32, #tpu.memory_space<vmem>>[vector<16xi32>, vector<16xi32>], vector<16xf32>,
        %add3A_862 = arith.addi %broadcast_in_dim3A_825, %broadcast_in_dim3A_13 : vector<16xi32>
        %gather3A_863 = arith.constant 0 : i32
        %gather3A_864 = arith.constant 0 : i32
        %gather3A_865 = tpu.memref_slice %arg5[%scan3A_679, %gather3A_863, %gather3A_864] : memref<2x16x1408xf32, #tpu.memory_space<vmem>> -> memref<1x16x1408xf32, #tpu.memory_space<vmem>>
        %gather3A_866 = tpu.memref_squeeze %gather3A_865 : memref<1x16x1408xf32, #tpu.memory_space<vmem>> -> memref<16x1408xf32, #tpu.memory_space<vmem>>
        %gather3A_867 = tpu.vector_load_idx %gather3A_866[%iota3A, %add3A_862] : memref<16x1408xf32, #tpu.memory_space<vmem>>[vector<16xi32>, vector<16xi32>], vector<16xf32>,
        %add3A_868 = arith.addi %broadcast_in_dim3A_825, %broadcast_in_dim3A_15 : vector<16xi32>
        %gather3A_869 = arith.constant 0 : i32
        %gather3A_870 = arith.constant 0 : i32
        %gather3A_871 = tpu.memref_slice %arg5[%scan3A_679, %gather3A_869, %gather3A_870] : memref<2x16x1408xf32, #tpu.memory_space<vmem>> -> memref<1x16x1408xf32, #tpu.memory_space<vmem>>
        %gather3A_872 = tpu.memref_squeeze %gather3A_871 : memref<1x16x1408xf32, #tpu.memory_space<vmem>> -> memref<16x1408xf32, #tpu.memory_space<vmem>>
        %gather3A_873 = tpu.vector_load_idx %gather3A_872[%iota3A, %add3A_868] : memref<16x1408xf32, #tpu.memory_space<vmem>>[vector<16xi32>, vector<16xi32>], vector<16xf32>,
        %mul3A_874 = arith.constant 4 : i32
        %mul3A_875 = arith.muli %add3A_816, %mul3A_874 : i32
        %add3A_876 = arith.constant 0 : i32
        %add3A_877 = arith.addi %mul3A_875, %add3A_876 : i32
        %add3A_878 = arith.constant 1 : i32
        %add3A_879 = arith.addi %add3A_877, %add3A_878 : i32
        %mul3A_880 = arith.constant 8 : i32
        %mul3A_881 = arith.muli %add3A_879, %mul3A_880 : i32
        %broadcast_in_dim3A_882 = vector.broadcast %mul3A_881 : i32 to vector<16xi32>
        %broadcast_in_dim3A_883 = vector.broadcast %add3A_879 : i32 to vector<16xi32>
        %add3A_884 = arith.addi %broadcast_in_dim3A_882, %broadcast_in_dim3A_1 : vector<16xi32>
        %gather3A_885 = arith.constant 0 : i32
        %gather3A_886 = arith.constant 0 : i32
        %gather3A_887 = tpu.memref_slice %arg5[%scan3A_679, %gather3A_885, %gather3A_886] : memref<2x16x1408xf32, #tpu.memory_space<vmem>> -> memref<1x16x1408xf32, #tpu.memory_space<vmem>>
        %gather3A_888 = tpu.memref_squeeze %gather3A_887 : memref<1x16x1408xf32, #tpu.memory_space<vmem>> -> memref<16x1408xf32, #tpu.memory_space<vmem>>
        %gather3A_889 = tpu.vector_load_idx %gather3A_888[%iota3A, %add3A_884] : memref<16x1408xf32, #tpu.memory_space<vmem>>[vector<16xi32>, vector<16xi32>], vector<16xf32>,
        %add3A_890 = arith.addi %broadcast_in_dim3A_882, %broadcast_in_dim3A_3 : vector<16xi32>
        %gather3A_891 = arith.constant 0 : i32
        %gather3A_892 = arith.constant 0 : i32
        %gather3A_893 = tpu.memref_slice %arg5[%scan3A_679, %gather3A_891, %gather3A_892] : memref<2x16x1408xf32, #tpu.memory_space<vmem>> -> memref<1x16x1408xf32, #tpu.memory_space<vmem>>
        %gather3A_894 = tpu.memref_squeeze %gather3A_893 : memref<1x16x1408xf32, #tpu.memory_space<vmem>> -> memref<16x1408xf32, #tpu.memory_space<vmem>>
        %gather3A_895 = tpu.vector_load_idx %gather3A_894[%iota3A, %add3A_890] : memref<16x1408xf32, #tpu.memory_space<vmem>>[vector<16xi32>, vector<16xi32>], vector<16xf32>,
        %add3A_896 = arith.addi %broadcast_in_dim3A_882, %broadcast_in_dim3A_5 : vector<16xi32>
        %gather3A_897 = arith.constant 0 : i32
        %gather3A_898 = arith.constant 0 : i32
        %gather3A_899 = tpu.memref_slice %arg5[%scan3A_679, %gather3A_897, %gather3A_898] : memref<2x16x1408xf32, #tpu.memory_space<vmem>> -> memref<1x16x1408xf32, #tpu.memory_space<vmem>>
        %gather3A_900 = tpu.memref_squeeze %gather3A_899 : memref<1x16x1408xf32, #tpu.memory_space<vmem>> -> memref<16x1408xf32, #tpu.memory_space<vmem>>
        %gather3A_901 = tpu.vector_load_idx %gather3A_900[%iota3A, %add3A_896] : memref<16x1408xf32, #tpu.memory_space<vmem>>[vector<16xi32>, vector<16xi32>], vector<16xf32>,
        %add3A_902 = arith.addi %broadcast_in_dim3A_882, %broadcast_in_dim3A_7 : vector<16xi32>
        %gather3A_903 = arith.constant 0 : i32
        %gather3A_904 = arith.constant 0 : i32
        %gather3A_905 = tpu.memref_slice %arg5[%scan3A_679, %gather3A_903, %gather3A_904] : memref<2x16x1408xf32, #tpu.memory_space<vmem>> -> memref<1x16x1408xf32, #tpu.memory_space<vmem>>
        %gather3A_906 = tpu.memref_squeeze %gather3A_905 : memref<1x16x1408xf32, #tpu.memory_space<vmem>> -> memref<16x1408xf32, #tpu.memory_space<vmem>>
        %gather3A_907 = tpu.vector_load_idx %gather3A_906[%iota3A, %add3A_902] : memref<16x1408xf32, #tpu.memory_space<vmem>>[vector<16xi32>, vector<16xi32>], vector<16xf32>,
        %add3A_908 = arith.addi %broadcast_in_dim3A_882, %broadcast_in_dim3A_9 : vector<16xi32>
        %gather3A_909 = arith.constant 0 : i32
        %gather3A_910 = arith.constant 0 : i32
        %gather3A_911 = tpu.memref_slice %arg5[%scan3A_679, %gather3A_909, %gather3A_910] : memref<2x16x1408xf32, #tpu.memory_space<vmem>> -> memref<1x16x1408xf32, #tpu.memory_space<vmem>>
        %gather3A_912 = tpu.memref_squeeze %gather3A_911 : memref<1x16x1408xf32, #tpu.memory_space<vmem>> -> memref<16x1408xf32, #tpu.memory_space<vmem>>
        %gather3A_913 = tpu.vector_load_idx %gather3A_912[%iota3A, %add3A_908] : memref<16x1408xf32, #tpu.memory_space<vmem>>[vector<16xi32>, vector<16xi32>], vector<16xf32>,
        %add3A_914 = arith.addi %broadcast_in_dim3A_882, %broadcast_in_dim3A_11 : vector<16xi32>
        %gather3A_915 = arith.constant 0 : i32
        %gather3A_916 = arith.constant 0 : i32
        %gather3A_917 = tpu.memref_slice %arg5[%scan3A_679, %gather3A_915, %gather3A_916] : memref<2x16x1408xf32, #tpu.memory_space<vmem>> -> memref<1x16x1408xf32, #tpu.memory_space<vmem>>
        %gather3A_918 = tpu.memref_squeeze %gather3A_917 : memref<1x16x1408xf32, #tpu.memory_space<vmem>> -> memref<16x1408xf32, #tpu.memory_space<vmem>>
        %gather3A_919 = tpu.vector_load_idx %gather3A_918[%iota3A, %add3A_914] : memref<16x1408xf32, #tpu.memory_space<vmem>>[vector<16xi32>, vector<16xi32>], vector<16xf32>,
        %add3A_920 = arith.addi %broadcast_in_dim3A_882, %broadcast_in_dim3A_13 : vector<16xi32>
        %gather3A_921 = arith.constant 0 : i32
        %gather3A_922 = arith.constant 0 : i32
        %gather3A_923 = tpu.memref_slice %arg5[%scan3A_679, %gather3A_921, %gather3A_922] : memref<2x16x1408xf32, #tpu.memory_space<vmem>> -> memref<1x16x1408xf32, #tpu.memory_space<vmem>>
        %gather3A_924 = tpu.memref_squeeze %gather3A_923 : memref<1x16x1408xf32, #tpu.memory_space<vmem>> -> memref<16x1408xf32, #tpu.memory_space<vmem>>
        %gather3A_925 = tpu.vector_load_idx %gather3A_924[%iota3A, %add3A_920] : memref<16x1408xf32, #tpu.memory_space<vmem>>[vector<16xi32>, vector<16xi32>], vector<16xf32>,
        %add3A_926 = arith.addi %broadcast_in_dim3A_882, %broadcast_in_dim3A_15 : vector<16xi32>
        %gather3A_927 = arith.constant 0 : i32
        %gather3A_928 = arith.constant 0 : i32
        %gather3A_929 = tpu.memref_slice %arg5[%scan3A_679, %gather3A_927, %gather3A_928] : memref<2x16x1408xf32, #tpu.memory_space<vmem>> -> memref<1x16x1408xf32, #tpu.memory_space<vmem>>
        %gather3A_930 = tpu.memref_squeeze %gather3A_929 : memref<1x16x1408xf32, #tpu.memory_space<vmem>> -> memref<16x1408xf32, #tpu.memory_space<vmem>>
        %gather3A_931 = tpu.vector_load_idx %gather3A_930[%iota3A, %add3A_926] : memref<16x1408xf32, #tpu.memory_space<vmem>>[vector<16xi32>, vector<16xi32>], vector<16xf32>,
        %scatter3A = arith.constant 0 : i32
        %scatter3A_932 = arith.constant 0 : i32
        %scatter3A_933 = tpu.memref_slice %arg6[%scan3A_680, %scatter3A, %scatter3A_932] : memref<2x176x128xf32, #tpu.memory_space<vmem>> -> memref<1x176x128xf32, #tpu.memory_space<vmem>>
        %scatter3A_934 = tpu.memref_squeeze %scatter3A_933 : memref<1x176x128xf32, #tpu.memory_space<vmem>> -> memref<176x128xf32, #tpu.memory_space<vmem>>
        tpu.vector_store_idx %scatter3A_934[%broadcast_in_dim3A_826, %add3A_18], %gather3A_831 : memref<176x128xf32, #tpu.memory_space<vmem>>[vector<16xi32>, vector<16xi32>], vector<16xf32>,
        %scatter3A_935 = arith.constant 0 : i32
        %scatter3A_936 = arith.constant 0 : i32
        %scatter3A_937 = tpu.memref_slice %arg6[%scan3A_680, %scatter3A_935, %scatter3A_936] : memref<2x176x128xf32, #tpu.memory_space<vmem>> -> memref<1x176x128xf32, #tpu.memory_space<vmem>>
        %scatter3A_938 = tpu.memref_squeeze %scatter3A_937 : memref<1x176x128xf32, #tpu.memory_space<vmem>> -> memref<176x128xf32, #tpu.memory_space<vmem>>
        tpu.vector_store_idx %scatter3A_938[%broadcast_in_dim3A_826, %add3A_21], %gather3A_837 : memref<176x128xf32, #tpu.memory_space<vmem>>[vector<16xi32>, vector<16xi32>], vector<16xf32>,
        %scatter3A_939 = arith.constant 0 : i32
        %scatter3A_940 = arith.constant 0 : i32
        %scatter3A_941 = tpu.memref_slice %arg6[%scan3A_680, %scatter3A_939, %scatter3A_940] : memref<2x176x128xf32, #tpu.memory_space<vmem>> -> memref<1x176x128xf32, #tpu.memory_space<vmem>>
        %scatter3A_942 = tpu.memref_squeeze %scatter3A_941 : memref<1x176x128xf32, #tpu.memory_space<vmem>> -> memref<176x128xf32, #tpu.memory_space<vmem>>
        tpu.vector_store_idx %scatter3A_942[%broadcast_in_dim3A_826, %add3A_24], %gather3A_843 : memref<176x128xf32, #tpu.memory_space<vmem>>[vector<16xi32>, vector<16xi32>], vector<16xf32>,
        %scatter3A_943 = arith.constant 0 : i32
        %scatter3A_944 = arith.constant 0 : i32
        %scatter3A_945 = tpu.memref_slice %arg6[%scan3A_680, %scatter3A_943, %scatter3A_944] : memref<2x176x128xf32, #tpu.memory_space<vmem>> -> memref<1x176x128xf32, #tpu.memory_space<vmem>>
        %scatter3A_946 = tpu.memref_squeeze %scatter3A_945 : memref<1x176x128xf32, #tpu.memory_space<vmem>> -> memref<176x128xf32, #tpu.memory_space<vmem>>
        tpu.vector_store_idx %scatter3A_946[%broadcast_in_dim3A_826, %add3A_27], %gather3A_849 : memref<176x128xf32, #tpu.memory_space<vmem>>[vector<16xi32>, vector<16xi32>], vector<16xf32>,
        %scatter3A_947 = arith.constant 0 : i32
        %scatter3A_948 = arith.constant 0 : i32
        %scatter3A_949 = tpu.memref_slice %arg6[%scan3A_680, %scatter3A_947, %scatter3A_948] : memref<2x176x128xf32, #tpu.memory_space<vmem>> -> memref<1x176x128xf32, #tpu.memory_space<vmem>>
        %scatter3A_950 = tpu.memref_squeeze %scatter3A_949 : memref<1x176x128xf32, #tpu.memory_space<vmem>> -> memref<176x128xf32, #tpu.memory_space<vmem>>
        tpu.vector_store_idx %scatter3A_950[%broadcast_in_dim3A_826, %add3A_30], %gather3A_855 : memref<176x128xf32, #tpu.memory_space<vmem>>[vector<16xi32>, vector<16xi32>], vector<16xf32>,
        %scatter3A_951 = arith.constant 0 : i32
        %scatter3A_952 = arith.constant 0 : i32
        %scatter3A_953 = tpu.memref_slice %arg6[%scan3A_680, %scatter3A_951, %scatter3A_952] : memref<2x176x128xf32, #tpu.memory_space<vmem>> -> memref<1x176x128xf32, #tpu.memory_space<vmem>>
        %scatter3A_954 = tpu.memref_squeeze %scatter3A_953 : memref<1x176x128xf32, #tpu.memory_space<vmem>> -> memref<176x128xf32, #tpu.memory_space<vmem>>
        tpu.vector_store_idx %scatter3A_954[%broadcast_in_dim3A_826, %add3A_33], %gather3A_861 : memref<176x128xf32, #tpu.memory_space<vmem>>[vector<16xi32>, vector<16xi32>], vector<16xf32>,
        %scatter3A_955 = arith.constant 0 : i32
        %scatter3A_956 = arith.constant 0 : i32
        %scatter3A_957 = tpu.memref_slice %arg6[%scan3A_680, %scatter3A_955, %scatter3A_956] : memref<2x176x128xf32, #tpu.memory_space<vmem>> -> memref<1x176x128xf32, #tpu.memory_space<vmem>>
        %scatter3A_958 = tpu.memref_squeeze %scatter3A_957 : memref<1x176x128xf32, #tpu.memory_space<vmem>> -> memref<176x128xf32, #tpu.memory_space<vmem>>
        tpu.vector_store_idx %scatter3A_958[%broadcast_in_dim3A_826, %add3A_36], %gather3A_867 : memref<176x128xf32, #tpu.memory_space<vmem>>[vector<16xi32>, vector<16xi32>], vector<16xf32>,
        %scatter3A_959 = arith.constant 0 : i32
        %scatter3A_960 = arith.constant 0 : i32
        %scatter3A_961 = tpu.memref_slice %arg6[%scan3A_680, %scatter3A_959, %scatter3A_960] : memref<2x176x128xf32, #tpu.memory_space<vmem>> -> memref<1x176x128xf32, #tpu.memory_space<vmem>>
        %scatter3A_962 = tpu.memref_squeeze %scatter3A_961 : memref<1x176x128xf32, #tpu.memory_space<vmem>> -> memref<176x128xf32, #tpu.memory_space<vmem>>
        tpu.vector_store_idx %scatter3A_962[%broadcast_in_dim3A_826, %add3A_39], %gather3A_873 : memref<176x128xf32, #tpu.memory_space<vmem>>[vector<16xi32>, vector<16xi32>], vector<16xf32>,
        %scatter3A_963 = arith.constant 0 : i32
        %scatter3A_964 = arith.constant 0 : i32
        %scatter3A_965 = tpu.memref_slice %arg6[%scan3A_680, %scatter3A_963, %scatter3A_964] : memref<2x176x128xf32, #tpu.memory_space<vmem>> -> memref<1x176x128xf32, #tpu.memory_space<vmem>>
        %scatter3A_966 = tpu.memref_squeeze %scatter3A_965 : memref<1x176x128xf32, #tpu.memory_space<vmem>> -> memref<176x128xf32, #tpu.memory_space<vmem>>
        tpu.vector_store_idx %scatter3A_966[%broadcast_in_dim3A_883, %add3A_18], %gather3A_889 : memref<176x128xf32, #tpu.memory_space<vmem>>[vector<16xi32>, vector<16xi32>], vector<16xf32>,
        %scatter3A_967 = arith.constant 0 : i32
        %scatter3A_968 = arith.constant 0 : i32
        %scatter3A_969 = tpu.memref_slice %arg6[%scan3A_680, %scatter3A_967, %scatter3A_968] : memref<2x176x128xf32, #tpu.memory_space<vmem>> -> memref<1x176x128xf32, #tpu.memory_space<vmem>>
        %scatter3A_970 = tpu.memref_squeeze %scatter3A_969 : memref<1x176x128xf32, #tpu.memory_space<vmem>> -> memref<176x128xf32, #tpu.memory_space<vmem>>
        tpu.vector_store_idx %scatter3A_970[%broadcast_in_dim3A_883, %add3A_21], %gather3A_895 : memref<176x128xf32, #tpu.memory_space<vmem>>[vector<16xi32>, vector<16xi32>], vector<16xf32>,
        %scatter3A_971 = arith.constant 0 : i32
        %scatter3A_972 = arith.constant 0 : i32
        %scatter3A_973 = tpu.memref_slice %arg6[%scan3A_680, %scatter3A_971, %scatter3A_972] : memref<2x176x128xf32, #tpu.memory_space<vmem>> -> memref<1x176x128xf32, #tpu.memory_space<vmem>>
        %scatter3A_974 = tpu.memref_squeeze %scatter3A_973 : memref<1x176x128xf32, #tpu.memory_space<vmem>> -> memref<176x128xf32, #tpu.memory_space<vmem>>
        tpu.vector_store_idx %scatter3A_974[%broadcast_in_dim3A_883, %add3A_24], %gather3A_901 : memref<176x128xf32, #tpu.memory_space<vmem>>[vector<16xi32>, vector<16xi32>], vector<16xf32>,
        %scatter3A_975 = arith.constant 0 : i32
        %scatter3A_976 = arith.constant 0 : i32
        %scatter3A_977 = tpu.memref_slice %arg6[%scan3A_680, %scatter3A_975, %scatter3A_976] : memref<2x176x128xf32, #tpu.memory_space<vmem>> -> memref<1x176x128xf32, #tpu.memory_space<vmem>>
        %scatter3A_978 = tpu.memref_squeeze %scatter3A_977 : memref<1x176x128xf32, #tpu.memory_space<vmem>> -> memref<176x128xf32, #tpu.memory_space<vmem>>
        tpu.vector_store_idx %scatter3A_978[%broadcast_in_dim3A_883, %add3A_27], %gather3A_907 : memref<176x128xf32, #tpu.memory_space<vmem>>[vector<16xi32>, vector<16xi32>], vector<16xf32>,
        %scatter3A_979 = arith.constant 0 : i32
        %scatter3A_980 = arith.constant 0 : i32
        %scatter3A_981 = tpu.memref_slice %arg6[%scan3A_680, %scatter3A_979, %scatter3A_980] : memref<2x176x128xf32, #tpu.memory_space<vmem>> -> memref<1x176x128xf32, #tpu.memory_space<vmem>>
        %scatter3A_982 = tpu.memref_squeeze %scatter3A_981 : memref<1x176x128xf32, #tpu.memory_space<vmem>> -> memref<176x128xf32, #tpu.memory_space<vmem>>
        tpu.vector_store_idx %scatter3A_982[%broadcast_in_dim3A_883, %add3A_30], %gather3A_913 : memref<176x128xf32, #tpu.memory_space<vmem>>[vector<16xi32>, vector<16xi32>], vector<16xf32>,
        %scatter3A_983 = arith.constant 0 : i32
        %scatter3A_984 = arith.constant 0 : i32
        %scatter3A_985 = tpu.memref_slice %arg6[%scan3A_680, %scatter3A_983, %scatter3A_984] : memref<2x176x128xf32, #tpu.memory_space<vmem>> -> memref<1x176x128xf32, #tpu.memory_space<vmem>>
        %scatter3A_986 = tpu.memref_squeeze %scatter3A_985 : memref<1x176x128xf32, #tpu.memory_space<vmem>> -> memref<176x128xf32, #tpu.memory_space<vmem>>
        tpu.vector_store_idx %scatter3A_986[%broadcast_in_dim3A_883, %add3A_33], %gather3A_919 : memref<176x128xf32, #tpu.memory_space<vmem>>[vector<16xi32>, vector<16xi32>], vector<16xf32>,
        %scatter3A_987 = arith.constant 0 : i32
        %scatter3A_988 = arith.constant 0 : i32
        %scatter3A_989 = tpu.memref_slice %arg6[%scan3A_680, %scatter3A_987, %scatter3A_988] : memref<2x176x128xf32, #tpu.memory_space<vmem>> -> memref<1x176x128xf32, #tpu.memory_space<vmem>>
        %scatter3A_990 = tpu.memref_squeeze %scatter3A_989 : memref<1x176x128xf32, #tpu.memory_space<vmem>> -> memref<176x128xf32, #tpu.memory_space<vmem>>
        tpu.vector_store_idx %scatter3A_990[%broadcast_in_dim3A_883, %add3A_36], %gather3A_925 : memref<176x128xf32, #tpu.memory_space<vmem>>[vector<16xi32>, vector<16xi32>], vector<16xf32>,
        %scatter3A_991 = arith.constant 0 : i32
        %scatter3A_992 = arith.constant 0 : i32
        %scatter3A_993 = tpu.memref_slice %arg6[%scan3A_680, %scatter3A_991, %scatter3A_992] : memref<2x176x128xf32, #tpu.memory_space<vmem>> -> memref<1x176x128xf32, #tpu.memory_space<vmem>>
        %scatter3A_994 = tpu.memref_squeeze %scatter3A_993 : memref<1x176x128xf32, #tpu.memory_space<vmem>> -> memref<176x128xf32, #tpu.memory_space<vmem>>
        tpu.vector_store_idx %scatter3A_994[%broadcast_in_dim3A_883, %add3A_39], %gather3A_931 : memref<176x128xf32, #tpu.memory_space<vmem>>[vector<16xi32>, vector<16xi32>], vector<16xf32>,
        %mul3A_995 = arith.constant 4 : i32
        %mul3A_996 = arith.muli %add3A_816, %mul3A_995 : i32
        %add3A_997 = arith.constant 2 : i32
        %add3A_998 = arith.addi %mul3A_996, %add3A_997 : i32
        %add3A_999 = arith.constant 0 : i32
        %add3A_1000 = arith.addi %add3A_998, %add3A_999 : i32
        %mul3A_1001 = arith.constant 8 : i32
        %mul3A_1002 = arith.muli %add3A_1000, %mul3A_1001 : i32
        %broadcast_in_dim3A_1003 = vector.broadcast %mul3A_1002 : i32 to vector<16xi32>
        %broadcast_in_dim3A_1004 = vector.broadcast %add3A_1000 : i32 to vector<16xi32>
        %add3A_1005 = arith.addi %broadcast_in_dim3A_1003, %broadcast_in_dim3A_1 : vector<16xi32>
        %gather3A_1006 = arith.constant 0 : i32
        %gather3A_1007 = arith.constant 0 : i32
        %gather3A_1008 = tpu.memref_slice %arg5[%scan3A_679, %gather3A_1006, %gather3A_1007] : memref<2x16x1408xf32, #tpu.memory_space<vmem>> -> memref<1x16x1408xf32, #tpu.memory_space<vmem>>
        %gather3A_1009 = tpu.memref_squeeze %gather3A_1008 : memref<1x16x1408xf32, #tpu.memory_space<vmem>> -> memref<16x1408xf32, #tpu.memory_space<vmem>>
        %gather3A_1010 = tpu.vector_load_idx %gather3A_1009[%iota3A, %add3A_1005] : memref<16x1408xf32, #tpu.memory_space<vmem>>[vector<16xi32>, vector<16xi32>], vector<16xf32>,
        %add3A_1011 = arith.addi %broadcast_in_dim3A_1003, %broadcast_in_dim3A_3 : vector<16xi32>
        %gather3A_1012 = arith.constant 0 : i32
        %gather3A_1013 = arith.constant 0 : i32
        %gather3A_1014 = tpu.memref_slice %arg5[%scan3A_679, %gather3A_1012, %gather3A_1013] : memref<2x16x1408xf32, #tpu.memory_space<vmem>> -> memref<1x16x1408xf32, #tpu.memory_space<vmem>>
        %gather3A_1015 = tpu.memref_squeeze %gather3A_1014 : memref<1x16x1408xf32, #tpu.memory_space<vmem>> -> memref<16x1408xf32, #tpu.memory_space<vmem>>
        %gather3A_1016 = tpu.vector_load_idx %gather3A_1015[%iota3A, %add3A_1011] : memref<16x1408xf32, #tpu.memory_space<vmem>>[vector<16xi32>, vector<16xi32>], vector<16xf32>,
        %add3A_1017 = arith.addi %broadcast_in_dim3A_1003, %broadcast_in_dim3A_5 : vector<16xi32>
        %gather3A_1018 = arith.constant 0 : i32
        %gather3A_1019 = arith.constant 0 : i32
        %gather3A_1020 = tpu.memref_slice %arg5[%scan3A_679, %gather3A_1018, %gather3A_1019] : memref<2x16x1408xf32, #tpu.memory_space<vmem>> -> memref<1x16x1408xf32, #tpu.memory_space<vmem>>
        %gather3A_1021 = tpu.memref_squeeze %gather3A_1020 : memref<1x16x1408xf32, #tpu.memory_space<vmem>> -> memref<16x1408xf32, #tpu.memory_space<vmem>>
        %gather3A_1022 = tpu.vector_load_idx %gather3A_1021[%iota3A, %add3A_1017] : memref<16x1408xf32, #tpu.memory_space<vmem>>[vector<16xi32>, vector<16xi32>], vector<16xf32>,
        %add3A_1023 = arith.addi %broadcast_in_dim3A_1003, %broadcast_in_dim3A_7 : vector<16xi32>
        %gather3A_1024 = arith.constant 0 : i32
        %gather3A_1025 = arith.constant 0 : i32
        %gather3A_1026 = tpu.memref_slice %arg5[%scan3A_679, %gather3A_1024, %gather3A_1025] : memref<2x16x1408xf32, #tpu.memory_space<vmem>> -> memref<1x16x1408xf32, #tpu.memory_space<vmem>>
        %gather3A_1027 = tpu.memref_squeeze %gather3A_1026 : memref<1x16x1408xf32, #tpu.memory_space<vmem>> -> memref<16x1408xf32, #tpu.memory_space<vmem>>
        %gather3A_1028 = tpu.vector_load_idx %gather3A_1027[%iota3A, %add3A_1023] : memref<16x1408xf32, #tpu.memory_space<vmem>>[vector<16xi32>, vector<16xi32>], vector<16xf32>,
        %add3A_1029 = arith.addi %broadcast_in_dim3A_1003, %broadcast_in_dim3A_9 : vector<16xi32>
        %gather3A_1030 = arith.constant 0 : i32
        %gather3A_1031 = arith.constant 0 : i32
        %gather3A_1032 = tpu.memref_slice %arg5[%scan3A_679, %gather3A_1030, %gather3A_1031] : memref<2x16x1408xf32, #tpu.memory_space<vmem>> -> memref<1x16x1408xf32, #tpu.memory_space<vmem>>
        %gather3A_1033 = tpu.memref_squeeze %gather3A_1032 : memref<1x16x1408xf32, #tpu.memory_space<vmem>> -> memref<16x1408xf32, #tpu.memory_space<vmem>>
        %gather3A_1034 = tpu.vector_load_idx %gather3A_1033[%iota3A, %add3A_1029] : memref<16x1408xf32, #tpu.memory_space<vmem>>[vector<16xi32>, vector<16xi32>], vector<16xf32>,
        %add3A_1035 = arith.addi %broadcast_in_dim3A_1003, %broadcast_in_dim3A_11 : vector<16xi32>
        %gather3A_1036 = arith.constant 0 : i32
        %gather3A_1037 = arith.constant 0 : i32
        %gather3A_1038 = tpu.memref_slice %arg5[%scan3A_679, %gather3A_1036, %gather3A_1037] : memref<2x16x1408xf32, #tpu.memory_space<vmem>> -> memref<1x16x1408xf32, #tpu.memory_space<vmem>>
        %gather3A_1039 = tpu.memref_squeeze %gather3A_1038 : memref<1x16x1408xf32, #tpu.memory_space<vmem>> -> memref<16x1408xf32, #tpu.memory_space<vmem>>
        %gather3A_1040 = tpu.vector_load_idx %gather3A_1039[%iota3A, %add3A_1035] : memref<16x1408xf32, #tpu.memory_space<vmem>>[vector<16xi32>, vector<16xi32>], vector<16xf32>,
        %add3A_1041 = arith.addi %broadcast_in_dim3A_1003, %broadcast_in_dim3A_13 : vector<16xi32>
        %gather3A_1042 = arith.constant 0 : i32
        %gather3A_1043 = arith.constant 0 : i32
        %gather3A_1044 = tpu.memref_slice %arg5[%scan3A_679, %gather3A_1042, %gather3A_1043] : memref<2x16x1408xf32, #tpu.memory_space<vmem>> -> memref<1x16x1408xf32, #tpu.memory_space<vmem>>
        %gather3A_1045 = tpu.memref_squeeze %gather3A_1044 : memref<1x16x1408xf32, #tpu.memory_space<vmem>> -> memref<16x1408xf32, #tpu.memory_space<vmem>>
        %gather3A_1046 = tpu.vector_load_idx %gather3A_1045[%iota3A, %add3A_1041] : memref<16x1408xf32, #tpu.memory_space<vmem>>[vector<16xi32>, vector<16xi32>], vector<16xf32>,
        %add3A_1047 = arith.addi %broadcast_in_dim3A_1003, %broadcast_in_dim3A_15 : vector<16xi32>
        %gather3A_1048 = arith.constant 0 : i32
        %gather3A_1049 = arith.constant 0 : i32
        %gather3A_1050 = tpu.memref_slice %arg5[%scan3A_679, %gather3A_1048, %gather3A_1049] : memref<2x16x1408xf32, #tpu.memory_space<vmem>> -> memref<1x16x1408xf32, #tpu.memory_space<vmem>>
        %gather3A_1051 = tpu.memref_squeeze %gather3A_1050 : memref<1x16x1408xf32, #tpu.memory_space<vmem>> -> memref<16x1408xf32, #tpu.memory_space<vmem>>
        %gather3A_1052 = tpu.vector_load_idx %gather3A_1051[%iota3A, %add3A_1047] : memref<16x1408xf32, #tpu.memory_space<vmem>>[vector<16xi32>, vector<16xi32>], vector<16xf32>,
        %mul3A_1053 = arith.constant 4 : i32
        %mul3A_1054 = arith.muli %add3A_816, %mul3A_1053 : i32
        %add3A_1055 = arith.constant 2 : i32
        %add3A_1056 = arith.addi %mul3A_1054, %add3A_1055 : i32
        %add3A_1057 = arith.constant 1 : i32
        %add3A_1058 = arith.addi %add3A_1056, %add3A_1057 : i32
        %mul3A_1059 = arith.constant 8 : i32
        %mul3A_1060 = arith.muli %add3A_1058, %mul3A_1059 : i32
        %broadcast_in_dim3A_1061 = vector.broadcast %mul3A_1060 : i32 to vector<16xi32>
        %broadcast_in_dim3A_1062 = vector.broadcast %add3A_1058 : i32 to vector<16xi32>
        %add3A_1063 = arith.addi %broadcast_in_dim3A_1061, %broadcast_in_dim3A_1 : vector<16xi32>
        %gather3A_1064 = arith.constant 0 : i32
        %gather3A_1065 = arith.constant 0 : i32
        %gather3A_1066 = tpu.memref_slice %arg5[%scan3A_679, %gather3A_1064, %gather3A_1065] : memref<2x16x1408xf32, #tpu.memory_space<vmem>> -> memref<1x16x1408xf32, #tpu.memory_space<vmem>>
        %gather3A_1067 = tpu.memref_squeeze %gather3A_1066 : memref<1x16x1408xf32, #tpu.memory_space<vmem>> -> memref<16x1408xf32, #tpu.memory_space<vmem>>
        %gather3A_1068 = tpu.vector_load_idx %gather3A_1067[%iota3A, %add3A_1063] : memref<16x1408xf32, #tpu.memory_space<vmem>>[vector<16xi32>, vector<16xi32>], vector<16xf32>,
        %add3A_1069 = arith.addi %broadcast_in_dim3A_1061, %broadcast_in_dim3A_3 : vector<16xi32>
        %gather3A_1070 = arith.constant 0 : i32
        %gather3A_1071 = arith.constant 0 : i32
        %gather3A_1072 = tpu.memref_slice %arg5[%scan3A_679, %gather3A_1070, %gather3A_1071] : memref<2x16x1408xf32, #tpu.memory_space<vmem>> -> memref<1x16x1408xf32, #tpu.memory_space<vmem>>
        %gather3A_1073 = tpu.memref_squeeze %gather3A_1072 : memref<1x16x1408xf32, #tpu.memory_space<vmem>> -> memref<16x1408xf32, #tpu.memory_space<vmem>>
        %gather3A_1074 = tpu.vector_load_idx %gather3A_1073[%iota3A, %add3A_1069] : memref<16x1408xf32, #tpu.memory_space<vmem>>[vector<16xi32>, vector<16xi32>], vector<16xf32>,
        %add3A_1075 = arith.addi %broadcast_in_dim3A_1061, %broadcast_in_dim3A_5 : vector<16xi32>
        %gather3A_1076 = arith.constant 0 : i32
        %gather3A_1077 = arith.constant 0 : i32
        %gather3A_1078 = tpu.memref_slice %arg5[%scan3A_679, %gather3A_1076, %gather3A_1077] : memref<2x16x1408xf32, #tpu.memory_space<vmem>> -> memref<1x16x1408xf32, #tpu.memory_space<vmem>>
        %gather3A_1079 = tpu.memref_squeeze %gather3A_1078 : memref<1x16x1408xf32, #tpu.memory_space<vmem>> -> memref<16x1408xf32, #tpu.memory_space<vmem>>
        %gather3A_1080 = tpu.vector_load_idx %gather3A_1079[%iota3A, %add3A_1075] : memref<16x1408xf32, #tpu.memory_space<vmem>>[vector<16xi32>, vector<16xi32>], vector<16xf32>,
        %add3A_1081 = arith.addi %broadcast_in_dim3A_1061, %broadcast_in_dim3A_7 : vector<16xi32>
        %gather3A_1082 = arith.constant 0 : i32
        %gather3A_1083 = arith.constant 0 : i32
        %gather3A_1084 = tpu.memref_slice %arg5[%scan3A_679, %gather3A_1082, %gather3A_1083] : memref<2x16x1408xf32, #tpu.memory_space<vmem>> -> memref<1x16x1408xf32, #tpu.memory_space<vmem>>
        %gather3A_1085 = tpu.memref_squeeze %gather3A_1084 : memref<1x16x1408xf32, #tpu.memory_space<vmem>> -> memref<16x1408xf32, #tpu.memory_space<vmem>>
        %gather3A_1086 = tpu.vector_load_idx %gather3A_1085[%iota3A, %add3A_1081] : memref<16x1408xf32, #tpu.memory_space<vmem>>[vector<16xi32>, vector<16xi32>], vector<16xf32>,
        %add3A_1087 = arith.addi %broadcast_in_dim3A_1061, %broadcast_in_dim3A_9 : vector<16xi32>
        %gather3A_1088 = arith.constant 0 : i32
        %gather3A_1089 = arith.constant 0 : i32
        %gather3A_1090 = tpu.memref_slice %arg5[%scan3A_679, %gather3A_1088, %gather3A_1089] : memref<2x16x1408xf32, #tpu.memory_space<vmem>> -> memref<1x16x1408xf32, #tpu.memory_space<vmem>>
        %gather3A_1091 = tpu.memref_squeeze %gather3A_1090 : memref<1x16x1408xf32, #tpu.memory_space<vmem>> -> memref<16x1408xf32, #tpu.memory_space<vmem>>
        %gather3A_1092 = tpu.vector_load_idx %gather3A_1091[%iota3A, %add3A_1087] : memref<16x1408xf32, #tpu.memory_space<vmem>>[vector<16xi32>, vector<16xi32>], vector<16xf32>,
        %add3A_1093 = arith.addi %broadcast_in_dim3A_1061, %broadcast_in_dim3A_11 : vector<16xi32>
        %gather3A_1094 = arith.constant 0 : i32
        %gather3A_1095 = arith.constant 0 : i32
        %gather3A_1096 = tpu.memref_slice %arg5[%scan3A_679, %gather3A_1094, %gather3A_1095] : memref<2x16x1408xf32, #tpu.memory_space<vmem>> -> memref<1x16x1408xf32, #tpu.memory_space<vmem>>
        %gather3A_1097 = tpu.memref_squeeze %gather3A_1096 : memref<1x16x1408xf32, #tpu.memory_space<vmem>> -> memref<16x1408xf32, #tpu.memory_space<vmem>>
        %gather3A_1098 = tpu.vector_load_idx %gather3A_1097[%iota3A, %add3A_1093] : memref<16x1408xf32, #tpu.memory_space<vmem>>[vector<16xi32>, vector<16xi32>], vector<16xf32>,
        %add3A_1099 = arith.addi %broadcast_in_dim3A_1061, %broadcast_in_dim3A_13 : vector<16xi32>
        %gather3A_1100 = arith.constant 0 : i32
        %gather3A_1101 = arith.constant 0 : i32
        %gather3A_1102 = tpu.memref_slice %arg5[%scan3A_679, %gather3A_1100, %gather3A_1101] : memref<2x16x1408xf32, #tpu.memory_space<vmem>> -> memref<1x16x1408xf32, #tpu.memory_space<vmem>>
        %gather3A_1103 = tpu.memref_squeeze %gather3A_1102 : memref<1x16x1408xf32, #tpu.memory_space<vmem>> -> memref<16x1408xf32, #tpu.memory_space<vmem>>
        %gather3A_1104 = tpu.vector_load_idx %gather3A_1103[%iota3A, %add3A_1099] : memref<16x1408xf32, #tpu.memory_space<vmem>>[vector<16xi32>, vector<16xi32>], vector<16xf32>,
        %add3A_1105 = arith.addi %broadcast_in_dim3A_1061, %broadcast_in_dim3A_15 : vector<16xi32>
        %gather3A_1106 = arith.constant 0 : i32
        %gather3A_1107 = arith.constant 0 : i32
        %gather3A_1108 = tpu.memref_slice %arg5[%scan3A_679, %gather3A_1106, %gather3A_1107] : memref<2x16x1408xf32, #tpu.memory_space<vmem>> -> memref<1x16x1408xf32, #tpu.memory_space<vmem>>
        %gather3A_1109 = tpu.memref_squeeze %gather3A_1108 : memref<1x16x1408xf32, #tpu.memory_space<vmem>> -> memref<16x1408xf32, #tpu.memory_space<vmem>>
        %gather3A_1110 = tpu.vector_load_idx %gather3A_1109[%iota3A, %add3A_1105] : memref<16x1408xf32, #tpu.memory_space<vmem>>[vector<16xi32>, vector<16xi32>], vector<16xf32>,
        %scatter3A_1111 = arith.constant 0 : i32
        %scatter3A_1112 = arith.constant 0 : i32
        %scatter3A_1113 = tpu.memref_slice %arg6[%scan3A_680, %scatter3A_1111, %scatter3A_1112] : memref<2x176x128xf32, #tpu.memory_space<vmem>> -> memref<1x176x128xf32, #tpu.memory_space<vmem>>
        %scatter3A_1114 = tpu.memref_squeeze %scatter3A_1113 : memref<1x176x128xf32, #tpu.memory_space<vmem>> -> memref<176x128xf32, #tpu.memory_space<vmem>>
        tpu.vector_store_idx %scatter3A_1114[%broadcast_in_dim3A_1004, %add3A_18], %gather3A_1010 : memref<176x128xf32, #tpu.memory_space<vmem>>[vector<16xi32>, vector<16xi32>], vector<16xf32>,
        %scatter3A_1115 = arith.constant 0 : i32
        %scatter3A_1116 = arith.constant 0 : i32
        %scatter3A_1117 = tpu.memref_slice %arg6[%scan3A_680, %scatter3A_1115, %scatter3A_1116] : memref<2x176x128xf32, #tpu.memory_space<vmem>> -> memref<1x176x128xf32, #tpu.memory_space<vmem>>
        %scatter3A_1118 = tpu.memref_squeeze %scatter3A_1117 : memref<1x176x128xf32, #tpu.memory_space<vmem>> -> memref<176x128xf32, #tpu.memory_space<vmem>>
        tpu.vector_store_idx %scatter3A_1118[%broadcast_in_dim3A_1004, %add3A_21], %gather3A_1016 : memref<176x128xf32, #tpu.memory_space<vmem>>[vector<16xi32>, vector<16xi32>], vector<16xf32>,
        %scatter3A_1119 = arith.constant 0 : i32
        %scatter3A_1120 = arith.constant 0 : i32
        %scatter3A_1121 = tpu.memref_slice %arg6[%scan3A_680, %scatter3A_1119, %scatter3A_1120] : memref<2x176x128xf32, #tpu.memory_space<vmem>> -> memref<1x176x128xf32, #tpu.memory_space<vmem>>
        %scatter3A_1122 = tpu.memref_squeeze %scatter3A_1121 : memref<1x176x128xf32, #tpu.memory_space<vmem>> -> memref<176x128xf32, #tpu.memory_space<vmem>>
        tpu.vector_store_idx %scatter3A_1122[%broadcast_in_dim3A_1004, %add3A_24], %gather3A_1022 : memref<176x128xf32, #tpu.memory_space<vmem>>[vector<16xi32>, vector<16xi32>], vector<16xf32>,
        %scatter3A_1123 = arith.constant 0 : i32
        %scatter3A_1124 = arith.constant 0 : i32
        %scatter3A_1125 = tpu.memref_slice %arg6[%scan3A_680, %scatter3A_1123, %scatter3A_1124] : memref<2x176x128xf32, #tpu.memory_space<vmem>> -> memref<1x176x128xf32, #tpu.memory_space<vmem>>
        %scatter3A_1126 = tpu.memref_squeeze %scatter3A_1125 : memref<1x176x128xf32, #tpu.memory_space<vmem>> -> memref<176x128xf32, #tpu.memory_space<vmem>>
        tpu.vector_store_idx %scatter3A_1126[%broadcast_in_dim3A_1004, %add3A_27], %gather3A_1028 : memref<176x128xf32, #tpu.memory_space<vmem>>[vector<16xi32>, vector<16xi32>], vector<16xf32>,
        %scatter3A_1127 = arith.constant 0 : i32
        %scatter3A_1128 = arith.constant 0 : i32
        %scatter3A_1129 = tpu.memref_slice %arg6[%scan3A_680, %scatter3A_1127, %scatter3A_1128] : memref<2x176x128xf32, #tpu.memory_space<vmem>> -> memref<1x176x128xf32, #tpu.memory_space<vmem>>
        %scatter3A_1130 = tpu.memref_squeeze %scatter3A_1129 : memref<1x176x128xf32, #tpu.memory_space<vmem>> -> memref<176x128xf32, #tpu.memory_space<vmem>>
        tpu.vector_store_idx %scatter3A_1130[%broadcast_in_dim3A_1004, %add3A_30], %gather3A_1034 : memref<176x128xf32, #tpu.memory_space<vmem>>[vector<16xi32>, vector<16xi32>], vector<16xf32>,
        %scatter3A_1131 = arith.constant 0 : i32
        %scatter3A_1132 = arith.constant 0 : i32
        %scatter3A_1133 = tpu.memref_slice %arg6[%scan3A_680, %scatter3A_1131, %scatter3A_1132] : memref<2x176x128xf32, #tpu.memory_space<vmem>> -> memref<1x176x128xf32, #tpu.memory_space<vmem>>
        %scatter3A_1134 = tpu.memref_squeeze %scatter3A_1133 : memref<1x176x128xf32, #tpu.memory_space<vmem>> -> memref<176x128xf32, #tpu.memory_space<vmem>>
        tpu.vector_store_idx %scatter3A_1134[%broadcast_in_dim3A_1004, %add3A_33], %gather3A_1040 : memref<176x128xf32, #tpu.memory_space<vmem>>[vector<16xi32>, vector<16xi32>], vector<16xf32>,
        %scatter3A_1135 = arith.constant 0 : i32
        %scatter3A_1136 = arith.constant 0 : i32
        %scatter3A_1137 = tpu.memref_slice %arg6[%scan3A_680, %scatter3A_1135, %scatter3A_1136] : memref<2x176x128xf32, #tpu.memory_space<vmem>> -> memref<1x176x128xf32, #tpu.memory_space<vmem>>
        %scatter3A_1138 = tpu.memref_squeeze %scatter3A_1137 : memref<1x176x128xf32, #tpu.memory_space<vmem>> -> memref<176x128xf32, #tpu.memory_space<vmem>>
        tpu.vector_store_idx %scatter3A_1138[%broadcast_in_dim3A_1004, %add3A_36], %gather3A_1046 : memref<176x128xf32, #tpu.memory_space<vmem>>[vector<16xi32>, vector<16xi32>], vector<16xf32>,
        %scatter3A_1139 = arith.constant 0 : i32
        %scatter3A_1140 = arith.constant 0 : i32
        %scatter3A_1141 = tpu.memref_slice %arg6[%scan3A_680, %scatter3A_1139, %scatter3A_1140] : memref<2x176x128xf32, #tpu.memory_space<vmem>> -> memref<1x176x128xf32, #tpu.memory_space<vmem>>
        %scatter3A_1142 = tpu.memref_squeeze %scatter3A_1141 : memref<1x176x128xf32, #tpu.memory_space<vmem>> -> memref<176x128xf32, #tpu.memory_space<vmem>>
        tpu.vector_store_idx %scatter3A_1142[%broadcast_in_dim3A_1004, %add3A_39], %gather3A_1052 : memref<176x128xf32, #tpu.memory_space<vmem>>[vector<16xi32>, vector<16xi32>], vector<16xf32>,
        %scatter3A_1143 = arith.constant 0 : i32
        %scatter3A_1144 = arith.constant 0 : i32
        %scatter3A_1145 = tpu.memref_slice %arg6[%scan3A_680, %scatter3A_1143, %scatter3A_1144] : memref<2x176x128xf32, #tpu.memory_space<vmem>> -> memref<1x176x128xf32, #tpu.memory_space<vmem>>
        %scatter3A_1146 = tpu.memref_squeeze %scatter3A_1145 : memref<1x176x128xf32, #tpu.memory_space<vmem>> -> memref<176x128xf32, #tpu.memory_space<vmem>>
        tpu.vector_store_idx %scatter3A_1146[%broadcast_in_dim3A_1062, %add3A_18], %gather3A_1068 : memref<176x128xf32, #tpu.memory_space<vmem>>[vector<16xi32>, vector<16xi32>], vector<16xf32>,
        %scatter3A_1147 = arith.constant 0 : i32
        %scatter3A_1148 = arith.constant 0 : i32
        %scatter3A_1149 = tpu.memref_slice %arg6[%scan3A_680, %scatter3A_1147, %scatter3A_1148] : memref<2x176x128xf32, #tpu.memory_space<vmem>> -> memref<1x176x128xf32, #tpu.memory_space<vmem>>
        %scatter3A_1150 = tpu.memref_squeeze %scatter3A_1149 : memref<1x176x128xf32, #tpu.memory_space<vmem>> -> memref<176x128xf32, #tpu.memory_space<vmem>>
        tpu.vector_store_idx %scatter3A_1150[%broadcast_in_dim3A_1062, %add3A_21], %gather3A_1074 : memref<176x128xf32, #tpu.memory_space<vmem>>[vector<16xi32>, vector<16xi32>], vector<16xf32>,
        %scatter3A_1151 = arith.constant 0 : i32
        %scatter3A_1152 = arith.constant 0 : i32
        %scatter3A_1153 = tpu.memref_slice %arg6[%scan3A_680, %scatter3A_1151, %scatter3A_1152] : memref<2x176x128xf32, #tpu.memory_space<vmem>> -> memref<1x176x128xf32, #tpu.memory_space<vmem>>
        %scatter3A_1154 = tpu.memref_squeeze %scatter3A_1153 : memref<1x176x128xf32, #tpu.memory_space<vmem>> -> memref<176x128xf32, #tpu.memory_space<vmem>>
        tpu.vector_store_idx %scatter3A_1154[%broadcast_in_dim3A_1062, %add3A_24], %gather3A_1080 : memref<176x128xf32, #tpu.memory_space<vmem>>[vector<16xi32>, vector<16xi32>], vector<16xf32>,
        %scatter3A_1155 = arith.constant 0 : i32
        %scatter3A_1156 = arith.constant 0 : i32
        %scatter3A_1157 = tpu.memref_slice %arg6[%scan3A_680, %scatter3A_1155, %scatter3A_1156] : memref<2x176x128xf32, #tpu.memory_space<vmem>> -> memref<1x176x128xf32, #tpu.memory_space<vmem>>
        %scatter3A_1158 = tpu.memref_squeeze %scatter3A_1157 : memref<1x176x128xf32, #tpu.memory_space<vmem>> -> memref<176x128xf32, #tpu.memory_space<vmem>>
        tpu.vector_store_idx %scatter3A_1158[%broadcast_in_dim3A_1062, %add3A_27], %gather3A_1086 : memref<176x128xf32, #tpu.memory_space<vmem>>[vector<16xi32>, vector<16xi32>], vector<16xf32>,
        %scatter3A_1159 = arith.constant 0 : i32
        %scatter3A_1160 = arith.constant 0 : i32
        %scatter3A_1161 = tpu.memref_slice %arg6[%scan3A_680, %scatter3A_1159, %scatter3A_1160] : memref<2x176x128xf32, #tpu.memory_space<vmem>> -> memref<1x176x128xf32, #tpu.memory_space<vmem>>
        %scatter3A_1162 = tpu.memref_squeeze %scatter3A_1161 : memref<1x176x128xf32, #tpu.memory_space<vmem>> -> memref<176x128xf32, #tpu.memory_space<vmem>>
        tpu.vector_store_idx %scatter3A_1162[%broadcast_in_dim3A_1062, %add3A_30], %gather3A_1092 : memref<176x128xf32, #tpu.memory_space<vmem>>[vector<16xi32>, vector<16xi32>], vector<16xf32>,
        %scatter3A_1163 = arith.constant 0 : i32
        %scatter3A_1164 = arith.constant 0 : i32
        %scatter3A_1165 = tpu.memref_slice %arg6[%scan3A_680, %scatter3A_1163, %scatter3A_1164] : memref<2x176x128xf32, #tpu.memory_space<vmem>> -> memref<1x176x128xf32, #tpu.memory_space<vmem>>
        %scatter3A_1166 = tpu.memref_squeeze %scatter3A_1165 : memref<1x176x128xf32, #tpu.memory_space<vmem>> -> memref<176x128xf32, #tpu.memory_space<vmem>>
        tpu.vector_store_idx %scatter3A_1166[%broadcast_in_dim3A_1062, %add3A_33], %gather3A_1098 : memref<176x128xf32, #tpu.memory_space<vmem>>[vector<16xi32>, vector<16xi32>], vector<16xf32>,
        %scatter3A_1167 = arith.constant 0 : i32
        %scatter3A_1168 = arith.constant 0 : i32
        %scatter3A_1169 = tpu.memref_slice %arg6[%scan3A_680, %scatter3A_1167, %scatter3A_1168] : memref<2x176x128xf32, #tpu.memory_space<vmem>> -> memref<1x176x128xf32, #tpu.memory_space<vmem>>
        %scatter3A_1170 = tpu.memref_squeeze %scatter3A_1169 : memref<1x176x128xf32, #tpu.memory_space<vmem>> -> memref<176x128xf32, #tpu.memory_space<vmem>>
        tpu.vector_store_idx %scatter3A_1170[%broadcast_in_dim3A_1062, %add3A_36], %gather3A_1104 : memref<176x128xf32, #tpu.memory_space<vmem>>[vector<16xi32>, vector<16xi32>], vector<16xf32>,
        %scatter3A_1171 = arith.constant 0 : i32
        %scatter3A_1172 = arith.constant 0 : i32
        %scatter3A_1173 = tpu.memref_slice %arg6[%scan3A_680, %scatter3A_1171, %scatter3A_1172] : memref<2x176x128xf32, #tpu.memory_space<vmem>> -> memref<1x176x128xf32, #tpu.memory_space<vmem>>
        %scatter3A_1174 = tpu.memref_squeeze %scatter3A_1173 : memref<1x176x128xf32, #tpu.memory_space<vmem>> -> memref<176x128xf32, #tpu.memory_space<vmem>>
        tpu.vector_store_idx %scatter3A_1174[%broadcast_in_dim3A_1062, %add3A_39], %gather3A_1110 : memref<176x128xf32, #tpu.memory_space<vmem>>[vector<16xi32>, vector<16xi32>], vector<16xf32>,
      }
      %scan3A_685 = arith.constant 44 : i32
      %mul3A_686 = arith.constant 32 : i32
      %mul3A_687 = arith.muli %add3A_611, %mul3A_686 : i32
      %add3A_688 = arith.addi %mul3A_687, %add3A : i32
      %min3A_689 = arith.constant 1845 : i32
      %min3A_690 = arith.minsi %add3A_688, %min3A_689 : i32
      %jit3A_691 = arith.constant 71 : i32
      %div3A_692 = arith.divsi %min3A_690, %jit3A_691 : i32
      %sign3A_693 = arith.constant 0 : i32
      %sign3A_694 = arith.cmpi sgt, %min3A_690, %sign3A_693 : i32
      %sign3A_695 = arith.extui %sign3A_694 : i1 to i32
      %sign3A_696 = arith.constant 0 : i32
      %sign3A_697 = arith.cmpi slt, %min3A_690, %sign3A_696 : i32
      %sign3A_698 = arith.extui %sign3A_697 : i1 to i32
      %sign3A_699 = arith.subi %sign3A_695, %sign3A_698 : i32
      %sign3A_700 = arith.constant 0 : i32
      %sign3A_701 = arith.cmpi sgt, %jit3A_691, %sign3A_700 : i32
      %sign3A_702 = arith.extui %sign3A_701 : i1 to i32
      %sign3A_703 = arith.constant 0 : i32
      %sign3A_704 = arith.cmpi slt, %jit3A_691, %sign3A_703 : i32
      %sign3A_705 = arith.extui %sign3A_704 : i1 to i32
      %sign3A_706 = arith.subi %sign3A_702, %sign3A_705 : i32
      %ne3A_707 = arith.cmpi ne, %sign3A_699, %sign3A_706 : i32
      %rem3A_708 = arith.remsi %min3A_690, %jit3A_691 : i32
      %ne3A_709 = arith.constant 0 : i32
      %ne3A_710 = arith.cmpi ne, %rem3A_708, %ne3A_709 : i32
      %and3A_711 = arith.andi %ne3A_707, %ne3A_710 : i1
      %sub3A_712 = arith.constant 1 : i32
      %sub3A_713 = arith.subi %div3A_692, %sub3A_712 : i32
      %select_n3A_714 = arith.select %and3A_711, %sub3A_713, %div3A_692 : i32
      %jit3A_715 = arith.constant 71 : i32
      %eq3A_716 = arith.constant 0 : i32
      %eq3A_717 = arith.cmpi eq, %jit3A_715, %eq3A_716 : i32
      %jit3A_718 = arith.constant 1 : i32
      %select_n3A_719 = arith.select %eq3A_717, %jit3A_718, %jit3A_715 : i32
      %rem3A_720 = arith.remsi %min3A_690, %select_n3A_719 : i32
      %ne3A_721 = arith.constant 0 : i32
      %ne3A_722 = arith.cmpi ne, %rem3A_720, %ne3A_721 : i32
      %lt3A_723 = arith.constant 0 : i32
      %lt3A_724 = arith.cmpi slt, %rem3A_720, %lt3A_723 : i32
      %lt3A_725 = arith.constant 0 : i32
      %lt3A_726 = arith.cmpi slt, %select_n3A_719, %lt3A_725 : i32
      %ne3A_727 = arith.xori %lt3A_724, %lt3A_726 : i1
      %and3A_728 = arith.andi %ne3A_727, %ne3A_722 : i1
      %add3A_729 = arith.addi %rem3A_720, %select_n3A_719 : i32
      %select_n3A_730 = arith.select %and3A_728, %add3A_729, %rem3A_720 : i32
      %mul3A_731 = arith.constant 176 : i32
      %mul3A_732 = arith.muli %select_n3A_730, %mul3A_731 : i32
      %dma_start3A_733 = arith.constant 1 : i32
      %dma_start3A_734 = arith.constant 0 : i32
      %dma_start3A_735 = arith.constant 0 : i32
      %dma_start3A_736 = tpu.memref_slice %arg6[%dma_start3A_733, %dma_start3A_734, %dma_start3A_735] : memref<2x176x128xf32, #tpu.memory_space<vmem>> -> memref<1x176x128xf32, #tpu.memory_space<vmem>>
      %dma_start3A_737 = tpu.memref_squeeze %dma_start3A_736 : memref<1x176x128xf32, #tpu.memory_space<vmem>> -> memref<176x128xf32, #tpu.memory_space<vmem>>
      %dma_start3A_738 = arith.constant 0 : i32
      %dma_start3A_739 = tpu.memref_slice %arg4[%select_n3A_714, %mul3A_732, %dma_start3A_738] : memref<26x12504x128xf32, #tpu.memory_space<hbm>> -> memref<1x176x128xf32, #tpu.memory_space<hbm>>
      %dma_start3A_740 = tpu.memref_squeeze %dma_start3A_739 : memref<1x176x128xf32, #tpu.memory_space<hbm>> -> memref<176x128xf32, #tpu.memory_space<hbm>>
      %dma_start3A_741 = arith.constant 0 : i32
      %dma_start3A_742 = tpu.memref_slice %arg4[%select_n3A_714, %mul3A_732, %dma_start3A_741] : memref<26x12504x128xf32, #tpu.memory_space<hbm>> -> memref<1x176x128xf32, #tpu.memory_space<hbm>>
      %dma_start3A_743 = tpu.memref_squeeze %dma_start3A_742 : memref<1x176x128xf32, #tpu.memory_space<hbm>> -> memref<176x128xf32, #tpu.memory_space<hbm>>
      %dma_start3A_744 = arith.constant 0 : i32
      %dma_start3A_745 = arith.constant 0 : i32
      %dma_start3A_746 = tpu.memref_slice %arg6[%dma_start3A_733, %dma_start3A_744, %dma_start3A_745] : memref<2x176x128xf32, #tpu.memory_space<vmem>> -> memref<1x176x128xf32, #tpu.memory_space<vmem>>
      %dma_start3A_747 = tpu.memref_squeeze %dma_start3A_746 : memref<1x176x128xf32, #tpu.memory_space<vmem>> -> memref<176x128xf32, #tpu.memory_space<vmem>>
      tpu.enqueue_dma source(%dma_start3A_747 : memref<176x128xf32, #tpu.memory_space<vmem>>) target(%dma_start3A_743 : memref<176x128xf32, #tpu.memory_space<hbm>>) target_semaphore(%arg10 : memref<!tpu.dma_semaphore, #tpu.memory_space<semaphore_mem>>)
      %add3A_748 = arith.constant 2 : i32
      %add3A_749 = arith.addi %add3A_611, %add3A_748 : i32
      %mul3A_750 = arith.constant 32 : i32
      %mul3A_751 = arith.muli %add3A_749, %mul3A_750 : i32
      %add3A_752 = arith.addi %mul3A_751, %add3A : i32
      %min3A_753 = arith.constant 1845 : i32
      %min3A_754 = arith.minsi %add3A_752, %min3A_753 : i32
      %jit3A_755 = arith.constant 71 : i32
      %div3A_756 = arith.divsi %min3A_754, %jit3A_755 : i32
      %sign3A_757 = arith.constant 0 : i32
      %sign3A_758 = arith.cmpi sgt, %min3A_754, %sign3A_757 : i32
      %sign3A_759 = arith.extui %sign3A_758 : i1 to i32
      %sign3A_760 = arith.constant 0 : i32
      %sign3A_761 = arith.cmpi slt, %min3A_754, %sign3A_760 : i32
      %sign3A_762 = arith.extui %sign3A_761 : i1 to i32
      %sign3A_763 = arith.subi %sign3A_759, %sign3A_762 : i32
      %sign3A_764 = arith.constant 0 : i32
      %sign3A_765 = arith.cmpi sgt, %jit3A_755, %sign3A_764 : i32
      %sign3A_766 = arith.extui %sign3A_765 : i1 to i32
      %sign3A_767 = arith.constant 0 : i32
      %sign3A_768 = arith.cmpi slt, %jit3A_755, %sign3A_767 : i32
      %sign3A_769 = arith.extui %sign3A_768 : i1 to i32
      %sign3A_770 = arith.subi %sign3A_766, %sign3A_769 : i32
      %ne3A_771 = arith.cmpi ne, %sign3A_763, %sign3A_770 : i32
      %rem3A_772 = arith.remsi %min3A_754, %jit3A_755 : i32
      %ne3A_773 = arith.constant 0 : i32
      %ne3A_774 = arith.cmpi ne, %rem3A_772, %ne3A_773 : i32
      %and3A_775 = arith.andi %ne3A_771, %ne3A_774 : i1
      %sub3A_776 = arith.constant 1 : i32
      %sub3A_777 = arith.subi %div3A_756, %sub3A_776 : i32
      %select_n3A_778 = arith.select %and3A_775, %sub3A_777, %div3A_756 : i32
      %jit3A_779 = arith.constant 71 : i32
      %eq3A_780 = arith.constant 0 : i32
      %eq3A_781 = arith.cmpi eq, %jit3A_779, %eq3A_780 : i32
      %jit3A_782 = arith.constant 1 : i32
      %select_n3A_783 = arith.select %eq3A_781, %jit3A_782, %jit3A_779 : i32
      %rem3A_784 = arith.remsi %min3A_754, %select_n3A_783 : i32
      %ne3A_785 = arith.constant 0 : i32
      %ne3A_786 = arith.cmpi ne, %rem3A_784, %ne3A_785 : i32
      %lt3A_787 = arith.constant 0 : i32
      %lt3A_788 = arith.cmpi slt, %rem3A_784, %lt3A_787 : i32
      %lt3A_789 = arith.constant 0 : i32
      %lt3A_790 = arith.cmpi slt, %select_n3A_783, %lt3A_789 : i32
      %ne3A_791 = arith.xori %lt3A_788, %lt3A_790 : i1
      %and3A_792 = arith.andi %ne3A_791, %ne3A_786 : i1
      %add3A_793 = arith.addi %rem3A_784, %select_n3A_783 : i32
      %select_n3A_794 = arith.select %and3A_792, %add3A_793, %rem3A_784 : i32
      %mul3A_795 = arith.constant 1408 : i32
      %mul3A_796 = arith.muli %select_n3A_794, %mul3A_795 : i32
      %dma_start3A_797 = arith.constant 1 : i32
      %dma_start3A_798 = arith.constant 0 : i32
      %dma_start3A_799 = arith.constant 0 : i32
      %dma_start3A_800 = tpu.memref_slice %arg5[%dma_start3A_797, %dma_start3A_798, %dma_start3A_799] : memref<2x16x1408xf32, #tpu.memory_space<vmem>> -> memref<1x16x1408xf32, #tpu.memory_space<vmem>>
      %dma_start3A_801 = tpu.memref_squeeze %dma_start3A_800 : memref<1x16x1408xf32, #tpu.memory_space<vmem>> -> memref<16x1408xf32, #tpu.memory_space<vmem>>
      %dma_start3A_802 = arith.constant 0 : i32
      %dma_start3A_803 = tpu.memref_slice %arg2[%select_n3A_778, %dma_start3A_802, %mul3A_796] : memref<26x16x100001xf32, #tpu.memory_space<hbm>> -> memref<1x16x1408xf32, #tpu.memory_space<hbm>>
      %dma_start3A_804 = tpu.memref_squeeze %dma_start3A_803 : memref<1x16x1408xf32, #tpu.memory_space<hbm>> -> memref<16x1408xf32, #tpu.memory_space<hbm>>
      %dma_start3A_805 = arith.constant 0 : i32
      %dma_start3A_806 = arith.constant 0 : i32
      %dma_start3A_807 = tpu.memref_slice %arg5[%dma_start3A_797, %dma_start3A_805, %dma_start3A_806] : memref<2x16x1408xf32, #tpu.memory_space<vmem>> -> memref<1x16x1408xf32, #tpu.memory_space<vmem>>
      %dma_start3A_808 = tpu.memref_squeeze %dma_start3A_807 : memref<1x16x1408xf32, #tpu.memory_space<vmem>> -> memref<16x1408xf32, #tpu.memory_space<vmem>>
      %dma_start3A_809 = arith.constant 0 : i32
      %dma_start3A_810 = tpu.memref_slice %arg2[%select_n3A_778, %dma_start3A_809, %mul3A_796] : memref<26x16x100001xf32, #tpu.memory_space<hbm>> -> memref<1x16x1408xf32, #tpu.memory_space<hbm>>
      %dma_start3A_811 = tpu.memref_squeeze %dma_start3A_810 : memref<1x16x1408xf32, #tpu.memory_space<hbm>> -> memref<16x1408xf32, #tpu.memory_space<hbm>>
      tpu.enqueue_dma source(%dma_start3A_811 : memref<16x1408xf32, #tpu.memory_space<hbm>>) target(%dma_start3A_808 : memref<16x1408xf32, #tpu.memory_space<vmem>>) target_semaphore(%arg8 : memref<!tpu.dma_semaphore, #tpu.memory_space<semaphore_mem>>)
    }
    %scan3A_153 = arith.constant 29 : i32
    %add3A_154 = arith.constant 1856 : i32
    %add3A_155 = arith.addi %add3A_154, %add3A : i32
    %min3A_156 = arith.constant 1845 : i32
    %min3A_157 = arith.minsi %add3A_155, %min3A_156 : i32
    %jit3A_158 = arith.constant 71 : i32
    %div3A_159 = arith.divsi %min3A_157, %jit3A_158 : i32
    %sign3A_160 = arith.constant 0 : i32
    %sign3A_161 = arith.cmpi sgt, %min3A_157, %sign3A_160 : i32
    %sign3A_162 = arith.extui %sign3A_161 : i1 to i32
    %sign3A_163 = arith.constant 0 : i32
    %sign3A_164 = arith.cmpi slt, %min3A_157, %sign3A_163 : i32
    %sign3A_165 = arith.extui %sign3A_164 : i1 to i32
    %sign3A_166 = arith.subi %sign3A_162, %sign3A_165 : i32
    %sign3A_167 = arith.constant 0 : i32
    %sign3A_168 = arith.cmpi sgt, %jit3A_158, %sign3A_167 : i32
    %sign3A_169 = arith.extui %sign3A_168 : i1 to i32
    %sign3A_170 = arith.constant 0 : i32
    %sign3A_171 = arith.cmpi slt, %jit3A_158, %sign3A_170 : i32
    %sign3A_172 = arith.extui %sign3A_171 : i1 to i32
    %sign3A_173 = arith.subi %sign3A_169, %sign3A_172 : i32
    %ne3A_174 = arith.cmpi ne, %sign3A_166, %sign3A_173 : i32
    %rem3A_175 = arith.remsi %min3A_157, %jit3A_158 : i32
    %ne3A_176 = arith.constant 0 : i32
    %ne3A_177 = arith.cmpi ne, %rem3A_175, %ne3A_176 : i32
    %and3A_178 = arith.andi %ne3A_174, %ne3A_177 : i1
    %sub3A_179 = arith.constant 1 : i32
    %sub3A_180 = arith.subi %div3A_159, %sub3A_179 : i32
    %select_n3A_181 = arith.select %and3A_178, %sub3A_180, %div3A_159 : i32
    %jit3A_182 = arith.constant 71 : i32
    %eq3A_183 = arith.constant 0 : i32
    %eq3A_184 = arith.cmpi eq, %jit3A_182, %eq3A_183 : i32
    %jit3A_185 = arith.constant 1 : i32
    %select_n3A_186 = arith.select %eq3A_184, %jit3A_185, %jit3A_182 : i32
    %rem3A_187 = arith.remsi %min3A_157, %select_n3A_186 : i32
    %ne3A_188 = arith.constant 0 : i32
    %ne3A_189 = arith.cmpi ne, %rem3A_187, %ne3A_188 : i32
    %lt3A_190 = arith.constant 0 : i32
    %lt3A_191 = arith.cmpi slt, %rem3A_187, %lt3A_190 : i32
    %lt3A_192 = arith.constant 0 : i32
    %lt3A_193 = arith.cmpi slt, %select_n3A_186, %lt3A_192 : i32
    %ne3A_194 = arith.xori %lt3A_191, %lt3A_193 : i1
    %and3A_195 = arith.andi %ne3A_194, %ne3A_189 : i1
    %add3A_196 = arith.addi %rem3A_187, %select_n3A_186 : i32
    %select_n3A_197 = arith.select %and3A_195, %add3A_196, %rem3A_187 : i32
    %mul3A_198 = arith.constant 1408 : i32
    %mul3A_199 = arith.muli %select_n3A_197, %mul3A_198 : i32
    %dma_wait3A = arith.constant 0 : i32
    %dma_wait3A_200 = arith.constant 0 : i32
    %dma_wait3A_201 = arith.constant 0 : i32
    %dma_wait3A_202 = tpu.memref_slice %arg5[%dma_wait3A, %dma_wait3A_200, %dma_wait3A_201] : memref<2x16x1408xf32, #tpu.memory_space<vmem>> -> memref<1x16x1408xf32, #tpu.memory_space<vmem>>
    %dma_wait3A_203 = tpu.memref_squeeze %dma_wait3A_202 : memref<1x16x1408xf32, #tpu.memory_space<vmem>> -> memref<16x1408xf32, #tpu.memory_space<vmem>>
    %dma_wait3A_204 = arith.constant 0 : i32
    %dma_wait3A_205 = tpu.memref_slice %arg2[%select_n3A_181, %dma_wait3A_204, %mul3A_199] : memref<26x16x100001xf32, #tpu.memory_space<hbm>> -> memref<1x16x1408xf32, #tpu.memory_space<hbm>>
    %dma_wait3A_206 = tpu.memref_squeeze %dma_wait3A_205 : memref<1x16x1408xf32, #tpu.memory_space<hbm>> -> memref<16x1408xf32, #tpu.memory_space<hbm>>
    %dma_wait3A_207 = arith.constant 0 : i32
    %dma_wait3A_208 = arith.constant 0 : i32
    %dma_wait3A_209 = tpu.memref_slice %arg5[%dma_wait3A, %dma_wait3A_207, %dma_wait3A_208] : memref<2x16x1408xf32, #tpu.memory_space<vmem>> -> memref<1x16x1408xf32, #tpu.memory_space<vmem>>
    %dma_wait3A_210 = tpu.memref_squeeze %dma_wait3A_209 : memref<1x16x1408xf32, #tpu.memory_space<vmem>> -> memref<16x1408xf32, #tpu.memory_space<vmem>>
    %dma_wait3A_211 = arith.constant 0 : i32
    %dma_wait3A_212 = tpu.memref_slice %arg2[%select_n3A_181, %dma_wait3A_211, %mul3A_199] : memref<26x16x100001xf32, #tpu.memory_space<hbm>> -> memref<1x16x1408xf32, #tpu.memory_space<hbm>>
    %dma_wait3A_213 = tpu.memref_squeeze %dma_wait3A_212 : memref<1x16x1408xf32, #tpu.memory_space<hbm>> -> memref<16x1408xf32, #tpu.memory_space<hbm>>
    tpu.wait_dma2 semaphore(%arg7 : memref<!tpu.dma_semaphore, #tpu.memory_space<semaphore_mem>>) src(%dma_wait3A_213 : memref<16x1408xf32, #tpu.memory_space<hbm>>) dst(%dma_wait3A_210 : memref<16x1408xf32, #tpu.memory_space<vmem>>)
    %add3A_214 = arith.constant 1792 : i32
    %add3A_215 = arith.addi %add3A_214, %add3A : i32
    %min3A_216 = arith.constant 1845 : i32
    %min3A_217 = arith.minsi %add3A_215, %min3A_216 : i32
    %jit3A_218 = arith.constant 71 : i32
    %div3A_219 = arith.divsi %min3A_217, %jit3A_218 : i32
    %sign3A_220 = arith.constant 0 : i32
    %sign3A_221 = arith.cmpi sgt, %min3A_217, %sign3A_220 : i32
    %sign3A_222 = arith.extui %sign3A_221 : i1 to i32
    %sign3A_223 = arith.constant 0 : i32
    %sign3A_224 = arith.cmpi slt, %min3A_217, %sign3A_223 : i32
    %sign3A_225 = arith.extui %sign3A_224 : i1 to i32
    %sign3A_226 = arith.subi %sign3A_222, %sign3A_225 : i32
    %sign3A_227 = arith.constant 0 : i32
    %sign3A_228 = arith.cmpi sgt, %jit3A_218, %sign3A_227 : i32
    %sign3A_229 = arith.extui %sign3A_228 : i1 to i32
    %sign3A_230 = arith.constant 0 : i32
    %sign3A_231 = arith.cmpi slt, %jit3A_218, %sign3A_230 : i32
    %sign3A_232 = arith.extui %sign3A_231 : i1 to i32
    %sign3A_233 = arith.subi %sign3A_229, %sign3A_232 : i32
    %ne3A_234 = arith.cmpi ne, %sign3A_226, %sign3A_233 : i32
    %rem3A_235 = arith.remsi %min3A_217, %jit3A_218 : i32
    %ne3A_236 = arith.constant 0 : i32
    %ne3A_237 = arith.cmpi ne, %rem3A_235, %ne3A_236 : i32
    %and3A_238 = arith.andi %ne3A_234, %ne3A_237 : i1
    %sub3A_239 = arith.constant 1 : i32
    %sub3A_240 = arith.subi %div3A_219, %sub3A_239 : i32
    %select_n3A_241 = arith.select %and3A_238, %sub3A_240, %div3A_219 : i32
    %jit3A_242 = arith.constant 71 : i32
    %eq3A_243 = arith.constant 0 : i32
    %eq3A_244 = arith.cmpi eq, %jit3A_242, %eq3A_243 : i32
    %jit3A_245 = arith.constant 1 : i32
    %select_n3A_246 = arith.select %eq3A_244, %jit3A_245, %jit3A_242 : i32
    %rem3A_247 = arith.remsi %min3A_217, %select_n3A_246 : i32
    %ne3A_248 = arith.constant 0 : i32
    %ne3A_249 = arith.cmpi ne, %rem3A_247, %ne3A_248 : i32
    %lt3A_250 = arith.constant 0 : i32
    %lt3A_251 = arith.cmpi slt, %rem3A_247, %lt3A_250 : i32
    %lt3A_252 = arith.constant 0 : i32
    %lt3A_253 = arith.cmpi slt, %select_n3A_246, %lt3A_252 : i32
    %ne3A_254 = arith.xori %lt3A_251, %lt3A_253 : i1
    %and3A_255 = arith.andi %ne3A_254, %ne3A_249 : i1
    %add3A_256 = arith.addi %rem3A_247, %select_n3A_246 : i32
    %select_n3A_257 = arith.select %and3A_255, %add3A_256, %rem3A_247 : i32
    %mul3A_258 = arith.constant 176 : i32
    %mul3A_259 = arith.muli %select_n3A_257, %mul3A_258 : i32
    %dma_wait3A_260 = arith.constant 0 : i32
    %dma_wait3A_261 = arith.constant 0 : i32
    %dma_wait3A_262 = arith.constant 0 : i32
    %dma_wait3A_263 = tpu.memref_slice %arg6[%dma_wait3A_260, %dma_wait3A_261, %dma_wait3A_262] : memref<2x176x128xf32, #tpu.memory_space<vmem>> -> memref<1x176x128xf32, #tpu.memory_space<vmem>>
    %dma_wait3A_264 = tpu.memref_squeeze %dma_wait3A_263 : memref<1x176x128xf32, #tpu.memory_space<vmem>> -> memref<176x128xf32, #tpu.memory_space<vmem>>
    %dma_wait3A_265 = arith.constant 0 : i32
    %dma_wait3A_266 = tpu.memref_slice %arg4[%select_n3A_241, %mul3A_259, %dma_wait3A_265] : memref<26x12504x128xf32, #tpu.memory_space<hbm>> -> memref<1x176x128xf32, #tpu.memory_space<hbm>>
    %dma_wait3A_267 = tpu.memref_squeeze %dma_wait3A_266 : memref<1x176x128xf32, #tpu.memory_space<hbm>> -> memref<176x128xf32, #tpu.memory_space<hbm>>
    %dma_wait3A_268 = arith.constant 0 : i32
    %dma_wait3A_269 = tpu.memref_slice %arg4[%select_n3A_241, %mul3A_259, %dma_wait3A_268] : memref<26x12504x128xf32, #tpu.memory_space<hbm>> -> memref<1x176x128xf32, #tpu.memory_space<hbm>>
    %dma_wait3A_270 = tpu.memref_squeeze %dma_wait3A_269 : memref<1x176x128xf32, #tpu.memory_space<hbm>> -> memref<176x128xf32, #tpu.memory_space<hbm>>
    %dma_wait3A_271 = arith.constant 0 : i32
    %dma_wait3A_272 = arith.constant 0 : i32
    %dma_wait3A_273 = tpu.memref_slice %arg6[%dma_wait3A_260, %dma_wait3A_271, %dma_wait3A_272] : memref<2x176x128xf32, #tpu.memory_space<vmem>> -> memref<1x176x128xf32, #tpu.memory_space<vmem>>
    %dma_wait3A_274 = tpu.memref_squeeze %dma_wait3A_273 : memref<1x176x128xf32, #tpu.memory_space<vmem>> -> memref<176x128xf32, #tpu.memory_space<vmem>>
    tpu.wait_dma2 semaphore(%arg9 : memref<!tpu.dma_semaphore, #tpu.memory_space<semaphore_mem>>) src(%dma_wait3A_274 : memref<176x128xf32, #tpu.memory_space<vmem>>) dst(%dma_wait3A_270 : memref<176x128xf32, #tpu.memory_space<hbm>>)
    %add3A_275 = arith.constant 1888 : i32
    %add3A_276 = arith.addi %add3A_275, %add3A : i32
    %min3A_277 = arith.constant 1845 : i32
    %min3A_278 = arith.minsi %add3A_276, %min3A_277 : i32
    %jit3A_279 = arith.constant 71 : i32
    %div3A_280 = arith.divsi %min3A_278, %jit3A_279 : i32
    %sign3A_281 = arith.constant 0 : i32
    %sign3A_282 = arith.cmpi sgt, %min3A_278, %sign3A_281 : i32
    %sign3A_283 = arith.extui %sign3A_282 : i1 to i32
    %sign3A_284 = arith.constant 0 : i32
    %sign3A_285 = arith.cmpi slt, %min3A_278, %sign3A_284 : i32
    %sign3A_286 = arith.extui %sign3A_285 : i1 to i32
    %sign3A_287 = arith.subi %sign3A_283, %sign3A_286 : i32
    %sign3A_288 = arith.constant 0 : i32
    %sign3A_289 = arith.cmpi sgt, %jit3A_279, %sign3A_288 : i32
    %sign3A_290 = arith.extui %sign3A_289 : i1 to i32
    %sign3A_291 = arith.constant 0 : i32
    %sign3A_292 = arith.cmpi slt, %jit3A_279, %sign3A_291 : i32
    %sign3A_293 = arith.extui %sign3A_292 : i1 to i32
    %sign3A_294 = arith.subi %sign3A_290, %sign3A_293 : i32
    %ne3A_295 = arith.cmpi ne, %sign3A_287, %sign3A_294 : i32
    %rem3A_296 = arith.remsi %min3A_278, %jit3A_279 : i32
    %ne3A_297 = arith.constant 0 : i32
    %ne3A_298 = arith.cmpi ne, %rem3A_296, %ne3A_297 : i32
    %and3A_299 = arith.andi %ne3A_295, %ne3A_298 : i1
    %sub3A_300 = arith.constant 1 : i32
    %sub3A_301 = arith.subi %div3A_280, %sub3A_300 : i32
    %select_n3A_302 = arith.select %and3A_299, %sub3A_301, %div3A_280 : i32
    %jit3A_303 = arith.constant 71 : i32
    %eq3A_304 = arith.constant 0 : i32
    %eq3A_305 = arith.cmpi eq, %jit3A_303, %eq3A_304 : i32
    %jit3A_306 = arith.constant 1 : i32
    %select_n3A_307 = arith.select %eq3A_305, %jit3A_306, %jit3A_303 : i32
    %rem3A_308 = arith.remsi %min3A_278, %select_n3A_307 : i32
    %ne3A_309 = arith.constant 0 : i32
    %ne3A_310 = arith.cmpi ne, %rem3A_308, %ne3A_309 : i32
    %lt3A_311 = arith.constant 0 : i32
    %lt3A_312 = arith.cmpi slt, %rem3A_308, %lt3A_311 : i32
    %lt3A_313 = arith.constant 0 : i32
    %lt3A_314 = arith.cmpi slt, %select_n3A_307, %lt3A_313 : i32
    %ne3A_315 = arith.xori %lt3A_312, %lt3A_314 : i1
    %and3A_316 = arith.andi %ne3A_315, %ne3A_310 : i1
    %add3A_317 = arith.addi %rem3A_308, %select_n3A_307 : i32
    %select_n3A_318 = arith.select %and3A_316, %add3A_317, %rem3A_308 : i32
    %mul3A_319 = arith.constant 1408 : i32
    %mul3A_320 = arith.muli %select_n3A_318, %mul3A_319 : i32
    %dma_wait3A_321 = arith.constant 1 : i32
    %dma_wait3A_322 = arith.constant 0 : i32
    %dma_wait3A_323 = arith.constant 0 : i32
    %dma_wait3A_324 = tpu.memref_slice %arg5[%dma_wait3A_321, %dma_wait3A_322, %dma_wait3A_323] : memref<2x16x1408xf32, #tpu.memory_space<vmem>> -> memref<1x16x1408xf32, #tpu.memory_space<vmem>>
    %dma_wait3A_325 = tpu.memref_squeeze %dma_wait3A_324 : memref<1x16x1408xf32, #tpu.memory_space<vmem>> -> memref<16x1408xf32, #tpu.memory_space<vmem>>
    %dma_wait3A_326 = arith.constant 0 : i32
    %dma_wait3A_327 = tpu.memref_slice %arg2[%select_n3A_302, %dma_wait3A_326, %mul3A_320] : memref<26x16x100001xf32, #tpu.memory_space<hbm>> -> memref<1x16x1408xf32, #tpu.memory_space<hbm>>
    %dma_wait3A_328 = tpu.memref_squeeze %dma_wait3A_327 : memref<1x16x1408xf32, #tpu.memory_space<hbm>> -> memref<16x1408xf32, #tpu.memory_space<hbm>>
    %dma_wait3A_329 = arith.constant 0 : i32
    %dma_wait3A_330 = arith.constant 0 : i32
    %dma_wait3A_331 = tpu.memref_slice %arg5[%dma_wait3A_321, %dma_wait3A_329, %dma_wait3A_330] : memref<2x16x1408xf32, #tpu.memory_space<vmem>> -> memref<1x16x1408xf32, #tpu.memory_space<vmem>>
    %dma_wait3A_332 = tpu.memref_squeeze %dma_wait3A_331 : memref<1x16x1408xf32, #tpu.memory_space<vmem>> -> memref<16x1408xf32, #tpu.memory_space<vmem>>
    %dma_wait3A_333 = arith.constant 0 : i32
    %dma_wait3A_334 = tpu.memref_slice %arg2[%select_n3A_302, %dma_wait3A_333, %mul3A_320] : memref<26x16x100001xf32, #tpu.memory_space<hbm>> -> memref<1x16x1408xf32, #tpu.memory_space<hbm>>
    %dma_wait3A_335 = tpu.memref_squeeze %dma_wait3A_334 : memref<1x16x1408xf32, #tpu.memory_space<hbm>> -> memref<16x1408xf32, #tpu.memory_space<hbm>>
    tpu.wait_dma2 semaphore(%arg8 : memref<!tpu.dma_semaphore, #tpu.memory_space<semaphore_mem>>) src(%dma_wait3A_335 : memref<16x1408xf32, #tpu.memory_space<hbm>>) dst(%dma_wait3A_332 : memref<16x1408xf32, #tpu.memory_space<vmem>>)
    %add3A_336 = arith.constant 1824 : i32
    %add3A_337 = arith.addi %add3A_336, %add3A : i32
    %min3A_338 = arith.constant 1845 : i32
    %min3A_339 = arith.minsi %add3A_337, %min3A_338 : i32
    %jit3A_340 = arith.constant 71 : i32
    %div3A_341 = arith.divsi %min3A_339, %jit3A_340 : i32
    %sign3A_342 = arith.constant 0 : i32
    %sign3A_343 = arith.cmpi sgt, %min3A_339, %sign3A_342 : i32
    %sign3A_344 = arith.extui %sign3A_343 : i1 to i32
    %sign3A_345 = arith.constant 0 : i32
    %sign3A_346 = arith.cmpi slt, %min3A_339, %sign3A_345 : i32
    %sign3A_347 = arith.extui %sign3A_346 : i1 to i32
    %sign3A_348 = arith.subi %sign3A_344, %sign3A_347 : i32
    %sign3A_349 = arith.constant 0 : i32
    %sign3A_350 = arith.cmpi sgt, %jit3A_340, %sign3A_349 : i32
    %sign3A_351 = arith.extui %sign3A_350 : i1 to i32
    %sign3A_352 = arith.constant 0 : i32
    %sign3A_353 = arith.cmpi slt, %jit3A_340, %sign3A_352 : i32
    %sign3A_354 = arith.extui %sign3A_353 : i1 to i32
    %sign3A_355 = arith.subi %sign3A_351, %sign3A_354 : i32
    %ne3A_356 = arith.cmpi ne, %sign3A_348, %sign3A_355 : i32
    %rem3A_357 = arith.remsi %min3A_339, %jit3A_340 : i32
    %ne3A_358 = arith.constant 0 : i32
    %ne3A_359 = arith.cmpi ne, %rem3A_357, %ne3A_358 : i32
    %and3A_360 = arith.andi %ne3A_356, %ne3A_359 : i1
    %sub3A_361 = arith.constant 1 : i32
    %sub3A_362 = arith.subi %div3A_341, %sub3A_361 : i32
    %select_n3A_363 = arith.select %and3A_360, %sub3A_362, %div3A_341 : i32
    %jit3A_364 = arith.constant 71 : i32
    %eq3A_365 = arith.constant 0 : i32
    %eq3A_366 = arith.cmpi eq, %jit3A_364, %eq3A_365 : i32
    %jit3A_367 = arith.constant 1 : i32
    %select_n3A_368 = arith.select %eq3A_366, %jit3A_367, %jit3A_364 : i32
    %rem3A_369 = arith.remsi %min3A_339, %select_n3A_368 : i32
    %ne3A_370 = arith.constant 0 : i32
    %ne3A_371 = arith.cmpi ne, %rem3A_369, %ne3A_370 : i32
    %lt3A_372 = arith.constant 0 : i32
    %lt3A_373 = arith.cmpi slt, %rem3A_369, %lt3A_372 : i32
    %lt3A_374 = arith.constant 0 : i32
    %lt3A_375 = arith.cmpi slt, %select_n3A_368, %lt3A_374 : i32
    %ne3A_376 = arith.xori %lt3A_373, %lt3A_375 : i1
    %and3A_377 = arith.andi %ne3A_376, %ne3A_371 : i1
    %add3A_378 = arith.addi %rem3A_369, %select_n3A_368 : i32
    %select_n3A_379 = arith.select %and3A_377, %add3A_378, %rem3A_369 : i32
    %mul3A_380 = arith.constant 176 : i32
    %mul3A_381 = arith.muli %select_n3A_379, %mul3A_380 : i32
    %dma_wait3A_382 = arith.constant 1 : i32
    %dma_wait3A_383 = arith.constant 0 : i32
    %dma_wait3A_384 = arith.constant 0 : i32
    %dma_wait3A_385 = tpu.memref_slice %arg6[%dma_wait3A_382, %dma_wait3A_383, %dma_wait3A_384] : memref<2x176x128xf32, #tpu.memory_space<vmem>> -> memref<1x176x128xf32, #tpu.memory_space<vmem>>
    %dma_wait3A_386 = tpu.memref_squeeze %dma_wait3A_385 : memref<1x176x128xf32, #tpu.memory_space<vmem>> -> memref<176x128xf32, #tpu.memory_space<vmem>>
    %dma_wait3A_387 = arith.constant 0 : i32
    %dma_wait3A_388 = tpu.memref_slice %arg4[%select_n3A_363, %mul3A_381, %dma_wait3A_387] : memref<26x12504x128xf32, #tpu.memory_space<hbm>> -> memref<1x176x128xf32, #tpu.memory_space<hbm>>
    %dma_wait3A_389 = tpu.memref_squeeze %dma_wait3A_388 : memref<1x176x128xf32, #tpu.memory_space<hbm>> -> memref<176x128xf32, #tpu.memory_space<hbm>>
    %dma_wait3A_390 = arith.constant 0 : i32
    %dma_wait3A_391 = tpu.memref_slice %arg4[%select_n3A_363, %mul3A_381, %dma_wait3A_390] : memref<26x12504x128xf32, #tpu.memory_space<hbm>> -> memref<1x176x128xf32, #tpu.memory_space<hbm>>
    %dma_wait3A_392 = tpu.memref_squeeze %dma_wait3A_391 : memref<1x176x128xf32, #tpu.memory_space<hbm>> -> memref<176x128xf32, #tpu.memory_space<hbm>>
    %dma_wait3A_393 = arith.constant 0 : i32
    %dma_wait3A_394 = arith.constant 0 : i32
    %dma_wait3A_395 = tpu.memref_slice %arg6[%dma_wait3A_382, %dma_wait3A_393, %dma_wait3A_394] : memref<2x176x128xf32, #tpu.memory_space<vmem>> -> memref<1x176x128xf32, #tpu.memory_space<vmem>>
    %dma_wait3A_396 = tpu.memref_squeeze %dma_wait3A_395 : memref<1x176x128xf32, #tpu.memory_space<vmem>> -> memref<176x128xf32, #tpu.memory_space<vmem>>
    tpu.wait_dma2 semaphore(%arg10 : memref<!tpu.dma_semaphore, #tpu.memory_space<semaphore_mem>>) src(%dma_wait3A_396 : memref<176x128xf32, #tpu.memory_space<vmem>>) dst(%dma_wait3A_392 : memref<176x128xf32, #tpu.memory_space<hbm>>)
    %lt3A_397 = arith.constant 26 : i32
    %lt3A_398 = arith.cmpi slt, %add3A, %lt3A_397 : i32
    %convert_element_type3A = arith.extui %lt3A_398 : i1 to i32
    %cond3A = arith.constant 0 : i32
    %cond3A_399 = arith.cmpi ne, %convert_element_type3A, %cond3A : i32
    scf.if %cond3A_399 {
      %run_scoped3A = arith.constant 0 : i32
      "tpu.region"() ({
        %run_scoped3A_401 = tpu.sem_alloc : memref<!tpu.dma_semaphore, #tpu.memory_space<semaphore_mem>>
        %dma_start3A_402 = arith.constant 0 : i32
        %dma_start3A_403 = arith.constant 0 : i32
        %dma_start3A_404 = tpu.memref_slice %arg6[%run_scoped3A, %dma_start3A_402, %dma_start3A_403] : memref<2x176x128xf32, #tpu.memory_space<vmem>> -> memref<1x8x128xf32, #tpu.memory_space<vmem>>
        %dma_start3A_405 = tpu.memref_squeeze %dma_start3A_404 : memref<1x8x128xf32, #tpu.memory_space<vmem>> -> memref<8x128xf32, #tpu.memory_space<vmem>>
        %dma_start3A_406 = arith.constant 0 : i32
        %dma_start3A_407 = arith.constant 0 : i32
        %dma_start3A_408 = tpu.memref_slice %arg3[%add3A, %dma_start3A_406, %dma_start3A_407] : memref<26x8x128xf32, #tpu.memory_space<hbm>> -> memref<1x8x128xf32, #tpu.memory_space<hbm>>
        %dma_start3A_409 = tpu.memref_squeeze %dma_start3A_408 : memref<1x8x128xf32, #tpu.memory_space<hbm>> -> memref<8x128xf32, #tpu.memory_space<hbm>>
        %dma_start3A_410 = arith.constant 0 : i32
        %dma_start3A_411 = arith.constant 0 : i32
        %dma_start3A_412 = tpu.memref_slice %arg6[%run_scoped3A, %dma_start3A_410, %dma_start3A_411] : memref<2x176x128xf32, #tpu.memory_space<vmem>> -> memref<1x8x128xf32, #tpu.memory_space<vmem>>
        %dma_start3A_413 = tpu.memref_squeeze %dma_start3A_412 : memref<1x8x128xf32, #tpu.memory_space<vmem>> -> memref<8x128xf32, #tpu.memory_space<vmem>>
        %dma_start3A_414 = arith.constant 0 : i32
        %dma_start3A_415 = arith.constant 0 : i32
        %dma_start3A_416 = tpu.memref_slice %arg3[%add3A, %dma_start3A_414, %dma_start3A_415] : memref<26x8x128xf32, #tpu.memory_space<hbm>> -> memref<1x8x128xf32, #tpu.memory_space<hbm>>
        %dma_start3A_417 = tpu.memref_squeeze %dma_start3A_416 : memref<1x8x128xf32, #tpu.memory_space<hbm>> -> memref<8x128xf32, #tpu.memory_space<hbm>>
        tpu.enqueue_dma source(%dma_start3A_417 : memref<8x128xf32, #tpu.memory_space<hbm>>) target(%dma_start3A_413 : memref<8x128xf32, #tpu.memory_space<vmem>>) target_semaphore(%run_scoped3A_401 : memref<!tpu.dma_semaphore, #tpu.memory_space<semaphore_mem>>)
        %dma_wait3A_418 = arith.constant 0 : i32
        %dma_wait3A_419 = arith.constant 0 : i32
        %dma_wait3A_420 = tpu.memref_slice %arg6[%run_scoped3A, %dma_wait3A_418, %dma_wait3A_419] : memref<2x176x128xf32, #tpu.memory_space<vmem>> -> memref<1x8x128xf32, #tpu.memory_space<vmem>>
        %dma_wait3A_421 = tpu.memref_squeeze %dma_wait3A_420 : memref<1x8x128xf32, #tpu.memory_space<vmem>> -> memref<8x128xf32, #tpu.memory_space<vmem>>
        %dma_wait3A_422 = arith.constant 0 : i32
        %dma_wait3A_423 = arith.constant 0 : i32
        %dma_wait3A_424 = tpu.memref_slice %arg3[%add3A, %dma_wait3A_422, %dma_wait3A_423] : memref<26x8x128xf32, #tpu.memory_space<hbm>> -> memref<1x8x128xf32, #tpu.memory_space<hbm>>
        %dma_wait3A_425 = tpu.memref_squeeze %dma_wait3A_424 : memref<1x8x128xf32, #tpu.memory_space<hbm>> -> memref<8x128xf32, #tpu.memory_space<hbm>>
        %dma_wait3A_426 = arith.constant 0 : i32
        %dma_wait3A_427 = arith.constant 0 : i32
        %dma_wait3A_428 = tpu.memref_slice %arg6[%run_scoped3A, %dma_wait3A_426, %dma_wait3A_427] : memref<2x176x128xf32, #tpu.memory_space<vmem>> -> memref<1x8x128xf32, #tpu.memory_space<vmem>>
        %dma_wait3A_429 = tpu.memref_squeeze %dma_wait3A_428 : memref<1x8x128xf32, #tpu.memory_space<vmem>> -> memref<8x128xf32, #tpu.memory_space<vmem>>
        %dma_wait3A_430 = arith.constant 0 : i32
        %dma_wait3A_431 = arith.constant 0 : i32
        %dma_wait3A_432 = tpu.memref_slice %arg3[%add3A, %dma_wait3A_430, %dma_wait3A_431] : memref<26x8x128xf32, #tpu.memory_space<hbm>> -> memref<1x8x128xf32, #tpu.memory_space<hbm>>
        %dma_wait3A_433 = tpu.memref_squeeze %dma_wait3A_432 : memref<1x8x128xf32, #tpu.memory_space<hbm>> -> memref<8x128xf32, #tpu.memory_space<hbm>>
        tpu.wait_dma2 semaphore(%run_scoped3A_401 : memref<!tpu.dma_semaphore, #tpu.memory_space<semaphore_mem>>) src(%dma_wait3A_433 : memref<8x128xf32, #tpu.memory_space<hbm>>) dst(%dma_wait3A_429 : memref<8x128xf32, #tpu.memory_space<vmem>>)
        tpu.yield
      }) : () -> ()
      %run_scoped3A_400 = arith.constant 0 : i32
      "tpu.region"() ({
        %run_scoped3A_401 = tpu.sem_alloc : memref<!tpu.dma_semaphore, #tpu.memory_space<semaphore_mem>>
        %dma_start3A_402 = arith.constant 0 : i32
        %dma_start3A_403 = arith.constant 0 : i32
        %dma_start3A_404 = tpu.memref_slice %arg6[%run_scoped3A_400, %dma_start3A_402, %dma_start3A_403] : memref<2x176x128xf32, #tpu.memory_space<vmem>> -> memref<1x8x128xf32, #tpu.memory_space<vmem>>
        %dma_start3A_405 = tpu.memref_squeeze %dma_start3A_404 : memref<1x8x128xf32, #tpu.memory_space<vmem>> -> memref<8x128xf32, #tpu.memory_space<vmem>>
        %dma_start3A_406 = arith.constant 12496 : i32
        %dma_start3A_407 = arith.constant 0 : i32
        %dma_start3A_408 = tpu.memref_slice %arg4[%add3A, %dma_start3A_406, %dma_start3A_407] : memref<26x12504x128xf32, #tpu.memory_space<hbm>> -> memref<1x8x128xf32, #tpu.memory_space<hbm>>
        %dma_start3A_409 = tpu.memref_squeeze %dma_start3A_408 : memref<1x8x128xf32, #tpu.memory_space<hbm>> -> memref<8x128xf32, #tpu.memory_space<hbm>>
        %dma_start3A_410 = arith.constant 12496 : i32
        %dma_start3A_411 = arith.constant 0 : i32
        %dma_start3A_412 = tpu.memref_slice %arg4[%add3A, %dma_start3A_410, %dma_start3A_411] : memref<26x12504x128xf32, #tpu.memory_space<hbm>> -> memref<1x8x128xf32, #tpu.memory_space<hbm>>
        %dma_start3A_413 = tpu.memref_squeeze %dma_start3A_412 : memref<1x8x128xf32, #tpu.memory_space<hbm>> -> memref<8x128xf32, #tpu.memory_space<hbm>>
        %dma_start3A_414 = arith.constant 0 : i32
        %dma_start3A_415 = arith.constant 0 : i32
        %dma_start3A_416 = tpu.memref_slice %arg6[%run_scoped3A_400, %dma_start3A_414, %dma_start3A_415] : memref<2x176x128xf32, #tpu.memory_space<vmem>> -> memref<1x8x128xf32, #tpu.memory_space<vmem>>
        %dma_start3A_417 = tpu.memref_squeeze %dma_start3A_416 : memref<1x8x128xf32, #tpu.memory_space<vmem>> -> memref<8x128xf32, #tpu.memory_space<vmem>>
        tpu.enqueue_dma source(%dma_start3A_417 : memref<8x128xf32, #tpu.memory_space<vmem>>) target(%dma_start3A_413 : memref<8x128xf32, #tpu.memory_space<hbm>>) target_semaphore(%run_scoped3A_401 : memref<!tpu.dma_semaphore, #tpu.memory_space<semaphore_mem>>)
        %dma_wait3A_418 = arith.constant 0 : i32
        %dma_wait3A_419 = arith.constant 0 : i32
        %dma_wait3A_420 = tpu.memref_slice %arg6[%run_scoped3A_400, %dma_wait3A_418, %dma_wait3A_419] : memref<2x176x128xf32, #tpu.memory_space<vmem>> -> memref<1x8x128xf32, #tpu.memory_space<vmem>>
        %dma_wait3A_421 = tpu.memref_squeeze %dma_wait3A_420 : memref<1x8x128xf32, #tpu.memory_space<vmem>> -> memref<8x128xf32, #tpu.memory_space<vmem>>
        %dma_wait3A_422 = arith.constant 12496 : i32
        %dma_wait3A_423 = arith.constant 0 : i32
        %dma_wait3A_424 = tpu.memref_slice %arg4[%add3A, %dma_wait3A_422, %dma_wait3A_423] : memref<26x12504x128xf32, #tpu.memory_space<hbm>> -> memref<1x8x128xf32, #tpu.memory_space<hbm>>
        %dma_wait3A_425 = tpu.memref_squeeze %dma_wait3A_424 : memref<1x8x128xf32, #tpu.memory_space<hbm>> -> memref<8x128xf32, #tpu.memory_space<hbm>>
        %dma_wait3A_426 = arith.constant 12496 : i32
        %dma_wait3A_427 = arith.constant 0 : i32
        %dma_wait3A_428 = tpu.memref_slice %arg4[%add3A, %dma_wait3A_426, %dma_wait3A_427] : memref<26x12504x128xf32, #tpu.memory_space<hbm>> -> memref<1x8x128xf32, #tpu.memory_space<hbm>>
        %dma_wait3A_429 = tpu.memref_squeeze %dma_wait3A_428 : memref<1x8x128xf32, #tpu.memory_space<hbm>> -> memref<8x128xf32, #tpu.memory_space<hbm>>
        %dma_wait3A_430 = arith.constant 0 : i32
        %dma_wait3A_431 = arith.constant 0 : i32
        %dma_wait3A_432 = tpu.memref_slice %arg6[%run_scoped3A_400, %dma_wait3A_430, %dma_wait3A_431] : memref<2x176x128xf32, #tpu.memory_space<vmem>> -> memref<1x8x128xf32, #tpu.memory_space<vmem>>
        %dma_wait3A_433 = tpu.memref_squeeze %dma_wait3A_432 : memref<1x8x128xf32, #tpu.memory_space<vmem>> -> memref<8x128xf32, #tpu.memory_space<vmem>>
        tpu.wait_dma2 semaphore(%run_scoped3A_401 : memref<!tpu.dma_semaphore, #tpu.memory_space<semaphore_mem>>) src(%dma_wait3A_433 : memref<8x128xf32, #tpu.memory_space<vmem>>) dst(%dma_wait3A_429 : memref<8x128xf32, #tpu.memory_space<hbm>>)
        tpu.yield
      }) : () -> ()
    } else {
    }
    return
  }
}

</mosaic_0001>

<sc_bundles>
// kernel: _embed_pipeline.4.cloned.1.call-start
scs
__scs_entry_jumppad:
0x0: {  	(pc) =	sbr.rel $0x88, $3  }
0x1: {  	(tag) =	ssettag $0x0;
	lr =	simm.s32 $0x1  }
0x2: {  	[smem:$0x3F9F] =	sst lr;
	_ =	strace $0xD0000000  }
0x3: {  	_ = 	snop  }
0x4: {  	_ = 	snop  }
0x5: {  	_ = 	snop  }
0x6: {  	_ = 	snop  }
0x7: {  	_ = 	snop  }
__scs_overlays_trampoline_lowered:
0x8: {  	[smem:$0x3FAE] =	sst s0  }
0x9: {  	[smem:$0x3FAF] =	sst s1  }
0xa: {  	[smem:$0x3FB0] =	sst s2  }
0xb: {  	[smem:$0x3FB1] =	sst s3  }
0xc: {  	[smem:$0x3FB2] =	sst s4  }
0xd: {  	[smem:$0x3FB3] =	sst s5  }
0xe: {  	[smem:$0x3FB4] =	sst s6  }
0xf: {  	[smem:$0x3FB5] =	sst s7  }
0x10: {  	[smem:$0x3FB6] =	sst s8  }
0x11: {  	[smem:$0x3FB7] =	sst s9;
	s0 =	simm.s32 @!p0 $0x0  }
0x12: {  	s1 =	sld [smem:$0x3F9D];
	s0 =	simm.s32 @p0 $0x1  }
0x13: {  	[smem:$0x3FB8] =	sst s0;
	s0 =	simm.s32 @!p1 $0x0  }
0x14: {  	s2 =	sld [smem:$0x3F9C];
	s0 =	simm.s32 @p1 $0x1  }
0x15: {  	[smem:$0x3FB9] =	sst s0;
	s0 =	simm.s32 @!p2 $0x0  }
0x16: {  	s3 =	sld [smem:$0x3FDB];
	s0 =	simm.s32 @p2 $0x1  }
0x17: {  	s4 =	simm.s32 $0x1BF5;
	[smem:$0x3FBB] =	sst s0  }
0x18: {  	s0 =	sld [smem:$0x3F9E];
	_ =	swait.ge [sflag:s4], $0x0  }
0x19: {  	s7 =	sld [smem:$0x3F9F]  }
0x1a: {  	s8 =	sadd.s32 $0xFFFFE003, lr  }
0x1b: {  	s9 =	sadd.s32 $0xFFFFFEF7, lr;
	s5 =	simm.s32 $0xFFFFFFFF;
	p2 =	slt.u32 s8, $0xFFFFF086  }
0x1c: {  	p1 =	slt.u32 s9, $0xF7A;
	s5 =	simm.s32 @!p2 $0x0  }
0x1d: {  	s5 =	simm.s32 @p1 $0x1;
	p0 =	seq.s32 s7, s2  }
0x1e: {  	s7 =	smul.u32 @!p0 $0xF7A, s2;
	p2 =	seq.s32 @!p0 s5, $0x0  }
0x1f: {  	s9 =	smul.u32 $0xF7A, s1;
	s8 =	simm.s32 @!p0 $0x1BF5;
	p2 =	por !p2, p0  }
0x20: {  	[sflag:s8] =	ssyncset.s32 @!p0 $0xFFFFF086;
	s6 =	sadd.s32 @!p0 s3, s7;
	s7 =	simm.s32 @!p0 $0x108  }
0x21: {  	s3 =	sadd.s32 s3, s9;
	s6 =	sadd.s32 @!p0 $0x88, s6;
	s7 =	simm.s32 @p2 $0x1082  }
0x22: {  	[simem:s7], [sflag:s8] =	dma.local @!p0 [hbm:s6], $0xF7A  }
0x23: {  	s9 =	sor.u32 $0xD0000000, s2;
	s6 =	simm.s32 $0x108;
	_ =	swait.ge @!p0 [sflag:s8], $0x0  }
0x24: {  	s3 =	sadd.s32 $0x88, s3;
	s6 =	simm.s32 @!p1 $0x1082;
	[sflag:s4] =	ssyncset.s32 $0xFFFFF086  }
0x25: {  	[simem:s6], [sflag:s4] =	dma.local [hbm:s3], $0xF7A  }
0x26: {  	[smem:$0x3F9F] =	sst s1;
	(tag) =	ssettag s2;
	_ =	strace s9  }
0x27: {  	s1 =	sld [smem:$0x3FAF]  }
0x28: {  	s2 =	sld [smem:$0x3FB0]  }
0x29: {  	s4 =	sld [smem:$0x3FB2]  }
0x2a: {  	p0 =	seq.s32 s5, $0x0;
	s5 =	sld [smem:$0x3FB3]  }
0x2b: {  	s6 =	sld [smem:$0x3FB4]  }
0x2c: {  	s7 =	sld [smem:$0x3FB5]  }
0x2d: {  	s3 =	simm.s32 $0x108;
	s8 =	sld [smem:$0x3FB6]  }
0x2e: {  	s3 =	simm.s32 @!p0 $0x1082;
	s9 =	sld [smem:$0x3FB7]  }
0x2f: {  	lr =	sadd.s32 s0, s3;
	s0 =	sld [smem:$0x3FAE]  }
0x30: {  	s3 =	sld [smem:$0x3FB1]  }
0x31: {  	[smem:$0x3FBA] =	sst s10  }
0x32: {  	s10 =	sld [smem:$0x3FB8];
	_ =	sdelay $0x3  }
0x33: {  	p0 =	seq.s32 s10, $0x1;
	s10 =	sld [smem:$0x3FBA];
	_ =	sdelay $0x3  }
0x34: {  	[smem:$0x3FBA] =	sst s10  }
0x35: {  	s10 =	sld [smem:$0x3FB9];
	_ =	sdelay $0x3  }
0x36: {  	p1 =	seq.s32 s10, $0x1;
	s10 =	sld [smem:$0x3FBA];
	_ =	sdelay $0x3  }
0x37: {  	[smem:$0x3FBA] =	sst s10  }
0x38: {  	s10 =	sld [smem:$0x3FBB]  }
0x39: {  	_ = 	snop;
	(pc) =	sbr.ind lr, $3  }
0x3a: {  	_ = 	snop  }
0x3b: {  	_ = 	snop  }
0x3c: {  	p2 =	seq.s32 s10, $0x1;
	s10 =	sld [smem:$0x3FBA]  }
0x3d: {  	_ =	shalt  }
0x3e: {  	_ =	shalt  }
0x3f: {  	_ =	shalt  }
0x40: {  	_ =	shalt  }
0x41: {  	_ =	shalt  }
0x42: {  	_ =	shalt  }
0x43: {  	_ =	shalt  }
0x44: {  	_ =	shalt  }
0x45: {  	_ =	shalt  }
0x46: {  	_ =	shalt  }
0x47: {  	_ =	shalt  }
0x48: {  	_ =	shalt  }
0x49: {  	_ =	shalt  }
0x4a: {  	_ =	shalt  }
0x4b: {  	_ =	shalt  }
0x4c: {  	_ =	shalt  }
0x4d: {  	_ =	shalt  }
0x4e: {  	_ =	shalt  }
0x4f: {  	_ =	shalt  }
0x50: {  	_ =	shalt  }
0x51: {  	_ =	shalt  }
0x52: {  	_ =	shalt  }
0x53: {  	_ =	shalt  }
0x54: {  	_ =	shalt  }
0x55: {  	_ =	shalt  }
0x56: {  	_ =	shalt  }
0x57: {  	_ =	shalt  }
0x58: {  	_ =	shalt  }
0x59: {  	_ =	shalt  }
0x5a: {  	_ =	shalt  }
0x5b: {  	_ =	shalt  }
0x5c: {  	_ =	shalt  }
0x5d: {  	_ =	shalt  }
0x5e: {  	_ =	shalt  }
0x5f: {  	_ =	shalt  }
0x60: {  	_ =	shalt  }
0x61: {  	_ =	shalt  }
0x62: {  	_ =	shalt  }
0x63: {  	_ =	shalt  }
0x64: {  	_ =	shalt  }
0x65: {  	_ =	shalt  }
0x66: {  	_ =	shalt  }
0x67: {  	_ =	shalt  }
0x68: {  	_ =	shalt  }
0x69: {  	_ =	shalt  }
0x6a: {  	_ =	shalt  }
0x6b: {  	_ =	shalt  }
0x6c: {  	_ =	shalt  }
0x6d: {  	_ =	shalt  }
0x6e: {  	_ =	shalt  }
0x6f: {  	_ =	shalt  }
0x70: {  	_ =	shalt  }
0x71: {  	_ =	shalt  }
0x72: {  	_ =	shalt  }
0x73: {  	_ =	shalt  }
0x74: {  	_ =	shalt  }
0x75: {  	_ =	shalt  }
0x76: {  	_ =	shalt  }
0x77: {  	_ =	shalt  }
0x78: {  	_ =	shalt  }
0x79: {  	_ =	shalt  }
0x7a: {  	_ =	shalt  }
0x7b: {  	_ =	shalt  }
0x7c: {  	_ =	shalt  }
0x7d: {  	_ =	shalt  }
0x7e: {  	_ =	shalt  }
0x7f: {  	_ =	shalt  }
0x80: {  	_ =	shalt  }
0x81: {  	_ =	shalt  }
0x82: {  	_ =	shalt  }
0x83: {  	_ =	shalt  }
0x84: {  	_ =	shalt  }
0x85: {  	_ =	shalt  }
0x86: {  	_ =	shalt  }
0x87: {  	_ =	shalt  }
.Lfunc_end0:
.L_simem_size_0:
called_computation_lowered:
.L_overlay_start_0:
0x88: {  	s2 =	sld [smem:$0x3FD9]  }
0x89: {  	s3 =	sld [smem:$0x3FFE];
	_ =	sdelay $0x1  }
0x8a: {  	s1 =	srdreg.scid  }
0x8b: {  	s0 =	sand.u32 $0x1, s1  }
0x8c: {  	s17 =	sshll.u32 s0, $0xA;
	s2 =	sadd.s32 s3, s2  }
0x8d: {  	s2 =	sadd.s32 s2, s17  }
0x8e: {  	[smem:$0x3FC6] =	sst s2  }
0x8f: {  	_ = 	snop  }
0x90: {  	s2 =	sld [smem:$0x3FC8]  }
0x91: {  	s18 =	sld [smem:$0x3FD0];
	(tm) =	ssettm $0x1  }
0x92: {  	s4 =	sld [smem:$0x3FFB];
	_ =	sdelay $0x3  }
0x93: {  	_ =	strace s4  }
0x94: {  	s4 =	sld [smem:$0x3FFC];
	_ =	sdelay $0x3  }
0x95: {  	_ =	strace s4  }
0x96: {  	s4 =	sld [smem:$0x3FFD];
	_ =	sdelay $0x3  }
0x97: {  	_ =	strace s4  }
0x98: {  	_ =	strace $0x8FFFFFFF  }
0x99: {  	s19 =	sld [smem:$0x3FDB];
	_ =	sdelay $0x1  }
0x9a: {  	s5 =	simm.s32 $_scs_section_size  }
0x9b: {  	s6 =	simm.s32 $_size__tile_overlayer_lowered;
	s7 =	simm.s32 $_tile_overlayer_lowered  }
0x9c: {  	s22 =	simm.s32 $0x1BFF;
	s21 =	sshll.u32 s7, $0x1;
	s4 =	sadd.s32 s5, s19  }
0x9d: {  	s8 =	simm.s32 $0x0;
	s20 =	sshll.u32 s6, $0x1;
	s6 =	sadd.s32 s21, s4  }
0x9e: {  	[timem:s8], [sflag:s22] =	dma.local [hbm:s6], s20  }
0x9f: {  	_ =	swait.ge [sflag:s22], s20  }
0xa0: {  	s5 =	ssub.s32 $0x0, s20;
	[sflag:s22] =	ssyncset.done $0x0  }
0xa1: {  	[sflag:s22] =	ssyncadd.s32 s5;
	_ =	sdelay $0x1  }
0xa2: {  	s23 =	simm.s32 $0x1B8B  }
0xa3: {  	_ =	swait.ge [sflag:s23], $0x1  }
0xa4: {  	[sflag:s23] =	ssyncset.done $0x0  }
0xa5: {  	s25 =	simm.s32 $0x1B8E;
	s24 =	sld [smem:$0x3FFE];
	[sflag:s23] =	ssyncadd.s32 $0xFFFFFFFF  }
0xa6: {  	s26 =	simm.s32 $execute0_lowered;
	[smem:$0x3FD2] =	sst s25  }
0xa7: {  	s6 =	sshll.u32 s26, $0x1;
	_ =	strace $0x80000046;
	[dreg:$0x1] =	wrdreg $0xFFFFFFFF  }
0xa8: {  	s28 =	simm.s32 $_size_execute0_lowered;
	s4 =	sadd.s32 s4, s6;
	[dreg:$0x0] =	wrdreg $0x0  }
0xa9: {  	s6 =	sshll.u32 s28, $0x1;
	[dreg:$0x2] =	wrdreg s4  }
0xaa: {  	[dreg:$0x3] =	wrdreg s6  }
0xab: {  	[dreg:$0x4] =	wrdreg $0xC0  }
0xac: {  	_ =	task [dreg:s8], $0x5FFFF  }
0xad: {  	[dreg:$0x1] =	wrdreg $0xFFFFFFFF  }
0xae: {  	[dreg:$0x0] =	wrdreg $0x60  }
0xaf: {  	[dreg:$0x2] =	wrdreg s2  }
0xb0: {  	[dreg:$0x3] =	wrdreg s18  }
0xb1: {  	[dreg:$0x4] =	wrdreg s24  }
0xb2: {  	[dreg:$0x5] =	wrdreg $0x9  }
0xb3: {  	_ =	task.clear_ibuf [dreg:s8], $0x6FFFF;
	_ =	strace $0x90000046  }
0xb4: {  	s29 =	simm.s32 $0x9;
	_ =	strace $0x80000048  }
0xb5: {  	_ =	swait.ge [sflag:s29], $0x1  }
0xb6: {  	[sflag:s29] =	ssyncadd.s32 $0xFFFFFFFF  }
0xb7: {  	_ =	strace $0x90000048  }
0xb8: {  	_ =	sfence  }
0xb9: {  	s30 =	sld [smem:$0x0];
	_ =	sdelay $0x2  }
0xba: {  	s31 =	sshll.u32 s1, $0xD;
	s1 =	sshrl.u32 s1, $0x2  }
0xbb: {  	s3 =	sand.u32 $0x4000, s31;
	s1 =	sadd.s32 s1, s30  }
0xbc: {  	s0 =	sor.u32 s3, s0;
	s1 =	sshll.u32 s1, $0x11  }
0xbd: {  	s0 =	sor.u32 s1, s0  }
0xbe: {  	s0 =	sadd.s32 $0x8F2B, s0  }
0xbf: {  	[sflag:s0] =	ssyncadd.remote.s32 $0x1  }
0xc0: {  	_ =	sfence.sel $0xFFFF  }
0xc1: {  	[dreg:$0x0] =	wrdreg $0xFFFFFFFF;
	(pc) =	sbr.abs _section_cstart, $3  }
0xc2: {  	[dreg:$0x1] =	wrdreg $0xFFFFFFFF  }
0xc3: {  	_ =	task.clear_ibuf [dreg:s8], $0x2FFFF;
	_ =	strace $0x9FFFFFFF  }
0xc4: {  	(tm) =	ssettm $0x7FFFFFFF  }
0xc5: {  	_ =	shalt  }
tec
execute0_lowered:
.L_overlay_start_1:
0x0: {  	(tag) =	ssettag $0x1  }
0x1: {  	v0 =	vimm.s32 $0x2F80  }
0x2: {  	vm14 =	vcmask $0x300;
	vm13 =	vcmask $0x704;
	v1 =	vimm.s32 $0x2F83  }
0x3: {  	vm12 =	vcmask $0xB08;
	vm11 =	vcmask $0xF0C;
	vm10 =	vcmask $0x1310  }
0x4: {  	vm9 =	vcmask $0x1714;
	vm8 =	vcmask $0x1B18;
	vm7 =	vcmask $0x1F1C  }
0x5: {  	vm6 =	vcmask $0x2320;
	vm5 =	vcmask $0x2724;
	vm4 =	vcmask $0x2B28  }
0x6: {  	vm3 =	vcmask $0x2F2C;
	vm2 =	vcmask $0x3330;
	vm1 =	vcmask $0x3734  }
0x7: {  	vm0 =	vcmask $0x3B38;
	v2 =	vimm.s32 $0x2F81;
	v3 =	vimm.s32 $0x2F82  }
0x8: {  	v4 =	vimm.s32 $0x2F84;
	v5 =	vimm.s32 $0x2F85;
	v6 =	vimm.s32 $0x2F86  }
0x9: {  	v7 =	vimm.s32 $0x2F87;
	v0 =	vsel vm14, $0x0, v0;
	v1 =	vsel vm14, $0x3, v1  }
0xa: {  	v2 =	vsel vm14, $0x1, v2;
	v3 =	vsel vm14, $0x2, v3;
	v4 =	vsel vm14, $0x4, v4  }
0xb: {  	v5 =	vsel vm14, $0x5, v5;
	v6 =	vsel vm14, $0x6, v6;
	v7 =	vsel vm14, $0x7, v7  }
0xc: {  	v0 =	vsel vm13, $0x80, v0;
	v1 =	vsel vm13, $0x83, v1;
	v2 =	vsel vm13, $0x81, v2  }
0xd: {  	v3 =	vsel vm13, $0x82, v3;
	v4 =	vsel vm13, $0x84, v4;
	v5 =	vsel vm13, $0x85, v5  }
0xe: {  	v6 =	vsel vm13, $0x86, v6;
	v7 =	vsel vm13, $0x87, v7;
	v0 =	vsel vm12, $0x100, v0  }
0xf: {  	v1 =	vsel vm12, $0x103, v1;
	v2 =	vsel vm12, $0x101, v2;
	v3 =	vsel vm12, $0x102, v3  }
0x10: {  	v4 =	vsel vm12, $0x104, v4;
	v5 =	vsel vm12, $0x105, v5;
	v6 =	vsel vm12, $0x106, v6  }
0x11: {  	v7 =	vsel vm12, $0x107, v7;
	v0 =	vsel vm11, $0x180, v0;
	v1 =	vsel vm11, $0x183, v1  }
0x12: {  	v2 =	vsel vm11, $0x181, v2;
	v3 =	vsel vm11, $0x182, v3;
	v4 =	vsel vm11, $0x184, v4  }
0x13: {  	v5 =	vsel vm11, $0x185, v5;
	v6 =	vsel vm11, $0x186, v6;
	v7 =	vsel vm11, $0x187, v7  }
0x14: {  	v0 =	vsel vm10, $0x200, v0;
	v1 =	vsel vm10, $0x203, v1;
	v2 =	vsel vm10, $0x201, v2  }
0x15: {  	v3 =	vsel vm10, $0x202, v3;
	v4 =	vsel vm10, $0x204, v4;
	v5 =	vsel vm10, $0x205, v5  }
0x16: {  	v6 =	vsel vm10, $0x206, v6;
	v7 =	vsel vm10, $0x207, v7;
	v0 =	vsel vm9, $0x280, v0  }
0x17: {  	v1 =	vsel vm9, $0x283, v1;
	v2 =	vsel vm9, $0x281, v2;
	v3 =	vsel vm9, $0x282, v3  }
0x18: {  	v4 =	vsel vm9, $0x284, v4;
	v5 =	vsel vm9, $0x285, v5;
	v6 =	vsel vm9, $0x286, v6  }
0x19: {  	v7 =	vsel vm9, $0x287, v7;
	v0 =	vsel vm8, $0x300, v0;
	v1 =	vsel vm8, $0x303, v1  }
0x1a: {  	v2 =	vsel vm8, $0x301, v2;
	v3 =	vsel vm8, $0x302, v3;
	v4 =	vsel vm8, $0x304, v4  }
0x1b: {  	v5 =	vsel vm8, $0x305, v5;
	v6 =	vsel vm8, $0x306, v6;
	v7 =	vsel vm8, $0x307, v7  }
0x1c: {  	v0 =	vsel vm7, $0x380, v0;
	v1 =	vsel vm7, $0x383, v1;
	v2 =	vsel vm7, $0x381, v2  }
0x1d: {  	v3 =	vsel vm7, $0x382, v3;
	v4 =	vsel vm7, $0x384, v4;
	v5 =	vsel vm7, $0x385, v5  }
0x1e: {  	v6 =	vsel vm7, $0x386, v6;
	v7 =	vsel vm7, $0x387, v7;
	v0 =	vsel vm6, $0x2C00, v0  }
0x1f: {  	v1 =	vsel vm6, $0x2C03, v1;
	v2 =	vsel vm6, $0x2C01, v2;
	v3 =	vsel vm6, $0x2C02, v3  }
0x20: {  	v4 =	vsel vm6, $0x2C04, v4;
	v5 =	vsel vm6, $0x2C05, v5;
	v6 =	vsel vm6, $0x2C06, v6  }
0x21: {  	v7 =	vsel vm6, $0x2C07, v7;
	v0 =	vsel vm5, $0x2C80, v0;
	v1 =	vsel vm5, $0x2C83, v1  }
0x22: {  	v2 =	vsel vm5, $0x2C81, v2;
	v3 =	vsel vm5, $0x2C82, v3;
	v4 =	vsel vm5, $0x2C84, v4  }
0x23: {  	v5 =	vsel vm5, $0x2C85, v5;
	v6 =	vsel vm5, $0x2C86, v6;
	v7 =	vsel vm5, $0x2C87, v7  }
0x24: {  	v0 =	vsel vm4, $0x2D00, v0;
	v1 =	vsel vm4, $0x2D03, v1;
	v2 =	vsel vm4, $0x2D01, v2  }
0x25: {  	s0 =	rddreg [dreg:$0x0];
	v3 =	vsel vm4, $0x2D02, v3;
	v4 =	vsel vm4, $0x2D04, v4;
	v5 =	vsel vm4, $0x2D05, v5  }
0x26: {  	s1 =	rddreg [dreg:$0x1];
	v6 =	vsel vm4, $0x2D06, v6;
	v7 =	vsel vm4, $0x2D07, v7;
	v0 =	vsel vm3, $0x2D80, v0  }
0x27: {  	s2 =	rddreg [dreg:$0x2];
	s4 =	srdreg.scid;
	v1 =	vsel vm3, $0x2D83, v1;
	v2 =	vsel vm3, $0x2D81, v2;
	v3 =	vsel vm3, $0x2D82, v3  }
0x28: {  	s20 =	stileid.u32;
	s3 =	simm.s32 $0x0;
	s13 =	simm.s32 $0x2C00;
	v4 =	vsel vm3, $0x2D84, v4;
	v5 =	vsel vm3, $0x2D85, v5;
	v6 =	vsel vm3, $0x2D86, v6  }
0x29: {  	s14 =	simm.s32 $0xC3800;
	s15 =	simm.s32 $0x5800;
	s16 =	simm.s32 $0x1;
	v7 =	vsel vm3, $0x2D87, v7;
	v0 =	vsel vm2, $0x2E00, v0;
	v1 =	vsel vm2, $0x2E03, v1  }
0x2a: {  	s17 =	simm.s32 $0xB000;
	s18 =	simm.s32 $0x2;
	s19 =	simm.s32 $0x10800;
	v2 =	vsel vm2, $0x2E01, v2;
	v3 =	vsel vm2, $0x2E02, v3;
	v4 =	vsel vm2, $0x2E04, v4  }
0x2b: {  	s21 =	simm.s32 $0x4;
	s22 =	simm.s32 $0x0;
	s5 =	sand.u32 $0x1, s4;
	v5 =	vsel vm2, $0x2E05, v5;
	v6 =	vsel vm2, $0x2E06, v6;
	v7 =	vsel vm2, $0x2E07, v7  }
0x2c: {  	s28 =	sshll.u32 s20, $0x1;
	[smem:$0x7FF] =	sst s3;
	p0 =	sgt.u32 s20, $0xC;
	v0 =	vsel vm1, $0x2E80, v0;
	v1 =	vsel vm1, $0x2E83, v1;
	v2 =	vsel vm1, $0x2E81, v2  }
0x2d: {  	s20 =	simm.s32 $0x3;
	s4 =	sor.u32 s5, s28;
	_ =	strace $0x80000047;
	v3 =	vsel vm1, $0x2E82, v3;
	v4 =	vsel vm1, $0x2E84, v4;
	v5 =	vsel vm1, $0x2E85, v5  }
0x2e: {  	s7 =	ssub.s32 $0x2, s5;
	s5 =	sadd.s32 $0x800, s2;
	s6 =	smul.u32 $0x580, s4;
	v8 =	vsel vm1, $0x2E86, v6;
	v9 =	vsel vm1, $0x2E87, v7;
	v6 =	vlaneseq.u32  }
0x2f: {  	s8 =	smul.u32 $0x186C00, s4;
	s29 =	sshrl.u32 s7, $0x1;
	s10 =	sshll.u32 s4, $0x7;
	v0 =	vsel vm0, $0x2F00, v0;
	v1 =	vsel vm0, $0x2F03, v1;
	v2 =	vsel vm0, $0x2F01, v2  }
0x30: {  	s9 =	sor.u32 $0x60, s4;
	s2 =	ssub.s32 s7, s29;
	s1 =	sadd.s32 s1, s10;
	v3 =	vsel vm0, $0x2F02, v3;
	v4 =	vsel vm0, $0x2F04, v4;
	v5 =	vsel vm0, $0x2F05, v5  }
0x31: {  	s6 =	sadd.s32 s0, s6;
	s31 =	sshrl.u32 s8, $0x3;
	s8 =	sor.u32 $0x40, s4;
	v7 =	vsel vm0, $0x2F06, v8;
	v8 =	vsel vm0, $0x2F07, v9;
	v9 =	vor.u32 $0x10, v6  }
0x32: {  	[dreg:$0x5] =	wrdreg s1;
	s30 =	sadd.s32 $0xB000, s6;
	s7 =	sadd.s32 s5, s31;
	v10 =	vor.u32 $0x20, v6;
	v11 =	vor.u32 $0x30, v6;
	v12 =	vor.u32 $0x40, v6  }
0x33: {  	s12 =	smax.u32 s2, $0x1;
	[dreg:$0x4] =	wrdreg s30;
	s11 =	sadd.s32 $0x30D00, s7;
	v13 =	vor.u32 $0x50, v6;
	v14 =	vor.u32 $0x60, v6;
	v15 =	vor.u32 $0x70, v6  }
.LBB2_1:
0x34: {  	[tilespmem:s3], [sflag:$0x1] =	stream.strided.gather [hbm4b:s6+s13], $0x5800, s14, s13, $0x38;
	[tilespmem:$0x16000] =	vst v63  }
0x35: {  	s1 =	rddreg [dreg:$0x4];
	s23 =	simm.s32 $0x0  }
0x36: {  	[tilespmem:s15], [sflag:$0x2] =	stream.strided.gather [hbm4b:s1+s13], $0x5800, s14, s13, $0x38;
	[tilespmem:$0x16000] =	vst v63  }
.LBB2_2:
0x37: {  	s1 =	simm.s32 $0x0  }
0x38: {  	v16 =	vmov s1  }
0x39: {  	v17 =	vshll.u32 v16, $0x3  }
0x3a: {  	v16 =	vand.u32 $0x60, v16;
	v17 =	vand.u32 $0x3C00, v17  }
0x3b: {  	_ =	swait.ge [sflag:s16], $0x5800;
	v16 =	vor.u32 v16, v17  }
0x3c: {  	p1 =	seq.s32 s23, $0x0;
	[sflag:s16] =	ssyncset.done $0x0;
	v18 =	vadd.s32 v0, v16;
	v16 =	vadd.s32 v1, v16  }
0x3d: {  	s1 =	simm.s32 @!p1 $0x3;
	[sflag:s16] =	ssyncadd.s32 $0xFFFFA800  }
0x3e: {  	s7 =	simm.s32 $0x8;
	_ =	swait.ge @!p1 [sflag:s1], $0x5800;
	v20 =	vor.u32 $0x7, v18  }
0x3f: {  	v17 =	vmov s7;
	[sflag:s1] =	ssyncset.done @!p1 $0x0;
	v21 =	vor.u32 $0x1, v18  }
0x40: {  	v19 =	vshll.u32 v17, $0x3;
	[sflag:s1] =	ssyncadd.s32 @!p1 $0xFFFFA800;
	v23 =	vor.u32 $0x5, v18  }
0x41: {  	v17 =	vand.u32 $0x68, v17;
	v19 =	vand.u32 $0x7FFFFC00, v19;
	v29 =	vor.u32 $0x2, v18;
	v16 =	vld.idx.msk [tilespmem:v16+s3+$0x0], $0xffff  }
0x42: {  	v31 =	vor.u32 $0x4, v18;
	v17 =	vor.u32 v17, v19;
	v19 =	vor.u32 $0x6, v18;
	v18 =	vld.idx.msk [tilespmem:v18+s3+$0x0], $0xffff  }
0x43: {  	v20 =	vld.idx.msk [tilespmem:v20+s3+$0x0], $0xffff  }
0x44: {  	v22 =	vadd.s32 v0, v17;
	v21 =	vld.idx.msk [tilespmem:v21+s3+$0x0], $0xffff  }
0x45: {  	v24 =	vadd.s32 v8, v17;
	v23 =	vld.idx.msk [tilespmem:v23+s3+$0x0], $0xffff  }
0x46: {  	v25 =	vadd.s32 v7, v17;
	v29 =	vld.idx.msk [tilespmem:v29+s3+$0x0], $0xffff  }
0x47: {  	v26 =	vadd.s32 v5, v17;
	v31 =	vld.idx.msk [tilespmem:v31+s3+$0x0], $0xffff  }
0x48: {  	v27 =	vadd.s32 v4, v17;
	v19 =	vld.idx.msk [tilespmem:v19+s3+$0x0], $0xffff  }
0x49: {  	v28 =	vadd.s32 v1, v17;
	v22 =	vld.idx.msk [tilespmem:v22+s3+$0x0], $0xffff  }
0x4a: {  	s10 =	simm.s32 $0x0;
	v30 =	vadd.s32 v3, v17;
	v24 =	vld.idx.msk [tilespmem:v24+s3+$0x0], $0xffff  }
0x4b: {  	v32 =	vor.u32 s10, v6;
	v17 =	vadd.s32 v2, v17;
	v25 =	vld.idx.msk [tilespmem:v25+s3+$0x0], $0xffff  }
0x4c: {  	v33 =	vor.u32 s10, v9;
	v26 =	vld.idx.msk [tilespmem:v26+s3+$0x0], $0xffff  }
0x4d: {  	v34 =	vor.u32 s10, v10;
	v27 =	vld.idx.msk [tilespmem:v27+s3+$0x0], $0xffff  }
0x4e: {  	v35 =	vor.u32 s10, v11;
	v28 =	vld.idx.msk [tilespmem:v28+s3+$0x0], $0xffff  }
0x4f: {  	v36 =	vor.u32 s10, v12;
	v30 =	vld.idx.msk [tilespmem:v30+s3+$0x0], $0xffff  }
0x50: {  	v37 =	vor.u32 s10, v13;
	v17 =	vld.idx.msk [tilespmem:v17+s3+$0x0], $0xffff;
	[tilespmem:v32+s17+$0x0] =	vst.idx.msk $0xffff, v18  }
0x51: {  	v18 =	vor.u32 s10, v14;
	[tilespmem:v33+s17+$0x0] =	vst.idx.msk $0xffff, v21  }
0x52: {  	s2 =	simm.s32 $0x80;
	v21 =	vor.u32 s10, v15;
	[tilespmem:v34+s17+$0x0] =	vst.idx.msk $0xffff, v29  }
0x53: {  	v29 =	vor.u32 s2, v6;
	[tilespmem:v35+s17+$0x0] =	vst.idx.msk $0xffff, v16  }
0x54: {  	v16 =	vor.u32 s2, v9;
	[tilespmem:v36+s17+$0x0] =	vst.idx.msk $0xffff, v31  }
0x55: {  	v31 =	vor.u32 s2, v10;
	[tilespmem:v37+s17+$0x0] =	vst.idx.msk $0xffff, v23  }
0x56: {  	s24 =	simm.s32 $0x18;
	v23 =	vor.u32 s2, v11;
	[tilespmem:v18+s17+$0x0] =	vst.idx.msk $0xffff, v19  }
0x57: {  	v18 =	vor.u32 s2, v12;
	v19 =	vmov s24;
	[tilespmem:v21+s17+$0x0] =	vst.idx.msk $0xffff, v20  }
0x58: {  	v20 =	vor.u32 s2, v13;
	v21 =	vshll.u32 v19, $0x3;
	[tilespmem:v29+s17+$0x0] =	vst.idx.msk $0xffff, v22  }
0x59: {  	v19 =	vand.u32 $0x78, v19;
	v22 =	vor.u32 s2, v14;
	v21 =	vand.u32 $0x7FFFFC00, v21;
	[tilespmem:v16+s17+$0x0] =	vst.idx.msk $0xffff, v17  }
0x5a: {  	v16 =	vor.u32 s2, v15;
	v21 =	vor.u32 v19, v21;
	[tilespmem:v31+s17+$0x0] =	vst.idx.msk $0xffff, v30  }
0x5b: {  	v17 =	vadd.s32 v8, v21;
	[tilespmem:v23+s17+$0x0] =	vst.idx.msk $0xffff, v28  }
0x5c: {  	s25 =	simm.s32 $0x10;
	v19 =	vadd.s32 v3, v21;
	[tilespmem:v18+s17+$0x0] =	vst.idx.msk $0xffff, v27  }
0x5d: {  	v23 =	vadd.s32 v7, v21;
	v18 =	vmov s25;
	[tilespmem:v20+s17+$0x0] =	vst.idx.msk $0xffff, v26  }
0x5e: {  	v28 =	vadd.s32 v1, v21;
	v20 =	vshll.u32 v18, $0x3;
	[tilespmem:v22+s17+$0x0] =	vst.idx.msk $0xffff, v25  }
0x5f: {  	v26 =	vadd.s32 v5, v21;
	v18 =	vand.u32 $0x70, v18;
	v20 =	vand.u32 $0x7FFFFC00, v20;
	[tilespmem:v16+s17+$0x0] =	vst.idx.msk $0xffff, v24  }
0x60: {  	s24 =	sshll.u32 s23, $0x6;
	v25 =	vadd.s32 v4, v21;
	v27 =	vor.u32 v18, v20;
	v16 =	vld.idx.msk [tilespmem:v17+s3+$0x0], $0xffff  }
0x61: {  	s25 =	sor.u32 s4, s24;
	v30 =	vadd.s32 v4, v27;
	v18 =	vld.idx.msk [tilespmem:v19+s3+$0x0], $0xffff  }
0x62: {  	s26 =	smulhi.u32 $0xE6C2B449, s25;
	v63 =	vadd.s32 v3, v27;
	v17 =	vld.idx.msk [tilespmem:v23+s3+$0x0], $0xffff  }
0x63: {  	s2 =	simm.s32 $0x100;
	v24 =	vadd.s32 v2, v21;
	v23 =	vadd.s32 v0, v21;
	v21 =	vld.idx.msk [tilespmem:v28+s3+$0x0], $0xffff  }
0x64: {  	v34 =	vor.u32 s2, v6;
	v32 =	vor.u32 s2, v9;
	s26 =	sshrl.u32 s26, $0x6;
	v35 =	vadd.s32 v2, v27;
	v19 =	vld.idx.msk [tilespmem:v26+s3+$0x0], $0xffff  }
0x65: {  	v29 =	vor.u32 s2, v10;
	v22 =	vadd.s32 v8, v27;
	s1 =	smul.u32 $0x47, s26;
	v26 =	vadd.s32 v1, v27;
	v20 =	vld.idx.msk [tilespmem:v25+s3+$0x0], $0xffff  }
0x66: {  	s30 =	simm.s32 $0x3;
	v31 =	vadd.s32 v0, v27;
	v33 =	vadd.s32 v7, v27;
	v36 =	vadd.s32 v5, v27;
	v27 =	vld.idx.msk [tilespmem:v30+s3+$0x0], $0xffff  }
0x67: {  	s31 =	simm.s32 $0x20;
	s29 =	simm.s32 $0x180;
	v28 =	vor.u32 s2, v12;
	s28 =	ssub.s32 s25, s1;
	v25 =	vor.u32 s2, v13;
	v30 =	vor.u32 s2, v11;
	v37 =	vld.idx.msk [tilespmem:v63+s3+$0x0], $0xffff  }
.LBB2_3:
0x68: {  	s10 =	sadd.s32 $0x8, s31  }
0x69: {  	v35 =	vld.idx.msk [tilespmem:v35+s3+$0x0], $0xffff;
	s30 =	sadd.s32 $0x4, s30;
	s1 =	smov.u32 s31;
	s7 =	sadd.s32 $0x20, s31  }
0x6a: {  	p2 =	sne.s32 s31, $0x560;
	v38 =	vmov s10;
	v26 =	vld.idx.msk [tilespmem:v26+s3+$0x0], $0xffff  }
0x6b: {  	v39 =	vshll.u32 v38, $0x3;
	v31 =	vld.idx.msk [tilespmem:v31+s3+$0x0], $0xffff  }
0x6c: {  	v39 =	vand.u32 $0x7FFFFC00, v39;
	v36 =	vld.idx.msk [tilespmem:v36+s3+$0x0], $0xffff  }
0x6d: {  	v33 =	vld.idx.msk [tilespmem:v33+s3+$0x0], $0xffff  }
0x6e: {  	v24 =	vld.idx.msk [tilespmem:v24+s3+$0x0], $0xffff  }
0x6f: {  	v22 =	vld.idx.msk [tilespmem:v22+s3+$0x0], $0xffff  }
0x70: {  	v38 =	vand.u32 $0x68, v38;
	v23 =	vld.idx.msk [tilespmem:v23+s3+$0x0], $0xffff  }
0x71: {  	v38 =	vor.u32 v38, v39;
	[tilespmem:v34+s17+$0x0] =	vst.idx.msk $0xffff, v31;
	v31 =	vor.u32 s2, v14  }
0x72: {  	v34 =	vadd.s32 v8, v38;
	[tilespmem:v32+s17+$0x0] =	vst.idx.msk $0xffff, v35;
	v32 =	vor.u32 s2, v15  }
0x73: {  	v35 =	vadd.s32 v7, v38;
	[tilespmem:v29+s17+$0x0] =	vst.idx.msk $0xffff, v37;
	v29 =	vor.u32 s29, v6;
	v37 =	vor.u32 s29, v15  }
0x74: {  	v39 =	vadd.s32 v5, v38;
	[tilespmem:v30+s17+$0x0] =	vst.idx.msk $0xffff, v26;
	v26 =	vor.u32 s29, v9;
	v30 =	vor.u32 s29, v12  }
0x75: {  	v40 =	vmov s1;
	v41 =	vadd.s32 v4, v38;
	[tilespmem:v28+s17+$0x0] =	vst.idx.msk $0xffff, v27;
	v27 =	vor.u32 s29, v10  }
0x76: {  	v42 =	vadd.s32 v1, v38;
	v28 =	vshll.u32 v40, $0x3;
	[tilespmem:v25+s17+$0x0] =	vst.idx.msk $0xffff, v36;
	v25 =	vor.u32 s29, v11  }
0x77: {  	v36 =	vand.u32 $0x60, v40;
	v28 =	vand.u32 $0x3C00, v28;
	v40 =	vadd.s32 v3, v38;
	[tilespmem:v31+s17+$0x0] =	vst.idx.msk $0xffff, v33  }
0x78: {  	v28 =	vor.u32 v36, v28;
	v31 =	vadd.s32 v2, v38;
	[tilespmem:v32+s17+$0x0] =	vst.idx.msk $0xffff, v22;
	v22 =	vor.u32 s29, v13  }
0x79: {  	v32 =	vadd.s32 v0, v28;
	v28 =	vadd.s32 v1, v28;
	[tilespmem:v29+s17+$0x0] =	vst.idx.msk $0xffff, v23;
	v23 =	vor.u32 s29, v14  }
0x7a: {  	v29 =	vor.u32 $0x1, v32;
	v33 =	vor.u32 $0x2, v32;
	v36 =	vor.u32 $0x4, v32;
	[tilespmem:v26+s17+$0x0] =	vst.idx.msk $0xffff, v24  }
0x7b: {  	v43 =	vor.u32 $0x7, v32;
	v24 =	vor.u32 $0x5, v32;
	v26 =	vor.u32 $0x6, v32;
	[tilespmem:v27+s17+$0x0] =	vst.idx.msk $0xffff, v18  }
0x7c: {  	[tilespmem:v25+s17+$0x0] =	vst.idx.msk $0xffff, v21  }
0x7d: {  	[tilespmem:v30+s17+$0x0] =	vst.idx.msk $0xffff, v20  }
0x7e: {  	[tilespmem:v22+s17+$0x0] =	vst.idx.msk $0xffff, v19  }
0x7f: {  	[tilespmem:v23+s17+$0x0] =	vst.idx.msk $0xffff, v17  }
0x80: {  	s29 =	sshll.u32 s30, $0x7;
	v17 =	vadd.s32 v0, v38;
	[tilespmem:v37+s17+$0x0] =	vst.idx.msk $0xffff, v16  }
0x81: {  	s2 =	sadd.s32 $0xFFFFFE80, s29;
	s10 =	sadd.s32 $0xFFFFFF00, s29;
	v16 =	vld.idx.msk [tilespmem:v28+s3+$0x0], $0xffff  }
0x82: {  	v19 =	vor.u32 s2, v6;
	v18 =	vld.idx.msk [tilespmem:v43+s3+$0x0], $0xffff  }
0x83: {  	v21 =	vor.u32 s2, v9;
	v20 =	vld.idx.msk [tilespmem:v29+s3+$0x0], $0xffff  }
0x84: {  	v23 =	vor.u32 s2, v10;
	v25 =	vld.idx.msk [tilespmem:v26+s3+$0x0], $0xffff  }
0x85: {  	v26 =	vor.u32 s2, v11;
	v17 =	vld.idx.msk [tilespmem:v17+s3+$0x0], $0xffff  }
0x86: {  	v28 =	vor.u32 s2, v12;
	v27 =	vld.idx.msk [tilespmem:v24+s3+$0x0], $0xffff  }
0x87: {  	v30 =	vor.u32 s2, v13;
	v29 =	vld.idx.msk [tilespmem:v34+s3+$0x0], $0xffff  }
0x88: {  	v34 =	vld.idx.msk [tilespmem:v35+s3+$0x0], $0xffff;
	v35 =	vor.u32 s2, v14  }
0x89: {  	v38 =	vor.u32 s2, v15;
	v37 =	vld.idx.msk [tilespmem:v39+s3+$0x0], $0xffff  }
0x8a: {  	v39 =	vld.idx.msk [tilespmem:v41+s3+$0x0], $0xffff;
	v41 =	vor.u32 s10, v6  }
0x8b: {  	v22 =	vld.idx.msk [tilespmem:v32+s3+$0x0], $0xffff;
	v32 =	vor.u32 s10, v9  }
0x8c: {  	v43 =	vor.u32 s10, v10;
	v42 =	vld.idx.msk [tilespmem:v42+s3+$0x0], $0xffff  }
0x8d: {  	s2 =	sadd.s32 $0x10, s1;
	v24 =	vld.idx.msk [tilespmem:v33+s3+$0x0], $0xffff;
	v33 =	vor.u32 s10, v11  }
0x8e: {  	v44 =	vor.u32 s10, v12;
	s1 =	sadd.s32 $0x18, s1;
	v45 =	vmov s2;
	v40 =	vld.idx.msk [tilespmem:v40+s3+$0x0], $0xffff  }
0x8f: {  	v46 =	vor.u32 s10, v13;
	v48 =	vmov s1;
	v47 =	vshll.u32 v45, $0x3;
	v36 =	vld.idx.msk [tilespmem:v36+s3+$0x0], $0xffff  }
0x90: {  	v49 =	vor.u32 s10, v14;
	v45 =	vand.u32 $0x70, v45;
	v47 =	vand.u32 $0x7FFFFC00, v47;
	v31 =	vld.idx.msk [tilespmem:v31+s3+$0x0], $0xffff  }
0x91: {  	v45 =	vor.u32 v45, v47;
	v47 =	vshll.u32 v48, $0x3;
	[tilespmem:v19+s17+$0x0] =	vst.idx.msk $0xffff, v22;
	v19 =	vor.u32 s10, v15  }
0x92: {  	v22 =	vadd.s32 v8, v45;
	[tilespmem:v21+s17+$0x0] =	vst.idx.msk $0xffff, v20;
	v20 =	vand.u32 $0x78, v48;
	v21 =	vand.u32 $0x7FFFFC00, v47  }
0x93: {  	[tilespmem:v23+s17+$0x0] =	vst.idx.msk $0xffff, v24;
	v20 =	vor.u32 v20, v21  }
0x94: {  	[tilespmem:v26+s17+$0x0] =	vst.idx.msk $0xffff, v16;
	v23 =	vadd.s32 v0, v20;
	v24 =	vadd.s32 v2, v20  }
0x95: {  	v21 =	vadd.s32 v3, v20;
	v47 =	vadd.s32 v1, v20;
	[tilespmem:v28+s17+$0x0] =	vst.idx.msk $0xffff, v36  }
0x96: {  	v28 =	vadd.s32 v5, v20;
	[tilespmem:v30+s17+$0x0] =	vst.idx.msk $0xffff, v27;
	v27 =	vadd.s32 v4, v20  }
0x97: {  	v16 =	vadd.s32 v8, v20;
	[tilespmem:v35+s17+$0x0] =	vst.idx.msk $0xffff, v25;
	v25 =	vadd.s32 v7, v20  }
0x98: {  	[tilespmem:v38+s17+$0x0] =	vst.idx.msk $0xffff, v18;
	v38 =	vadd.s32 v4, v45  }
0x99: {  	v26 =	vadd.s32 v1, v45;
	[tilespmem:v41+s17+$0x0] =	vst.idx.msk $0xffff, v17  }
0x9a: {  	v35 =	vadd.s32 v2, v45;
	[tilespmem:v32+s17+$0x0] =	vst.idx.msk $0xffff, v31  }
0x9b: {  	v31 =	vadd.s32 v0, v45;
	[tilespmem:v43+s17+$0x0] =	vst.idx.msk $0xffff, v40;
	v40 =	vadd.s32 v3, v45  }
0x9c: {  	[tilespmem:v33+s17+$0x0] =	vst.idx.msk $0xffff, v42  }
0x9d: {  	[tilespmem:v44+s17+$0x0] =	vst.idx.msk $0xffff, v39  }
0x9e: {  	v33 =	vadd.s32 v7, v45;
	[tilespmem:v46+s17+$0x0] =	vst.idx.msk $0xffff, v37  }
0x9f: {  	[tilespmem:v49+s17+$0x0] =	vst.idx.msk $0xffff, v34  }
0xa0: {  	s2 =	sadd.s32 $0xFFFFFF80, s29;
	[tilespmem:v19+s17+$0x0] =	vst.idx.msk $0xffff, v29  }
0xa1: {  	v36 =	vadd.s32 v5, v45;
	v34 =	vor.u32 s2, v6;
	v16 =	vld.idx.msk [tilespmem:v16+s3+$0x0], $0xffff  }
0xa2: {  	v32 =	vor.u32 s2, v9;
	v18 =	vld.idx.msk [tilespmem:v21+s3+$0x0], $0xffff  }
0xa3: {  	v29 =	vor.u32 s2, v10;
	v17 =	vld.idx.msk [tilespmem:v25+s3+$0x0], $0xffff  }
.Ltmp0:
0xa4: {  	v30 =	vor.u32 s2, v11;
	v19 =	vld.idx.msk [tilespmem:v28+s3+$0x0], $0xffff;
	(pc) =	sbr.rel @p2 .LBB2_3-.Ltmp0, $4  }
0xa5: {  	v28 =	vor.u32 s2, v12;
	v20 =	vld.idx.msk [tilespmem:v27+s3+$0x0], $0xffff  }
0xa6: {  	v25 =	vor.u32 s2, v13;
	v21 =	vld.idx.msk [tilespmem:v47+s3+$0x0], $0xffff  }
0xa7: {  	v27 =	vld.idx.msk [tilespmem:v38+s3+$0x0], $0xffff  }
0xa8: {  	s31 =	smov.u32 s7;
	v37 =	vld.idx.msk [tilespmem:v40+s3+$0x0], $0xffff  }
0xa9: {  	_ =	sdelay $0x3  }
0xaa: {  	v35 =	vld.idx.msk [tilespmem:v35+s3+$0x0], $0xffff  }
0xab: {  	v26 =	vld.idx.msk [tilespmem:v26+s3+$0x0], $0xffff  }
0xac: {  	v31 =	vld.idx.msk [tilespmem:v31+s3+$0x0], $0xffff  }
0xad: {  	v36 =	vld.idx.msk [tilespmem:v36+s3+$0x0], $0xffff  }
0xae: {  	v33 =	vld.idx.msk [tilespmem:v33+s3+$0x0], $0xffff  }
0xaf: {  	v24 =	vld.idx.msk [tilespmem:v24+s3+$0x0], $0xffff  }
0xb0: {  	v22 =	vld.idx.msk [tilespmem:v22+s3+$0x0], $0xffff  }
0xb1: {  	v23 =	vld.idx.msk [tilespmem:v23+s3+$0x0], $0xffff;
	[tilespmem:v34+s17+$0x0] =	vst.idx.msk $0xffff, v31  }
0xb2: {  	v31 =	vor.u32 s2, v14;
	[tilespmem:v32+s17+$0x0] =	vst.idx.msk $0xffff, v35  }
0xb3: {  	v56 =	vor.u32 s2, v15;
	[tilespmem:v29+s17+$0x0] =	vst.idx.msk $0xffff, v37  }
0xb4: {  	v29 =	vor.u32 s29, v6;
	[tilespmem:v30+s17+$0x0] =	vst.idx.msk $0xffff, v26  }
0xb5: {  	v26 =	vor.u32 s29, v9;
	[tilespmem:v28+s17+$0x0] =	vst.idx.msk $0xffff, v27  }
0xb6: {  	s1 =	sadd.s32 s8, s24;
	v27 =	vor.u32 s29, v10;
	[tilespmem:v25+s17+$0x0] =	vst.idx.msk $0xffff, v36  }
0xb7: {  	s1 =	smin.u32 s1, $0x735;
	v25 =	vor.u32 s29, v11;
	[tilespmem:v31+s17+$0x0] =	vst.idx.msk $0xffff, v33  }
0xb8: {  	s7 =	smulhi.u32 $0x39B0AD2, s1;
	v28 =	vor.u32 s29, v12;
	[tilespmem:v56+s17+$0x0] =	vst.idx.msk $0xffff, v22  }
0xb9: {  	s30 =	smul.u32 $0x186C00, s26;
	v22 =	vor.u32 s29, v13;
	[tilespmem:v29+s17+$0x0] =	vst.idx.msk $0xffff, v23  }
0xba: {  	s31 =	smul.u32 $0x47, s7;
	v23 =	vor.u32 s29, v14;
	[tilespmem:v26+s17+$0x0] =	vst.idx.msk $0xffff, v24  }
0xbb: {  	s10 =	smul.u32 $0x5800, s28;
	v24 =	vor.u32 s29, v15;
	[tilespmem:v27+s17+$0x0] =	vst.idx.msk $0xffff, v18  }
0xbc: {  	s7 =	smul.u32 $0x187000, s7;
	s1 =	ssub.s32 s1, s31;
	[tilespmem:v25+s17+$0x0] =	vst.idx.msk $0xffff, v21  }
0xbd: {  	s1 =	smul.u32 $0x2C00, s1;
	[tilespmem:v28+s17+$0x0] =	vst.idx.msk $0xffff, v20  }
0xbe: {  	s2 =	sadd.s32 s10, s30;
	[tilespmem:v22+s17+$0x0] =	vst.idx.msk $0xffff, v19  }
0xbf: {  	s2 =	sshrl.u32 s2, $0x3;
	s1 =	sadd.s32 s1, s7;
	[tilespmem:v23+s17+$0x0] =	vst.idx.msk $0xffff, v17  }
0xc0: {  	s30 =	simm.s32 $0x0;
	s2 =	sadd.s32 s5, s2;
	s1 =	sshrl.u32 s1, $0x3;
	[tilespmem:v24+s17+$0x0] =	vst.idx.msk $0xffff, v16  }
0xc1: {  	v16 =	vmov s30;
	[hbm4b:s2+s3] =	stream.linear.scatter [tilespmem:s17], [sflag:$0x3], $0x5800, $0x38;
	[tilespmem:$0x16000] =	vst v63  }
0xc2: {  	s1 =	sadd.s32 s0, s1;
	v17 =	vshll.u32 v16, $0x3  }
0xc3: {  	v16 =	vand.u32 $0x60, v16;
	v17 =	vand.u32 $0x3C00, v17;
	[tilespmem:s3], [sflag:$0x1] =	stream.strided.gather [hbm4b:s1+s13], $0x5800, s14, s13, $0x38;
	[tilespmem:$0x16000] =	vst v63  }
0xc4: {  	v16 =	vor.u32 v16, v17;
	_ =	swait.ge [sflag:s18], $0x5800  }
0xc5: {  	v18 =	vadd.s32 v0, v16;
	v16 =	vadd.s32 v1, v16;
	[sflag:s18] =	ssyncset.done $0x0  }
0xc6: {  	s1 =	simm.s32 @!p1 $0x4;
	v20 =	vor.u32 $0x7, v18;
	[sflag:s18] =	ssyncadd.s32 $0xFFFFA800  }
0xc7: {  	v21 =	vor.u32 $0x1, v18;
	_ =	swait.ge @!p1 [sflag:s1], $0x5800  }
0xc8: {  	s31 =	simm.s32 $0x8;
	v23 =	vor.u32 $0x5, v18;
	[sflag:s1] =	ssyncset.done @!p1 $0x0  }
0xc9: {  	v17 =	vmov s31;
	[sflag:s1] =	ssyncadd.s32 @!p1 $0xFFFFA800  }
0xca: {  	v19 =	vshll.u32 v17, $0x3;
	v29 =	vor.u32 $0x2, v18;
	v16 =	vld.idx.msk [tilespmem:v16+s15+$0x0], $0xffff  }
0xcb: {  	v17 =	vand.u32 $0x68, v17;
	v19 =	vand.u32 $0x7FFFFC00, v19;
	v31 =	vor.u32 $0x4, v18;
	v20 =	vld.idx.msk [tilespmem:v20+s15+$0x0], $0xffff  }
0xcc: {  	v17 =	vor.u32 v17, v19;
	v19 =	vor.u32 $0x6, v18;
	v21 =	vld.idx.msk [tilespmem:v21+s15+$0x0], $0xffff  }
0xcd: {  	v22 =	vadd.s32 v0, v17;
	v23 =	vld.idx.msk [tilespmem:v23+s15+$0x0], $0xffff  }
0xce: {  	v24 =	vadd.s32 v8, v17;
	v18 =	vld.idx.msk [tilespmem:v18+s15+$0x0], $0xffff  }
0xcf: {  	v25 =	vadd.s32 v7, v17;
	v29 =	vld.idx.msk [tilespmem:v29+s15+$0x0], $0xffff  }
0xd0: {  	v26 =	vadd.s32 v5, v17;
	v31 =	vld.idx.msk [tilespmem:v31+s15+$0x0], $0xffff  }
0xd1: {  	v27 =	vadd.s32 v4, v17;
	v19 =	vld.idx.msk [tilespmem:v19+s15+$0x0], $0xffff  }
0xd2: {  	v28 =	vadd.s32 v1, v17;
	v22 =	vld.idx.msk [tilespmem:v22+s15+$0x0], $0xffff  }
0xd3: {  	s2 =	simm.s32 $0x0;
	v30 =	vadd.s32 v3, v17;
	v24 =	vld.idx.msk [tilespmem:v24+s15+$0x0], $0xffff  }
0xd4: {  	v57 =	vor.u32 s2, v6;
	v17 =	vadd.s32 v2, v17;
	v25 =	vld.idx.msk [tilespmem:v25+s15+$0x0], $0xffff  }
0xd5: {  	v58 =	vor.u32 s2, v9;
	v26 =	vld.idx.msk [tilespmem:v26+s15+$0x0], $0xffff  }
0xd6: {  	v59 =	vor.u32 s2, v10;
	v27 =	vld.idx.msk [tilespmem:v27+s15+$0x0], $0xffff  }
0xd7: {  	v60 =	vor.u32 s2, v11;
	v28 =	vld.idx.msk [tilespmem:v28+s15+$0x0], $0xffff  }
0xd8: {  	v61 =	vor.u32 s2, v12;
	v30 =	vld.idx.msk [tilespmem:v30+s15+$0x0], $0xffff  }
0xd9: {  	v62 =	vor.u32 s2, v13;
	v17 =	vld.idx.msk [tilespmem:v17+s15+$0x0], $0xffff;
	[tilespmem:v57+s19+$0x0] =	vst.idx.msk $0xffff, v18  }
0xda: {  	v18 =	vor.u32 s2, v14;
	[tilespmem:v58+s19+$0x0] =	vst.idx.msk $0xffff, v21  }
0xdb: {  	s7 =	simm.s32 $0x80;
	v21 =	vor.u32 s2, v15;
	[tilespmem:v59+s19+$0x0] =	vst.idx.msk $0xffff, v29  }
0xdc: {  	v29 =	vor.u32 s7, v6;
	[tilespmem:v60+s19+$0x0] =	vst.idx.msk $0xffff, v16  }
0xdd: {  	v16 =	vor.u32 s7, v9;
	[tilespmem:v61+s19+$0x0] =	vst.idx.msk $0xffff, v31  }
0xde: {  	v31 =	vor.u32 s7, v10;
	[tilespmem:v62+s19+$0x0] =	vst.idx.msk $0xffff, v23  }
0xdf: {  	s10 =	simm.s32 $0x18;
	v23 =	vor.u32 s7, v11;
	[tilespmem:v18+s19+$0x0] =	vst.idx.msk $0xffff, v19  }
0xe0: {  	v18 =	vor.u32 s7, v12;
	v19 =	vmov s10;
	[tilespmem:v21+s19+$0x0] =	vst.idx.msk $0xffff, v20  }
0xe1: {  	v20 =	vor.u32 s7, v13;
	v21 =	vshll.u32 v19, $0x3;
	[tilespmem:v29+s19+$0x0] =	vst.idx.msk $0xffff, v22  }
0xe2: {  	v19 =	vand.u32 $0x78, v19;
	v22 =	vor.u32 s7, v14;
	v21 =	vand.u32 $0x7FFFFC00, v21;
	[tilespmem:v16+s19+$0x0] =	vst.idx.msk $0xffff, v17  }
0xe3: {  	v16 =	vor.u32 s7, v15;
	v21 =	vor.u32 v19, v21;
	[tilespmem:v31+s19+$0x0] =	vst.idx.msk $0xffff, v30  }
0xe4: {  	v17 =	vadd.s32 v8, v21;
	[tilespmem:v23+s19+$0x0] =	vst.idx.msk $0xffff, v28  }
0xe5: {  	s26 =	simm.s32 $0x10;
	v19 =	vadd.s32 v3, v21;
	[tilespmem:v18+s19+$0x0] =	vst.idx.msk $0xffff, v27  }
0xe6: {  	v23 =	vadd.s32 v7, v21;
	v18 =	vmov s26;
	[tilespmem:v20+s19+$0x0] =	vst.idx.msk $0xffff, v26  }
0xe7: {  	v28 =	vadd.s32 v1, v21;
	v20 =	vshll.u32 v18, $0x3;
	[tilespmem:v22+s19+$0x0] =	vst.idx.msk $0xffff, v25  }
0xe8: {  	v26 =	vadd.s32 v5, v21;
	v18 =	vand.u32 $0x70, v18;
	v20 =	vand.u32 $0x7FFFFC00, v20;
	[tilespmem:v16+s19+$0x0] =	vst.idx.msk $0xffff, v24  }
0xe9: {  	v25 =	vadd.s32 v4, v21;
	v27 =	vor.u32 v18, v20;
	v16 =	vld.idx.msk [tilespmem:v17+s15+$0x0], $0xffff  }
0xea: {  	s30 =	sor.u32 $0x20, s25;
	v30 =	vadd.s32 v4, v27;
	v18 =	vld.idx.msk [tilespmem:v19+s15+$0x0], $0xffff  }
0xeb: {  	s1 =	smin.u32 s30, $0x735;
	v63 =	vadd.s32 v3, v27;
	v17 =	vld.idx.msk [tilespmem:v23+s15+$0x0], $0xffff  }
0xec: {  	s25 =	smulhi.u32 $0x39B0AD2, s1;
	s2 =	simm.s32 $0x100;
	v24 =	vadd.s32 v2, v21;
	v23 =	vadd.s32 v0, v21;
	v21 =	vld.idx.msk [tilespmem:v28+s15+$0x0], $0xffff  }
0xed: {  	v34 =	vor.u32 s2, v6;
	v32 =	vor.u32 s2, v9;
	v35 =	vadd.s32 v2, v27;
	v19 =	vld.idx.msk [tilespmem:v26+s15+$0x0], $0xffff  }
0xee: {  	s31 =	smul.u32 $0x47, s25;
	v29 =	vor.u32 s2, v10;
	v22 =	vadd.s32 v8, v27;
	v26 =	vadd.s32 v1, v27;
	v20 =	vld.idx.msk [tilespmem:v25+s15+$0x0], $0xffff  }
0xef: {  	s28 =	simm.s32 $0x180;
	v31 =	vadd.s32 v0, v27;
	v33 =	vadd.s32 v7, v27;
	v36 =	vadd.s32 v5, v27;
	v27 =	vld.idx.msk [tilespmem:v30+s15+$0x0], $0xffff  }
0xf0: {  	s29 =	simm.s32 $0x3;
	s7 =	simm.s32 $0x20;
	s26 =	ssub.s32 s1, s31;
	v28 =	vor.u32 s2, v12;
	v25 =	vor.u32 s2, v13;
	v30 =	vor.u32 s2, v11;
	v37 =	vld.idx.msk [tilespmem:v63+s15+$0x0], $0xffff  }
.LBB2_5:
0xf1: {  	s10 =	sadd.s32 $0x8, s7  }
0xf2: {  	v35 =	vld.idx.msk [tilespmem:v35+s15+$0x0], $0xffff;
	s29 =	sadd.s32 $0x4, s29;
	s1 =	smov.u32 s7;
	s30 =	sadd.s32 $0x20, s7  }
0xf3: {  	p1 =	sne.s32 s7, $0x560;
	v38 =	vmov s10;
	v26 =	vld.idx.msk [tilespmem:v26+s15+$0x0], $0xffff  }
0xf4: {  	v39 =	vshll.u32 v38, $0x3;
	v31 =	vld.idx.msk [tilespmem:v31+s15+$0x0], $0xffff  }
0xf5: {  	v39 =	vand.u32 $0x7FFFFC00, v39;
	v36 =	vld.idx.msk [tilespmem:v36+s15+$0x0], $0xffff  }
0xf6: {  	v33 =	vld.idx.msk [tilespmem:v33+s15+$0x0], $0xffff  }
0xf7: {  	v24 =	vld.idx.msk [tilespmem:v24+s15+$0x0], $0xffff  }
0xf8: {  	v22 =	vld.idx.msk [tilespmem:v22+s15+$0x0], $0xffff  }
0xf9: {  	v38 =	vand.u32 $0x68, v38;
	v23 =	vld.idx.msk [tilespmem:v23+s15+$0x0], $0xffff  }
0xfa: {  	v38 =	vor.u32 v38, v39;
	[tilespmem:v34+s19+$0x0] =	vst.idx.msk $0xffff, v31;
	v31 =	vor.u32 s2, v14  }
0xfb: {  	v34 =	vadd.s32 v8, v38;
	[tilespmem:v32+s19+$0x0] =	vst.idx.msk $0xffff, v35;
	v32 =	vor.u32 s2, v15  }
0xfc: {  	v35 =	vadd.s32 v7, v38;
	[tilespmem:v29+s19+$0x0] =	vst.idx.msk $0xffff, v37;
	v29 =	vor.u32 s28, v6;
	v37 =	vor.u32 s28, v15  }
0xfd: {  	v39 =	vadd.s32 v5, v38;
	[tilespmem:v30+s19+$0x0] =	vst.idx.msk $0xffff, v26;
	v26 =	vor.u32 s28, v9;
	v30 =	vor.u32 s28, v12  }
0xfe: {  	v40 =	vmov s1;
	v41 =	vadd.s32 v4, v38;
	[tilespmem:v28+s19+$0x0] =	vst.idx.msk $0xffff, v27;
	v27 =	vor.u32 s28, v10  }
0xff: {  	v42 =	vadd.s32 v1, v38;
	v28 =	vshll.u32 v40, $0x3;
	[tilespmem:v25+s19+$0x0] =	vst.idx.msk $0xffff, v36;
	v25 =	vor.u32 s28, v11  }
0x100: {  	v36 =	vand.u32 $0x60, v40;
	v28 =	vand.u32 $0x3C00, v28;
	v40 =	vadd.s32 v3, v38;
	[tilespmem:v31+s19+$0x0] =	vst.idx.msk $0xffff, v33  }
0x101: {  	v28 =	vor.u32 v36, v28;
	v31 =	vadd.s32 v2, v38;
	[tilespmem:v32+s19+$0x0] =	vst.idx.msk $0xffff, v22;
	v22 =	vor.u32 s28, v13  }
0x102: {  	v32 =	vadd.s32 v0, v28;
	v28 =	vadd.s32 v1, v28;
	[tilespmem:v29+s19+$0x0] =	vst.idx.msk $0xffff, v23;
	v23 =	vor.u32 s28, v14  }
0x103: {  	v29 =	vor.u32 $0x1, v32;
	v33 =	vor.u32 $0x2, v32;
	v36 =	vor.u32 $0x4, v32;
	[tilespmem:v26+s19+$0x0] =	vst.idx.msk $0xffff, v24  }
0x104: {  	v43 =	vor.u32 $0x7, v32;
	v24 =	vor.u32 $0x5, v32;
	v26 =	vor.u32 $0x6, v32;
	[tilespmem:v27+s19+$0x0] =	vst.idx.msk $0xffff, v18  }
0x105: {  	[tilespmem:v25+s19+$0x0] =	vst.idx.msk $0xffff, v21  }
0x106: {  	[tilespmem:v30+s19+$0x0] =	vst.idx.msk $0xffff, v20  }
0x107: {  	[tilespmem:v22+s19+$0x0] =	vst.idx.msk $0xffff, v19  }
0x108: {  	[tilespmem:v23+s19+$0x0] =	vst.idx.msk $0xffff, v17  }
0x109: {  	s28 =	sshll.u32 s29, $0x7;
	v17 =	vadd.s32 v0, v38;
	[tilespmem:v37+s19+$0x0] =	vst.idx.msk $0xffff, v16  }
0x10a: {  	s2 =	sadd.s32 $0xFFFFFE80, s28;
	s7 =	sadd.s32 $0xFFFFFF00, s28;
	v16 =	vld.idx.msk [tilespmem:v28+s15+$0x0], $0xffff  }
0x10b: {  	v19 =	vor.u32 s2, v6;
	v18 =	vld.idx.msk [tilespmem:v43+s15+$0x0], $0xffff  }
0x10c: {  	v21 =	vor.u32 s2, v9;
	v20 =	vld.idx.msk [tilespmem:v29+s15+$0x0], $0xffff  }
0x10d: {  	v23 =	vor.u32 s2, v10;
	v25 =	vld.idx.msk [tilespmem:v26+s15+$0x0], $0xffff  }
0x10e: {  	v26 =	vor.u32 s2, v11;
	v17 =	vld.idx.msk [tilespmem:v17+s15+$0x0], $0xffff  }
0x10f: {  	v28 =	vor.u32 s2, v12;
	v27 =	vld.idx.msk [tilespmem:v24+s15+$0x0], $0xffff  }
0x110: {  	v30 =	vor.u32 s2, v13;
	v29 =	vld.idx.msk [tilespmem:v34+s15+$0x0], $0xffff  }
0x111: {  	v34 =	vld.idx.msk [tilespmem:v35+s15+$0x0], $0xffff;
	v35 =	vor.u32 s2, v14  }
0x112: {  	v38 =	vor.u32 s2, v15;
	v37 =	vld.idx.msk [tilespmem:v39+s15+$0x0], $0xffff  }
0x113: {  	v39 =	vld.idx.msk [tilespmem:v41+s15+$0x0], $0xffff;
	v41 =	vor.u32 s7, v6  }
0x114: {  	v22 =	vld.idx.msk [tilespmem:v32+s15+$0x0], $0xffff;
	v32 =	vor.u32 s7, v9  }
0x115: {  	v43 =	vor.u32 s7, v10;
	v42 =	vld.idx.msk [tilespmem:v42+s15+$0x0], $0xffff  }
0x116: {  	s2 =	sadd.s32 $0x10, s1;
	v24 =	vld.idx.msk [tilespmem:v33+s15+$0x0], $0xffff;
	v33 =	vor.u32 s7, v11  }
0x117: {  	v44 =	vor.u32 s7, v12;
	s1 =	sadd.s32 $0x18, s1;
	v45 =	vmov s2;
	v40 =	vld.idx.msk [tilespmem:v40+s15+$0x0], $0xffff  }
0x118: {  	v46 =	vor.u32 s7, v13;
	v48 =	vmov s1;
	v47 =	vshll.u32 v45, $0x3;
	v36 =	vld.idx.msk [tilespmem:v36+s15+$0x0], $0xffff  }
0x119: {  	v49 =	vor.u32 s7, v14;
	v45 =	vand.u32 $0x70, v45;
	v47 =	vand.u32 $0x7FFFFC00, v47;
	v31 =	vld.idx.msk [tilespmem:v31+s15+$0x0], $0xffff  }
0x11a: {  	v45 =	vor.u32 v45, v47;
	v47 =	vshll.u32 v48, $0x3;
	[tilespmem:v19+s19+$0x0] =	vst.idx.msk $0xffff, v22;
	v19 =	vor.u32 s7, v15  }
0x11b: {  	v22 =	vadd.s32 v8, v45;
	[tilespmem:v21+s19+$0x0] =	vst.idx.msk $0xffff, v20;
	v20 =	vand.u32 $0x78, v48;
	v21 =	vand.u32 $0x7FFFFC00, v47  }
0x11c: {  	[tilespmem:v23+s19+$0x0] =	vst.idx.msk $0xffff, v24;
	v20 =	vor.u32 v20, v21  }
0x11d: {  	[tilespmem:v26+s19+$0x0] =	vst.idx.msk $0xffff, v16;
	v23 =	vadd.s32 v0, v20;
	v24 =	vadd.s32 v2, v20  }
0x11e: {  	v21 =	vadd.s32 v3, v20;
	v47 =	vadd.s32 v1, v20;
	[tilespmem:v28+s19+$0x0] =	vst.idx.msk $0xffff, v36  }
0x11f: {  	v28 =	vadd.s32 v5, v20;
	[tilespmem:v30+s19+$0x0] =	vst.idx.msk $0xffff, v27;
	v27 =	vadd.s32 v4, v20  }
0x120: {  	v16 =	vadd.s32 v8, v20;
	[tilespmem:v35+s19+$0x0] =	vst.idx.msk $0xffff, v25;
	v25 =	vadd.s32 v7, v20  }
0x121: {  	[tilespmem:v38+s19+$0x0] =	vst.idx.msk $0xffff, v18;
	v38 =	vadd.s32 v4, v45  }
0x122: {  	v26 =	vadd.s32 v1, v45;
	[tilespmem:v41+s19+$0x0] =	vst.idx.msk $0xffff, v17  }
0x123: {  	v35 =	vadd.s32 v2, v45;
	[tilespmem:v32+s19+$0x0] =	vst.idx.msk $0xffff, v31  }
0x124: {  	v31 =	vadd.s32 v0, v45;
	[tilespmem:v43+s19+$0x0] =	vst.idx.msk $0xffff, v40;
	v40 =	vadd.s32 v3, v45  }
0x125: {  	[tilespmem:v33+s19+$0x0] =	vst.idx.msk $0xffff, v42  }
0x126: {  	[tilespmem:v44+s19+$0x0] =	vst.idx.msk $0xffff, v39  }
0x127: {  	v33 =	vadd.s32 v7, v45;
	[tilespmem:v46+s19+$0x0] =	vst.idx.msk $0xffff, v37  }
0x128: {  	[tilespmem:v49+s19+$0x0] =	vst.idx.msk $0xffff, v34  }
0x129: {  	s2 =	sadd.s32 $0xFFFFFF80, s28;
	[tilespmem:v19+s19+$0x0] =	vst.idx.msk $0xffff, v29  }
0x12a: {  	v36 =	vadd.s32 v5, v45;
	v34 =	vor.u32 s2, v6;
	v16 =	vld.idx.msk [tilespmem:v16+s15+$0x0], $0xffff  }
0x12b: {  	v32 =	vor.u32 s2, v9;
	v18 =	vld.idx.msk [tilespmem:v21+s15+$0x0], $0xffff  }
0x12c: {  	v29 =	vor.u32 s2, v10;
	v17 =	vld.idx.msk [tilespmem:v25+s15+$0x0], $0xffff  }
.Ltmp1:
0x12d: {  	v30 =	vor.u32 s2, v11;
	v19 =	vld.idx.msk [tilespmem:v28+s15+$0x0], $0xffff;
	(pc) =	sbr.rel @p1 .LBB2_5-.Ltmp1, $4  }
0x12e: {  	v28 =	vor.u32 s2, v12;
	v20 =	vld.idx.msk [tilespmem:v27+s15+$0x0], $0xffff  }
0x12f: {  	v25 =	vor.u32 s2, v13;
	v21 =	vld.idx.msk [tilespmem:v47+s15+$0x0], $0xffff  }
0x130: {  	v27 =	vld.idx.msk [tilespmem:v38+s15+$0x0], $0xffff  }
0x131: {  	s7 =	smov.u32 s30;
	v37 =	vld.idx.msk [tilespmem:v40+s15+$0x0], $0xffff  }
0x132: {  	_ =	sdelay $0x3  }
0x133: {  	v35 =	vld.idx.msk [tilespmem:v35+s15+$0x0], $0xffff  }
0x134: {  	v26 =	vld.idx.msk [tilespmem:v26+s15+$0x0], $0xffff  }
0x135: {  	v31 =	vld.idx.msk [tilespmem:v31+s15+$0x0], $0xffff  }
0x136: {  	v36 =	vld.idx.msk [tilespmem:v36+s15+$0x0], $0xffff  }
0x137: {  	v33 =	vld.idx.msk [tilespmem:v33+s15+$0x0], $0xffff  }
0x138: {  	v24 =	vld.idx.msk [tilespmem:v24+s15+$0x0], $0xffff  }
0x139: {  	v22 =	vld.idx.msk [tilespmem:v22+s15+$0x0], $0xffff  }
0x13a: {  	v23 =	vld.idx.msk [tilespmem:v23+s15+$0x0], $0xffff;
	[tilespmem:v34+s19+$0x0] =	vst.idx.msk $0xffff, v31  }
0x13b: {  	v54 =	vor.u32 s2, v14;
	[tilespmem:v32+s19+$0x0] =	vst.idx.msk $0xffff, v35  }
0x13c: {  	v55 =	vor.u32 s2, v15;
	[tilespmem:v29+s19+$0x0] =	vst.idx.msk $0xffff, v37  }
0x13d: {  	v56 =	vor.u32 s28, v6;
	[tilespmem:v30+s19+$0x0] =	vst.idx.msk $0xffff, v26  }
0x13e: {  	v57 =	vor.u32 s28, v9;
	[tilespmem:v28+s19+$0x0] =	vst.idx.msk $0xffff, v27  }
0x13f: {  	v58 =	vor.u32 s28, v10;
	s1 =	sadd.s32 s9, s24;
	[tilespmem:v25+s19+$0x0] =	vst.idx.msk $0xffff, v36  }
0x140: {  	v59 =	vor.u32 s28, v11;
	s1 =	smin.u32 s1, $0x735;
	[tilespmem:v54+s19+$0x0] =	vst.idx.msk $0xffff, v33  }
0x141: {  	v60 =	vor.u32 s28, v12;
	s7 =	smulhi.u32 $0x39B0AD2, s1;
	[tilespmem:v55+s19+$0x0] =	vst.idx.msk $0xffff, v22  }
0x142: {  	v61 =	vor.u32 s28, v13;
	s30 =	smul.u32 $0x186C00, s25;
	[tilespmem:v56+s19+$0x0] =	vst.idx.msk $0xffff, v23  }
0x143: {  	v62 =	vor.u32 s28, v14;
	s31 =	smul.u32 $0x47, s7;
	[tilespmem:v57+s19+$0x0] =	vst.idx.msk $0xffff, v24  }
0x144: {  	v63 =	vor.u32 s28, v15;
	s10 =	smul.u32 $0x5800, s26;
	[tilespmem:v58+s19+$0x0] =	vst.idx.msk $0xffff, v18  }
0x145: {  	s7 =	smul.u32 $0x187000, s7;
	s1 =	ssub.s32 s1, s31;
	[tilespmem:v59+s19+$0x0] =	vst.idx.msk $0xffff, v21  }
0x146: {  	s23 =	sadd.s32 $0x1, s23;
	s1 =	smul.u32 $0x2C00, s1;
	[tilespmem:v60+s19+$0x0] =	vst.idx.msk $0xffff, v20  }
0x147: {  	p1 =	sne.s32 s23, $0x1D;
	s2 =	sadd.s32 s10, s30;
	[tilespmem:v61+s19+$0x0] =	vst.idx.msk $0xffff, v19  }
.Ltmp2:
0x148: {  	s2 =	sshrl.u32 s2, $0x3;
	s1 =	sadd.s32 s1, s7;
	[tilespmem:v62+s19+$0x0] =	vst.idx.msk $0xffff, v17;
	(pc) =	sbr.rel @p1 .LBB2_2-.Ltmp2, $4  }
0x149: {  	s2 =	sadd.s32 s5, s2;
	s1 =	sshrl.u32 s1, $0x3;
	[tilespmem:v63+s19+$0x0] =	vst.idx.msk $0xffff, v16  }
0x14a: {  	[hbm4b:s2+s3] =	stream.linear.scatter [tilespmem:s19], [sflag:$0x4], $0x5800, $0x38;
	[tilespmem:$0x16000] =	vst v63  }
0x14b: {  	s1 =	sadd.s32 s0, s1  }
0x14c: {  	[tilespmem:s15], [sflag:$0x2] =	stream.strided.gather [hbm4b:s1+s13], $0x5800, s14, s13, $0x38;
	[tilespmem:$0x16000] =	vst v63  }
0x14d: {  	_ =	swait.ge [sflag:s16], $0x5800  }
0x14e: {  	[sflag:s16] =	ssyncset.done $0x0  }
0x14f: {  	[sflag:s16] =	ssyncadd.s32 $0xFFFFA800  }
0x150: {  	_ =	swait.ge [sflag:s20], $0x5800  }
0x151: {  	[sflag:s20] =	ssyncset.done $0x0  }
0x152: {  	[sflag:s20] =	ssyncadd.s32 $0xFFFFA800  }
0x153: {  	_ =	swait.ge [sflag:s18], $0x5800  }
0x154: {  	[sflag:s18] =	ssyncset.done $0x0  }
0x155: {  	[sflag:s18] =	ssyncadd.s32 $0xFFFFA800  }
0x156: {  	_ =	swait.ge [sflag:s21], $0x5800  }
0x157: {  	s1 =	simm.s32 @!p0 $0x0;
	[sflag:s21] =	ssyncset.done $0x0  }
0x158: {  	s2 =	simm.s32 @!p0 $0xB000;
	s7 =	rddreg [dreg:$0x5];
	[sflag:s21] =	ssyncadd.s32 $0xFFFFA800  }
0x159: {  	[tilespmem:s2], [sflag:$0x5] =	stream.linear.gather @!p0 [hbm4b:s7+s1], $0x400, $0x38;
	[tilespmem:$0x16000] =	vst v63  }
0x15a: {  	s7 =	simm.s32 @!p0 $0x5  }
0x15b: {  	s22 =	sadd.s32 $0x1, s22;
	_ =	swait.ge @!p0 [sflag:s7], $0x400  }
0x15c: {  	p1 =	sne.s32 s22, s12;
	[sflag:s7] =	ssyncset.done @!p0 $0x0  }
.Ltmp3:
0x15d: {  	[sflag:s7] =	ssyncadd.s32 @!p0 $0xFFFFFC00;
	(pc) =	sbr.rel @p1 .LBB2_1-.Ltmp3, $4  }
0x15e: {  	[hbm4b:s11+s1] =	stream.linear.scatter @!p0 [tilespmem:s2], [sflag:$0x5], $0x400, $0x38;
	[tilespmem:$0x16000] =	vst v63  }
0x15f: {  	_ =	swait.ge @!p0 [sflag:s7], $0x400  }
0x160: {  	[sflag:s7] =	ssyncset.done @!p0 $0x0  }
0x161: {  	[sflag:s7] =	ssyncadd.s32 @!p0 $0xFFFFFC00  }
0x162: {  	_ =	sfence.sel $0x180000  }
0x163: {  	[bflag:$0x0] =	sbarrier.arrive $0xFFFF  }
0x164: {  	_ =	strace $0x90000047  }
0x165: {  	s0 =	stileid.u32;
	[bflag:$0x2] =	sbarrier.arrive $0xFFFF  }
0x166: {  	p0 =	sne.s32 s0, $0x0;
	s0 =	rddreg [dreg:$0x3]  }
0x167: {  	s0 =	sadd.s32 @!p0 $0x100000, s0  }
0x168: {  	[sflag:s0] =	ssyncadd.tile.s32 @!p0 $0x1;
	_ =	shalt  }
.Lfunc_end2:
_tile_overlayer_lowered:
.L_overlay_start_2:
0x169: {  	(tag) =	ssettag $0x2  }
0x16a: {  	s0 =	rddreg [dreg:$0x0];
	s2 =	stileid.u32  }
0x16b: {  	s1 =	rddreg [dreg:$0x1];
	p0 =	sne.s32 s2, $0x0  }
0x16c: {  	s3 =	rddreg [dreg:$0x2];
	[bflag:$0x3] =	sbarrier.arrive $0xFFFF;
	s2 =	simm.s32 @!p0 $0x1C05  }
0x16d: {  	[timem:s3], [sflag:s2] =	dma.local @!p0 [hbm:s0], s1  }
0x16e: {  	s0 =	simm.s32 @!p0 $0x5  }
0x16f: {  	_ =	swait.ge @!p0 [sflag:s0], s1  }
0x170: {  	s1 =	ssub.s32 @!p0 $0x0, s1;
	[sflag:s0] =	ssyncset.done @!p0 $0x0  }
0x171: {  	[sflag:s0] =	ssyncadd.s32 @!p0 s1  }
0x172: {  	[bflag:$0x3] =	sbarrier.arrive $0xFFFF  }
0x173: {  	_ =	shalt  }

// kernel: _embed_pipeline.7.cloned.1.call-start
scs
__scs_entry_jumppad:
0x0: {  	(pc) =	sbr.rel $0x88, $3  }
0x1: {  	(tag) =	ssettag $0x0;
	lr =	simm.s32 $0x1  }
0x2: {  	[smem:$0x3F9F] =	sst lr;
	_ =	strace $0xD0000000  }
0x3: {  	_ = 	snop  }
0x4: {  	_ = 	snop  }
0x5: {  	_ = 	snop  }
0x6: {  	_ = 	snop  }
0x7: {  	_ = 	snop  }
__scs_overlays_trampoline_lowered:
0x8: {  	[smem:$0x3FAE] =	sst s0  }
0x9: {  	[smem:$0x3FAF] =	sst s1  }
0xa: {  	[smem:$0x3FB0] =	sst s2  }
0xb: {  	[smem:$0x3FB1] =	sst s3  }
0xc: {  	[smem:$0x3FB2] =	sst s4  }
0xd: {  	[smem:$0x3FB3] =	sst s5  }
0xe: {  	[smem:$0x3FB4] =	sst s6  }
0xf: {  	[smem:$0x3FB5] =	sst s7  }
0x10: {  	[smem:$0x3FB6] =	sst s8  }
0x11: {  	[smem:$0x3FB7] =	sst s9;
	s0 =	simm.s32 @!p0 $0x0  }
0x12: {  	s1 =	sld [smem:$0x3F9D];
	s0 =	simm.s32 @p0 $0x1  }
0x13: {  	[smem:$0x3FB8] =	sst s0;
	s0 =	simm.s32 @!p1 $0x0  }
0x14: {  	s2 =	sld [smem:$0x3F9C];
	s0 =	simm.s32 @p1 $0x1  }
0x15: {  	[smem:$0x3FB9] =	sst s0;
	s0 =	simm.s32 @!p2 $0x0  }
0x16: {  	s3 =	sld [smem:$0x3FDB];
	s0 =	simm.s32 @p2 $0x1  }
0x17: {  	s4 =	simm.s32 $0x1BF5;
	[smem:$0x3FBB] =	sst s0  }
0x18: {  	s0 =	sld [smem:$0x3F9E];
	_ =	swait.ge [sflag:s4], $0x0  }
0x19: {  	s7 =	sld [smem:$0x3F9F]  }
0x1a: {  	s8 =	sadd.s32 $0xFFFFE003, lr  }
0x1b: {  	s9 =	sadd.s32 $0xFFFFFEF7, lr;
	s5 =	simm.s32 $0xFFFFFFFF;
	p2 =	slt.u32 s8, $0xFFFFF086  }
0x1c: {  	p1 =	slt.u32 s9, $0xF7A;
	s5 =	simm.s32 @!p2 $0x0  }
0x1d: {  	s5 =	simm.s32 @p1 $0x1;
	p0 =	seq.s32 s7, s2  }
0x1e: {  	s7 =	smul.u32 @!p0 $0xF7A, s2;
	p2 =	seq.s32 @!p0 s5, $0x0  }
0x1f: {  	s9 =	smul.u32 $0xF7A, s1;
	s8 =	simm.s32 @!p0 $0x1BF5;
	p2 =	por !p2, p0  }
0x20: {  	[sflag:s8] =	ssyncset.s32 @!p0 $0xFFFFF086;
	s6 =	sadd.s32 @!p0 s3, s7;
	s7 =	simm.s32 @!p0 $0x108  }
0x21: {  	s3 =	sadd.s32 s3, s9;
	s6 =	sadd.s32 @!p0 $0x88, s6;
	s7 =	simm.s32 @p2 $0x1082  }
0x22: {  	[simem:s7], [sflag:s8] =	dma.local @!p0 [hbm:s6], $0xF7A  }
0x23: {  	s9 =	sor.u32 $0xD0000000, s2;
	s6 =	simm.s32 $0x108;
	_ =	swait.ge @!p0 [sflag:s8], $0x0  }
0x24: {  	s3 =	sadd.s32 $0x88, s3;
	s6 =	simm.s32 @!p1 $0x1082;
	[sflag:s4] =	ssyncset.s32 $0xFFFFF086  }
0x25: {  	[simem:s6], [sflag:s4] =	dma.local [hbm:s3], $0xF7A  }
0x26: {  	[smem:$0x3F9F] =	sst s1;
	(tag) =	ssettag s2;
	_ =	strace s9  }
0x27: {  	s1 =	sld [smem:$0x3FAF]  }
0x28: {  	s2 =	sld [smem:$0x3FB0]  }
0x29: {  	s4 =	sld [smem:$0x3FB2]  }
0x2a: {  	p0 =	seq.s32 s5, $0x0;
	s5 =	sld [smem:$0x3FB3]  }
0x2b: {  	s6 =	sld [smem:$0x3FB4]  }
0x2c: {  	s7 =	sld [smem:$0x3FB5]  }
0x2d: {  	s3 =	simm.s32 $0x108;
	s8 =	sld [smem:$0x3FB6]  }
0x2e: {  	s3 =	simm.s32 @!p0 $0x1082;
	s9 =	sld [smem:$0x3FB7]  }
0x2f: {  	lr =	sadd.s32 s0, s3;
	s0 =	sld [smem:$0x3FAE]  }
0x30: {  	s3 =	sld [smem:$0x3FB1]  }
0x31: {  	[smem:$0x3FBA] =	sst s10  }
0x32: {  	s10 =	sld [smem:$0x3FB8];
	_ =	sdelay $0x3  }
0x33: {  	p0 =	seq.s32 s10, $0x1;
	s10 =	sld [smem:$0x3FBA];
	_ =	sdelay $0x3  }
0x34: {  	[smem:$0x3FBA] =	sst s10  }
0x35: {  	s10 =	sld [smem:$0x3FB9];
	_ =	sdelay $0x3  }
0x36: {  	p1 =	seq.s32 s10, $0x1;
	s10 =	sld [smem:$0x3FBA];
	_ =	sdelay $0x3  }
0x37: {  	[smem:$0x3FBA] =	sst s10  }
0x38: {  	s10 =	sld [smem:$0x3FBB]  }
0x39: {  	_ = 	snop;
	(pc) =	sbr.ind lr, $3  }
0x3a: {  	_ = 	snop  }
0x3b: {  	_ = 	snop  }
0x3c: {  	p2 =	seq.s32 s10, $0x1;
	s10 =	sld [smem:$0x3FBA]  }
0x3d: {  	_ =	shalt  }
0x3e: {  	_ =	shalt  }
0x3f: {  	_ =	shalt  }
0x40: {  	_ =	shalt  }
0x41: {  	_ =	shalt  }
0x42: {  	_ =	shalt  }
0x43: {  	_ =	shalt  }
0x44: {  	_ =	shalt  }
0x45: {  	_ =	shalt  }
0x46: {  	_ =	shalt  }
0x47: {  	_ =	shalt  }
0x48: {  	_ =	shalt  }
0x49: {  	_ =	shalt  }
0x4a: {  	_ =	shalt  }
0x4b: {  	_ =	shalt  }
0x4c: {  	_ =	shalt  }
0x4d: {  	_ =	shalt  }
0x4e: {  	_ =	shalt  }
0x4f: {  	_ =	shalt  }
0x50: {  	_ =	shalt  }
0x51: {  	_ =	shalt  }
0x52: {  	_ =	shalt  }
0x53: {  	_ =	shalt  }
0x54: {  	_ =	shalt  }
0x55: {  	_ =	shalt  }
0x56: {  	_ =	shalt  }
0x57: {  	_ =	shalt  }
0x58: {  	_ =	shalt  }
0x59: {  	_ =	shalt  }
0x5a: {  	_ =	shalt  }
0x5b: {  	_ =	shalt  }
0x5c: {  	_ =	shalt  }
0x5d: {  	_ =	shalt  }
0x5e: {  	_ =	shalt  }
0x5f: {  	_ =	shalt  }
0x60: {  	_ =	shalt  }
0x61: {  	_ =	shalt  }
0x62: {  	_ =	shalt  }
0x63: {  	_ =	shalt  }
0x64: {  	_ =	shalt  }
0x65: {  	_ =	shalt  }
0x66: {  	_ =	shalt  }
0x67: {  	_ =	shalt  }
0x68: {  	_ =	shalt  }
0x69: {  	_ =	shalt  }
0x6a: {  	_ =	shalt  }
0x6b: {  	_ =	shalt  }
0x6c: {  	_ =	shalt  }
0x6d: {  	_ =	shalt  }
0x6e: {  	_ =	shalt  }
0x6f: {  	_ =	shalt  }
0x70: {  	_ =	shalt  }
0x71: {  	_ =	shalt  }
0x72: {  	_ =	shalt  }
0x73: {  	_ =	shalt  }
0x74: {  	_ =	shalt  }
0x75: {  	_ =	shalt  }
0x76: {  	_ =	shalt  }
0x77: {  	_ =	shalt  }
0x78: {  	_ =	shalt  }
0x79: {  	_ =	shalt  }
0x7a: {  	_ =	shalt  }
0x7b: {  	_ =	shalt  }
0x7c: {  	_ =	shalt  }
0x7d: {  	_ =	shalt  }
0x7e: {  	_ =	shalt  }
0x7f: {  	_ =	shalt  }
0x80: {  	_ =	shalt  }
0x81: {  	_ =	shalt  }
0x82: {  	_ =	shalt  }
0x83: {  	_ =	shalt  }
0x84: {  	_ =	shalt  }
0x85: {  	_ =	shalt  }
0x86: {  	_ =	shalt  }
0x87: {  	_ =	shalt  }
.Lfunc_end0:
.L_simem_size_0:
called_computation.1_lowered:
.L_overlay_start_0:
0x88: {  	s2 =	sld [smem:$0x3FD9]  }
0x89: {  	s3 =	sld [smem:$0x3FFE];
	_ =	sdelay $0x1  }
0x8a: {  	s1 =	srdreg.scid  }
0x8b: {  	s0 =	sand.u32 $0x1, s1  }
0x8c: {  	s17 =	sshll.u32 s0, $0xA;
	s2 =	sadd.s32 s3, s2  }
0x8d: {  	s2 =	sadd.s32 s2, s17  }
0x8e: {  	[smem:$0x3FC6] =	sst s2  }
0x8f: {  	_ = 	snop  }
0x90: {  	s2 =	sld [smem:$0x3FC9]  }
0x91: {  	s18 =	sld [smem:$0x3FD0];
	(tm) =	ssettm $0x1  }
0x92: {  	s4 =	sld [smem:$0x3FFB];
	_ =	sdelay $0x3  }
0x93: {  	_ =	strace s4  }
0x94: {  	s4 =	sld [smem:$0x3FFC];
	_ =	sdelay $0x3  }
0x95: {  	_ =	strace s4  }
0x96: {  	s4 =	sld [smem:$0x3FFD];
	_ =	sdelay $0x3  }
0x97: {  	_ =	strace s4  }
0x98: {  	_ =	strace $0x8FFFFFFF  }
0x99: {  	s19 =	sld [smem:$0x3FDB];
	_ =	sdelay $0x1  }
0x9a: {  	s5 =	simm.s32 $_scs_section_size  }
0x9b: {  	s6 =	simm.s32 $_size__tile_overlayer_lowered;
	s7 =	simm.s32 $_tile_overlayer_lowered  }
0x9c: {  	s22 =	simm.s32 $0x1BFF;
	s21 =	sshll.u32 s7, $0x1;
	s4 =	sadd.s32 s5, s19  }
0x9d: {  	s8 =	simm.s32 $0x0;
	s20 =	sshll.u32 s6, $0x1;
	s6 =	sadd.s32 s21, s4  }
0x9e: {  	[timem:s8], [sflag:s22] =	dma.local [hbm:s6], s20  }
0x9f: {  	_ =	swait.ge [sflag:s22], s20  }
0xa0: {  	s5 =	ssub.s32 $0x0, s20;
	[sflag:s22] =	ssyncset.done $0x0  }
0xa1: {  	[sflag:s22] =	ssyncadd.s32 s5;
	_ =	sdelay $0x1  }
0xa2: {  	s23 =	simm.s32 $0x1B8B  }
0xa3: {  	_ =	swait.ge [sflag:s23], $0x1  }
0xa4: {  	[sflag:s23] =	ssyncset.done $0x0  }
0xa5: {  	s25 =	simm.s32 $0x1B8E;
	s24 =	sld [smem:$0x3FFE];
	[sflag:s23] =	ssyncadd.s32 $0xFFFFFFFF  }
0xa6: {  	s26 =	simm.s32 $execute0_lowered;
	[smem:$0x3FD2] =	sst s25  }
0xa7: {  	s6 =	sshll.u32 s26, $0x1;
	_ =	strace $0x80000049;
	[dreg:$0x1] =	wrdreg $0xFFFFFFFF  }
0xa8: {  	s28 =	simm.s32 $_size_execute0_lowered;
	s4 =	sadd.s32 s4, s6;
	[dreg:$0x0] =	wrdreg $0x0  }
0xa9: {  	s6 =	sshll.u32 s28, $0x1;
	[dreg:$0x2] =	wrdreg s4  }
0xaa: {  	[dreg:$0x3] =	wrdreg s6  }
0xab: {  	[dreg:$0x4] =	wrdreg $0xC0  }
0xac: {  	_ =	task [dreg:s8], $0x5FFFF  }
0xad: {  	[dreg:$0x1] =	wrdreg $0xFFFFFFFF  }
0xae: {  	[dreg:$0x0] =	wrdreg $0x60  }
0xaf: {  	[dreg:$0x2] =	wrdreg s2  }
0xb0: {  	[dreg:$0x3] =	wrdreg s24  }
0xb1: {  	[dreg:$0x4] =	wrdreg s18  }
0xb2: {  	[dreg:$0x5] =	wrdreg $0x9  }
0xb3: {  	_ =	task.clear_ibuf [dreg:s8], $0x6FFFF;
	_ =	strace $0x90000049  }
0xb4: {  	s29 =	simm.s32 $0x9;
	_ =	strace $0x8000004B  }
0xb5: {  	_ =	swait.ge [sflag:s29], $0x1  }
0xb6: {  	[sflag:s29] =	ssyncadd.s32 $0xFFFFFFFF  }
0xb7: {  	_ =	strace $0x9000004B  }
0xb8: {  	_ =	sfence  }
0xb9: {  	s30 =	sld [smem:$0x0];
	_ =	sdelay $0x2  }
0xba: {  	s31 =	sshll.u32 s1, $0xD;
	s1 =	sshrl.u32 s1, $0x2  }
0xbb: {  	s3 =	sand.u32 $0x4000, s31;
	s1 =	sadd.s32 s1, s30  }
0xbc: {  	s0 =	sor.u32 s3, s0;
	s1 =	sshll.u32 s1, $0x11  }
0xbd: {  	s0 =	sor.u32 s1, s0  }
0xbe: {  	s0 =	sadd.s32 $0x8F2B, s0  }
0xbf: {  	[sflag:s0] =	ssyncadd.remote.s32 $0x1  }
0xc0: {  	_ =	sfence.sel $0xFFFF  }
0xc1: {  	[dreg:$0x0] =	wrdreg $0xFFFFFFFF;
	(pc) =	sbr.abs _section_cstart, $3  }
0xc2: {  	[dreg:$0x1] =	wrdreg $0xFFFFFFFF  }
0xc3: {  	_ =	task.clear_ibuf [dreg:s8], $0x2FFFF;
	_ =	strace $0x9FFFFFFF  }
0xc4: {  	(tm) =	ssettm $0x7FFFFFFF  }
0xc5: {  	_ =	shalt  }
tec
execute0_lowered:
.L_overlay_start_1:
0x0: {  	(tag) =	ssettag $0x1  }
0x1: {  	s1 =	rddreg [dreg:$0x0]  }
0x2: {  	s6 =	rddreg [dreg:$0x1]  }
0x3: {  	s0 =	srdreg.scid;
	s2 =	rddreg [dreg:$0x2]  }
0x4: {  	s4 =	simm.s32 $0x0;
	v0 =	vlaneseq.u32;
	s5 =	stileid.u32;
	s9 =	simm.s32 $0x2  }
0x5: {  	s10 =	simm.s32 $0x80;
	s11 =	simm.s32 $0x200;
	s12 =	simm.s32 $0xA00;
	v2 =	vshrl.u32 v0, $0x3  }
0x6: {  	s13 =	simm.s32 $0x100;
	s14 =	simm.s32 $0x1200;
	s15 =	simm.s32 $0x180;
	v1 =	vmul.u32 $0x10, v0;
	v17 =	vand.u32 $0x7, v0;
	v2 =	vmul.u32 $0x8, v2  }
0x7: {  	s16 =	simm.s32 $0x1A00;
	s17 =	simm.s32 $0x1;
	s3 =	sand.u32 $0x1, s0;
	v3 =	vor.u32 $0x80, v17;
	v4 =	vor.u32 $0x100, v17;
	v5 =	vor.u32 $0x180, v17  }
0x8: {  	s18 =	simm.s32 $0x2200;
	s19 =	simm.s32 $0x1000;
	s7 =	ssub.s32 $0x2, s3;
	v6 =	vor.u32 $0x200, v17;
	v7 =	vor.u32 $0x280, v17;
	v8 =	vor.u32 $0x300, v17  }
0x9: {  	s20 =	simm.s32 $0x20000;
	s0 =	rddreg [dreg:$0x3];
	v9 =	vor.u32 $0x380, v17;
	v10 =	vor.u32 $0x1000, v17;
	v11 =	vor.u32 $0x1080, v17;
	s8 =	sshrl.u32 s7, $0x1  }
0xa: {  	[smem:$0x7FF] =	sst s4;
	s6 =	sadd.s32 $0x800, s6;
	v12 =	vor.u32 $0x1100, v17;
	v13 =	vor.u32 $0x1180, v17;
	v14 =	vor.u32 $0x1200, v17;
	s8 =	ssub.s32 s7, s8  }
0xb: {  	_ =	strace $0x8000004A;
	v15 =	vor.u32 $0x1280, v17;
	v16 =	vor.u32 $0x1300, v17;
	v17 =	vor.u32 $0x1380, v17;
	s7 =	sshll.u32 s5, $0x1;
	s8 =	smax.u32 s8, $0x1  }
.LBB2_1:
0xc: {  	s21 =	simm.s32 $0x0  }
.LBB2_2:
0xd: {  	s22 =	sshll.u32 s21, $0x5  }
0xe: {  	s22 =	sor.u32 s7, s22  }
0xf: {  	s24 =	sor.u32 s3, s22  }
0x10: {  	s23 =	smulhi.u32 $0x4EC4EC4F, s24;
	_ =	sdelay $0x1  }
0x11: {  	s22 =	smulhi.u32 $0x4EC4EC4F, s22;
	s23 =	sshrl.u32 s23, $0x3  }
0x12: {  	s25 =	smul.u32 $0x1A, s23  }
0x13: {  	s23 =	sshrl.u32 s22, $0x3  }
0x14: {  	s28 =	sshll.u32 s23, $0x6;
	s22 =	ssub.s32 s24, s25  }
0x15: {  	s24 =	sadd.s32 s1, s28;
	s25 =	sshll.u32 s22, $0xB  }
0x16: {  	s25 =	sadd.s32 s25, s24;
	s24 =	simm.s32 $0x0  }
0x17: {  	[tilespmem:s24], [sflag:$0x2] =	stream.linear.gather [hbm4b:s25+s24], $0x200, $0x38;
	[tilespmem:$0x4200] =	vst v63  }
0x18: {  	s29 =	smul.u32 $0x30D80, s22;
	_ =	swait.ge [sflag:s9], $0x200  }
0x19: {  	[sflag:s9] =	ssyncset.done $0x0  }
0x1a: {  	s25 =	sadd.s32 s6, s29;
	[sflag:s9] =	ssyncadd.s32 $0xFFFFFE00  }
0x1b: {  	[tilespmem:s11], [sflag:$0x1] =	stream.indirect.gather [hbm4b:s25+s10], $0x10, s24, s10, $0xb8;
	[tilespmem:$0x4200] =	vst v63  }
0x1c: {  	_ = 	snop  }
0x1d: {  	[tilespmem:s12], [sflag:$0x1] =	stream.indirect.gather [hbm4b:s25+s10], $0x10, s10, s10, $0xb8;
	[tilespmem:$0x4200] =	vst v63  }
0x1e: {  	_ = 	snop  }
0x1f: {  	[tilespmem:s14], [sflag:$0x1] =	stream.indirect.gather [hbm4b:s25+s10], $0x10, s13, s10, $0xb8;
	[tilespmem:$0x4200] =	vst v63  }
0x20: {  	_ = 	snop  }
0x21: {  	[tilespmem:s16], [sflag:$0x1] =	stream.indirect.gather [hbm4b:s25+s10], $0x10, s15, s10, $0xb8;
	[tilespmem:$0x4200] =	vst v63  }
0x22: {  	_ =	swait.ge [sflag:s17], $0x800  }
0x23: {  	[sflag:s17] =	ssyncset.done $0x0  }
0x24: {  	[sflag:s17] =	ssyncadd.s32 $0xFFFFF800  }
0x25: {  	_ =	swait.ge [sflag:s17], $0x800  }
0x26: {  	[sflag:s17] =	ssyncset.done $0x0  }
0x27: {  	v18 =	vmov s24;
	[sflag:s17] =	ssyncadd.s32 $0xFFFFF800  }
0x28: {  	v18 =	vshll.u32 v18, $0x4;
	_ =	swait.ge [sflag:s17], $0x800  }
0x29: {  	v23 =	vor.u32 v1, v18;
	[sflag:s17] =	ssyncset.done $0x0  }
0x2a: {  	v18 =	vor.u32 $0x2, v23;
	[sflag:s17] =	ssyncadd.s32 $0xFFFFF800  }
0x2b: {  	v19 =	vor.u32 $0x5, v23;
	_ =	swait.ge [sflag:s17], $0x800  }
0x2c: {  	v20 =	vor.u32 $0x9, v23;
	[sflag:s17] =	ssyncset.done $0x0  }
0x2d: {  	v21 =	vor.u32 $0xF, v23;
	[sflag:s17] =	ssyncadd.s32 $0xFFFFF800  }
0x2e: {  	v24 =	vor.u32 $0x7, v23;
	v33 =	vld.idx.msk [tilespmem:v23+s11+$0x0], $0xffff  }
0x2f: {  	v25 =	vor.u32 $0xC, v23;
	v34 =	vld.idx.msk [tilespmem:v18+s11+$0x0], $0xffff  }
0x30: {  	v26 =	vor.u32 $0x4, v23;
	v22 =	vld.idx.msk [tilespmem:v19+s11+$0x0], $0xffff  }
0x31: {  	v27 =	vor.u32 $0xA, v23;
	v20 =	vld.idx.msk [tilespmem:v20+s11+$0x0], $0xffff  }
0x32: {  	v30 =	vor.u32 $0x8, v23;
	v18 =	vld.idx.msk [tilespmem:v21+s11+$0x0], $0xffff  }
0x33: {  	s26 =	simm.s32 $0x0;
	s30 =	sand.u32 $0x70, s24;
	v29 =	vor.u32 $0xE, v23;
	v24 =	vld.idx.msk [tilespmem:v24+s11+$0x0], $0xffff  }
0x34: {  	s31 =	sand.u32 $0xFFFFFC00, s26;
	v32 =	vor.u32 $0x1, v23;
	v19 =	vld.idx.msk [tilespmem:v25+s11+$0x0], $0xffff;
	v21 =	vmov s30  }
0x35: {  	v35 =	vor.u32 $0x3, v23;
	v28 =	vld.idx.msk [tilespmem:v26+s11+$0x0], $0xffff;
	v26 =	vor.u32 s31, v21  }
0x36: {  	v31 =	vor.u32 $0xD, v23;
	v25 =	vld.idx.msk [tilespmem:v27+s11+$0x0], $0xffff;
	v26 =	vbroadcast v26, $0x0  }
0x37: {  	v36 =	vor.u32 $0x6, v23;
	v27 =	vld.idx.msk [tilespmem:v30+s11+$0x0], $0xffff  }
0x38: {  	v21 =	vld.idx.msk [tilespmem:v29+s11+$0x0], $0xffff;
	v29 =	vor.u32 $0xB, v23;
	v37 =	vor.u32 v0, v26;
	v26 =	vor.u32 v2, v26  }
0x39: {  	v39 =	vld.idx.msk [tilespmem:v32+s11+$0x0], $0xffff;
	v40 =	vor.u32 v3, v26  }
0x3a: {  	v32 =	vld.idx.msk [tilespmem:v35+s11+$0x0], $0xffff;
	v41 =	vor.u32 v4, v26  }
0x3b: {  	v23 =	vld.idx.msk [tilespmem:v31+s11+$0x0], $0xffff  }
0x3c: {  	v31 =	vld.idx.msk [tilespmem:v36+s11+$0x0], $0xffff;
	v38 =	vor.u32 v5, v26  }
0x3d: {  	v30 =	vor.u32 v11, v26;
	v36 =	vor.u32 v6, v26;
	v29 =	vld.idx.msk [tilespmem:v29+s11+$0x0], $0xffff;
	[tilespmem:v37+s18+$0x0] =	vst.idx.msk $0xffff, v33  }
0x3e: {  	v35 =	vor.u32 v9, v26;
	v37 =	vor.u32 v7, v26;
	[tilespmem:v40+s18+$0x0] =	vst.idx.msk $0xffff, v39  }
0x3f: {  	s25 =	simm.s32 $0x1;
	v33 =	vor.u32 v8, v26;
	[tilespmem:v41+s18+$0x0] =	vst.idx.msk $0xffff, v34;
	v34 =	vor.u32 v10, v26  }
.LBB2_3:
0x40: {  	p0 =	sne.s32 s25, $0x1F  }
0x41: {  	[tilespmem:v38+s18+$0x0] =	vst.idx.msk $0xffff, v32;
	s24 =	sadd.s32 $0x10, s24;
	s26 =	smov.u32 s25;
	s25 =	sadd.s32 $0x1, s25  }
0x42: {  	[tilespmem:v36+s18+$0x0] =	vst.idx.msk $0xffff, v28;
	v28 =	vor.u32 v12, v26  }
0x43: {  	[tilespmem:v37+s18+$0x0] =	vst.idx.msk $0xffff, v22;
	v22 =	vor.u32 v13, v26  }
0x44: {  	[tilespmem:v33+s18+$0x0] =	vst.idx.msk $0xffff, v31;
	v31 =	vor.u32 v14, v26  }
0x45: {  	[tilespmem:v35+s18+$0x0] =	vst.idx.msk $0xffff, v24;
	v24 =	vor.u32 v15, v26  }
0x46: {  	v32 =	vmov s24;
	[tilespmem:v34+s18+$0x0] =	vst.idx.msk $0xffff, v27;
	v27 =	vor.u32 v16, v26  }
0x47: {  	v32 =	vshll.u32 v32, $0x4;
	[tilespmem:v30+s18+$0x0] =	vst.idx.msk $0xffff, v20;
	v20 =	vor.u32 v17, v26  }
0x48: {  	v26 =	vor.u32 v1, v32;
	[tilespmem:v28+s18+$0x0] =	vst.idx.msk $0xffff, v25  }
0x49: {  	v30 =	vor.u32 $0x1, v26;
	v25 =	vor.u32 $0x2, v26;
	v32 =	vor.u32 $0x3, v26;
	[tilespmem:v22+s18+$0x0] =	vst.idx.msk $0xffff, v29  }
0x4a: {  	v28 =	vor.u32 $0x4, v26;
	v22 =	vor.u32 $0x5, v26;
	v29 =	vor.u32 $0x6, v26;
	[tilespmem:v31+s18+$0x0] =	vst.idx.msk $0xffff, v19  }
0x4b: {  	v33 =	vor.u32 $0xA, v26;
	v31 =	vor.u32 $0x8, v26;
	v19 =	vor.u32 $0x9, v26;
	[tilespmem:v24+s18+$0x0] =	vst.idx.msk $0xffff, v23  }
0x4c: {  	v34 =	vor.u32 $0xB, v26;
	v35 =	vor.u32 $0xC, v26;
	v23 =	vor.u32 $0x7, v26;
	[tilespmem:v27+s18+$0x0] =	vst.idx.msk $0xffff, v21  }
0x4d: {  	v36 =	vor.u32 $0xD, v26;
	v24 =	vor.u32 $0xF, v26;
	v21 =	vor.u32 $0xE, v26;
	[tilespmem:v20+s18+$0x0] =	vst.idx.msk $0xffff, v18  }
0x4e: {  	v37 =	vld.idx.msk [tilespmem:v26+s11+$0x0], $0xffff  }
0x4f: {  	v39 =	vld.idx.msk [tilespmem:v25+s11+$0x0], $0xffff  }
0x50: {  	v22 =	vld.idx.msk [tilespmem:v22+s11+$0x0], $0xffff  }
0x51: {  	v20 =	vld.idx.msk [tilespmem:v19+s11+$0x0], $0xffff  }
0x52: {  	v18 =	vld.idx.msk [tilespmem:v24+s11+$0x0], $0xffff  }
0x53: {  	v24 =	vld.idx.msk [tilespmem:v23+s11+$0x0], $0xffff  }
0x54: {  	s28 =	sand.u32 $0x70, s24;
	s26 =	sshll.u32 s26, $0x7;
	v19 =	vld.idx.msk [tilespmem:v35+s11+$0x0], $0xffff  }
0x55: {  	s26 =	sand.u32 $0xFFFFFC00, s26;
	v23 =	vmov s28;
	v28 =	vld.idx.msk [tilespmem:v28+s11+$0x0], $0xffff  }
0x56: {  	v23 =	vor.u32 s26, v23;
	v25 =	vld.idx.msk [tilespmem:v33+s11+$0x0], $0xffff  }
0x57: {  	v26 =	vbroadcast v23, $0x0;
	v21 =	vld.idx.msk [tilespmem:v21+s11+$0x0], $0xffff  }
0x58: {  	v27 =	vld.idx.msk [tilespmem:v31+s11+$0x0], $0xffff  }
0x59: {  	v33 =	vor.u32 v0, v26;
	v26 =	vor.u32 v2, v26;
	v23 =	vld.idx.msk [tilespmem:v36+s11+$0x0], $0xffff  }
0x5a: {  	v40 =	vor.u32 v3, v26;
	v35 =	vld.idx.msk [tilespmem:v30+s11+$0x0], $0xffff;
	v30 =	vor.u32 v11, v26  }
0x5b: {  	v41 =	vor.u32 v4, v26;
	v32 =	vld.idx.msk [tilespmem:v32+s11+$0x0], $0xffff  }
0x5c: {  	v38 =	vor.u32 v5, v26;
	v31 =	vld.idx.msk [tilespmem:v29+s11+$0x0], $0xffff  }
.Ltmp0:
0x5d: {  	v36 =	vor.u32 v6, v26;
	v29 =	vld.idx.msk [tilespmem:v34+s11+$0x0], $0xffff;
	(pc) =	sbr.rel @p0 .LBB2_3-.Ltmp0, $4  }
0x5e: {  	[tilespmem:v33+s18+$0x0] =	vst.idx.msk $0xffff, v37;
	v37 =	vor.u32 v7, v26  }
0x5f: {  	v33 =	vor.u32 v8, v26  }
0x60: {  	[tilespmem:v40+s18+$0x0] =	vst.idx.msk $0xffff, v35;
	v35 =	vor.u32 v9, v26  }
0x61: {  	v34 =	vor.u32 v10, v26;
	[tilespmem:v41+s18+$0x0] =	vst.idx.msk $0xffff, v39  }
0x62: {  	_ =	sdelay $0x3  }
0x63: {  	[tilespmem:v38+s18+$0x0] =	vst.idx.msk $0xffff, v32  }
0x64: {  	[tilespmem:v36+s18+$0x0] =	vst.idx.msk $0xffff, v28  }
0x65: {  	v58 =	vor.u32 v12, v26;
	[tilespmem:v37+s18+$0x0] =	vst.idx.msk $0xffff, v22  }
0x66: {  	v59 =	vor.u32 v13, v26;
	[tilespmem:v33+s18+$0x0] =	vst.idx.msk $0xffff, v31  }
0x67: {  	v60 =	vor.u32 v14, v26;
	[tilespmem:v35+s18+$0x0] =	vst.idx.msk $0xffff, v24  }
0x68: {  	v61 =	vor.u32 v15, v26;
	[tilespmem:v34+s18+$0x0] =	vst.idx.msk $0xffff, v27  }
0x69: {  	v62 =	vor.u32 v16, v26;
	[tilespmem:v30+s18+$0x0] =	vst.idx.msk $0xffff, v20  }
0x6a: {  	v63 =	vor.u32 v17, v26;
	[tilespmem:v58+s18+$0x0] =	vst.idx.msk $0xffff, v25  }
0x6b: {  	[tilespmem:v59+s18+$0x0] =	vst.idx.msk $0xffff, v29  }
0x6c: {  	[tilespmem:v60+s18+$0x0] =	vst.idx.msk $0xffff, v19  }
0x6d: {  	s23 =	sshll.u32 s23, $0x9;
	s21 =	sadd.s32 $0x1, s21;
	[tilespmem:v61+s18+$0x0] =	vst.idx.msk $0xffff, v23  }
0x6e: {  	s22 =	sshll.u32 s22, $0xF;
	s23 =	sadd.s32 s2, s23;
	p0 =	sne.s32 s21, $0x1A;
	[tilespmem:v62+s18+$0x0] =	vst.idx.msk $0xffff, v21  }
.Ltmp1:
0x6f: {  	s22 =	sadd.s32 s22, s23;
	[tilespmem:v63+s18+$0x0] =	vst.idx.msk $0xffff, v18;
	(pc) =	sbr.rel @p0 .LBB2_2-.Ltmp1, $4  }
0x70: {  	[hbm4b:s22+s19] =	stream.strided.scatter [tilespmem:s18], [sflag:$0x2], $0x2000, s20, s19, $0x38;
	[tilespmem:$0x4200] =	vst v63  }
0x71: {  	_ =	swait.ge [sflag:s9], $0x2000  }
0x72: {  	[sflag:s9] =	ssyncset.done $0x0  }
0x73: {  	[sflag:s9] =	ssyncadd.s32 $0xFFFFE000  }
0x74: {  	s4 =	sadd.s32 $0x1, s4  }
0x75: {  	p0 =	sne.s32 s4, s8  }
.Ltmp2:
0x76: {  	_ = 	snop;
	(pc) =	sbr.rel @p0 .LBB2_1-.Ltmp2, $1  }
0x77: {  	_ =	sdelay $0x3  }
0x78: {  	_ =	sfence.sel $0x180000  }
0x79: {  	[bflag:$0x0] =	sbarrier.arrive $0xFFFF  }
0x7a: {  	p0 =	sne.s32 s5, $0x0;
	_ =	strace $0x9000004A  }
0x7b: {  	s0 =	sadd.s32 @!p0 $0x100000, s0;
	[bflag:$0x2] =	sbarrier.arrive $0xFFFF  }
0x7c: {  	[sflag:s0] =	ssyncadd.tile.s32 @!p0 $0x1;
	_ =	shalt  }
.Lfunc_end2:
_tile_overlayer_lowered:
.L_overlay_start_2:
0x7d: {  	(tag) =	ssettag $0x2  }
0x7e: {  	s0 =	rddreg [dreg:$0x0];
	s2 =	stileid.u32  }
0x7f: {  	s1 =	rddreg [dreg:$0x1];
	p0 =	sne.s32 s2, $0x0  }
0x80: {  	s3 =	rddreg [dreg:$0x2];
	[bflag:$0x3] =	sbarrier.arrive $0xFFFF;
	s2 =	simm.s32 @!p0 $0x1C02  }
0x81: {  	[timem:s3], [sflag:s2] =	dma.local @!p0 [hbm:s0], s1  }
0x82: {  	s0 =	simm.s32 @!p0 $0x2  }
0x83: {  	_ =	swait.ge @!p0 [sflag:s0], s1  }
0x84: {  	s1 =	ssub.s32 @!p0 $0x0, s1;
	[sflag:s0] =	ssyncset.done @!p0 $0x0  }
0x85: {  	[sflag:s0] =	ssyncadd.s32 @!p0 s1  }
0x86: {  	[bflag:$0x3] =	sbarrier.arrive $0xFFFF  }
0x87: {  	_ =	shalt  }

</sc_bundles>
